<compile_context>
chip_gen: v7x
topology: tpu7x:2x2x1
jax: 0.10.2.dev20260603
libtpu: 0.0.44.dev20260713+nightly
codegen_flags: <defaults>
</compile_context>

<pallas_src>
import functools

import jax
import jax.numpy as jnp
from jax import lax
from jax.experimental import pallas as pl
from jax.experimental.pallas import tpu as pltpu
from jax.experimental.pallas import tpu_sc as plsc

N_NODES = 10000
N_EDGES = 320000
CH = 128
POS_DIM = 16

NW = 32
CHUNK = 128
EROWS = N_EDGES // CHUNK
BASE_CHUNKS = EROWS // NW
EXTRA_WORKERS = EROWS - NW * BASE_CHUNKS
GCHUNKS = 40
N_PAD = 10240
ROWS_PER_TILE = N_PAD // 16

_mesh = plsc.VectorSubcoreMesh(core_axis_name="c", subcore_axis_name="s")


@functools.partial(
    pl.kernel,
    out_type=jax.ShapeDtypeStruct((2, N_PAD), jnp.float32),
    mesh=_mesh,
    scratch_types=[
        pltpu.VMEM((88, 128), jnp.int32),
        pltpu.VMEM((128,), jnp.float32),
        pltpu.VMEM((ROWS_PER_TILE,), jnp.float32),
        pltpu.VMEM_SHARED((N_PAD,), jnp.float32),
        pltpu.SemaphoreType.DMA,
    ],
)
def _sc_degree(edges_hbm, deg_out, idx_v, ones_v, stage_v, shared_deg, sem_d):
    c = lax.axis_index("c")
    s = lax.axis_index("s")
    wid = c * 16 + s
    t = jnp.where(wid < EXTRA_WORKERS, BASE_CHUNKS + 1, BASE_CHUNKS)
    base = BASE_CHUNKS * wid + jnp.minimum(wid, EXTRA_WORKERS)
    off_al = (base // 8) * 8
    start = base - off_al

    for i in range(128 // 16):
        ones_v[pl.ds(i * 16, 16)] = jnp.ones((16,), jnp.float32)
    for i in range(ROWS_PER_TILE // 16):
        stage_v[pl.ds(i * 16, 16)] = jnp.zeros((16,), jnp.float32)
    pltpu.sync_copy(stage_v, shared_deg.at[pl.ds(s * ROWS_PER_TILE, ROWS_PER_TILE)])
    pltpu.sync_copy(edges_hbm.at[1].at[pl.ds(off_al, 88)], idx_v)
    plsc.subcore_barrier()

    pltpu.async_copy(ones_v, shared_deg.at[idx_v.at[start]], sem_d, add=True)

    def body(j, carry):
        pltpu.async_copy(ones_v, shared_deg.at[idx_v.at[j]], sem_d, add=True)
        pltpu.make_async_copy(ones_v, shared_deg.at[idx_v.at[j - 1]],
                              sem_d).wait()
        return carry

    lax.fori_loop(start + 1, start + t, body, 0)
    pltpu.make_async_copy(ones_v, shared_deg.at[idx_v.at[start + t - 1]],
                          sem_d).wait()
    plsc.subcore_barrier()

    pltpu.sync_copy(shared_deg.at[pl.ds(s * ROWS_PER_TILE, ROWS_PER_TILE)], stage_v)
    pltpu.sync_copy(stage_v, deg_out.at[c].at[pl.ds(s * ROWS_PER_TILE, ROWS_PER_TILE)])


@functools.partial(
    pl.kernel,
    out_type=jax.ShapeDtypeStruct((2, N_PAD, CH), jnp.float32),
    mesh=_mesh,
    scratch_types=[
        pltpu.VMEM((48, CHUNK), jnp.int32),
        pltpu.VMEM((48, CHUNK), jnp.int32),
        pltpu.VMEM((CHUNK, CH), jnp.float32),
        pltpu.VMEM((CHUNK, CH), jnp.float32),
        pltpu.VMEM_SHARED((N_PAD, CH), jnp.float32),
        pltpu.SemaphoreType.DMA,
        pltpu.SemaphoreType.DMA,
    ],
)
def _sc_aggregate(g_hbm, edges_hbm, zeros_hbm, acc_out,
                  src_v, dst_v, rows_a, rows_b, shared_acc, sem_a, sem_b):
    c = lax.axis_index("c")
    s = lax.axis_index("s")
    wid = c * 16 + s

    pltpu.sync_copy(zeros_hbm, rows_a)
    for m in range(ROWS_PER_TILE // CHUNK):
        pltpu.sync_copy(rows_a,
                        shared_acc.at[pl.ds(s * ROWS_PER_TILE + m * CHUNK, CHUNK)])
    plsc.subcore_barrier()

    t = jnp.where(wid < EXTRA_WORKERS, BASE_CHUNKS + 1, BASE_CHUNKS)
    base = BASE_CHUNKS * wid + jnp.minimum(wid, EXTRA_WORKERS)
    for grp in range(2):
        lo = base if grp == 0 else base + GCHUNKS
        hi = base + GCHUNKS if grp == 0 else base + t
        off_al = (lo // 8) * 8
        start = lo - off_al
        end = hi - off_al
        pltpu.sync_copy(edges_hbm.at[0].at[pl.ds(off_al, 48)], src_v)
        pltpu.sync_copy(edges_hbm.at[1].at[pl.ds(off_al, 48)], dst_v)
        pltpu.async_copy(g_hbm.at[src_v.at[start]], rows_a, sem_a)

        def body(j, carry):
            k = j - start

            @pl.when(k % 2 == 0)
            def _():
                @pl.when(j + 1 < end)
                def _():
                    pltpu.async_copy(g_hbm.at[src_v.at[j + 1]], rows_b, sem_b)
                pltpu.make_async_copy(g_hbm.at[src_v.at[j]], rows_a, sem_a).wait()
                pltpu.sync_copy(rows_a, shared_acc.at[dst_v.at[j]], add=True)

            @pl.when(k % 2 == 1)
            def _():
                @pl.when(j + 1 < end)
                def _():
                    pltpu.async_copy(g_hbm.at[src_v.at[j + 1]], rows_a, sem_a)
                pltpu.make_async_copy(g_hbm.at[src_v.at[j]], rows_b, sem_b).wait()
                pltpu.sync_copy(rows_b, shared_acc.at[dst_v.at[j]], add=True)

            return carry

        lax.fori_loop(start, end, body, 0)
    plsc.subcore_barrier()

    out_sls = [pl.ds(s * ROWS_PER_TILE + m * CHUNK, CHUNK)
               for m in range(ROWS_PER_TILE // CHUNK)]
    bufs = [rows_a, rows_b]
    sems = [sem_a, sem_b]
    for m, sl in enumerate(out_sls):
        buf, sem = bufs[m % 2], sems[m % 2]
        if m >= 2:
            pltpu.make_async_copy(buf, acc_out.at[c].at[out_sls[m - 2]], sem).wait()
        pltpu.sync_copy(shared_acc.at[sl], buf)
        pltpu.async_copy(buf, acc_out.at[c].at[sl], sem)
    for m in (len(out_sls) - 2, len(out_sls) - 1):
        pltpu.make_async_copy(bufs[m % 2], acc_out.at[c].at[out_sls[m]],
                              sems[m % 2]).wait()


def _tc_matmul(x, W):
    def body(x_ref, w_ref, h_ref):
        h_ref[...] = jnp.dot(x_ref[...], w_ref[...],
                             preferred_element_type=jnp.float32)

    return pl.pallas_call(
        body,
        out_shape=jax.ShapeDtypeStruct((N_NODES, CH), jnp.float32),
    )(x, W)


def _tc_scale(h, deg2, pos8, W_big, b_row, b_pos_row):
    def body(h_ref, deg_ref, pos_ref, wp_ref, b_ref, bp_ref, g_ref, rest_ref):
        deg = deg_ref[0] + deg_ref[1]
        dinv = lax.rsqrt(deg + 1.0)
        dcol = dinv.reshape(N_PAD, 1)[0:N_NODES]
        dfull = jnp.broadcast_to(dcol, (N_NODES, CH))
        g = h_ref[...] * dfull
        pos_lin = jnp.dot(pos_ref[...], wp_ref[...],
                          preferred_element_type=jnp.float32)
        g_ref[...] = g
        rest_ref[...] = (g * dfull + pos_lin.reshape(N_NODES, CH)
                         + b_ref[...] + bp_ref[...])

    return pl.pallas_call(
        body,
        out_shape=(
            jax.ShapeDtypeStruct((N_NODES, CH), jnp.float32),
            jax.ShapeDtypeStruct((N_NODES, CH), jnp.float32),
        ),
    )(h, deg2, pos8, W_big, b_row, b_pos_row)


def _tc_combine(acc2, rest, deg2):
    def body(acc_ref, rest_ref, deg_ref, out_ref):
        deg = deg_ref[0] + deg_ref[1]
        dinv = lax.rsqrt(deg + 1.0)
        dcol = dinv.reshape(N_PAD, 1)[0:N_NODES]
        dfull = jnp.broadcast_to(dcol, (N_NODES, CH))
        acc = acc_ref[0, 0:N_NODES] + acc_ref[1, 0:N_NODES]
        out_ref[...] = dfull * acc + rest_ref[...]

    return pl.pallas_call(
        body,
        out_shape=jax.ShapeDtypeStruct((N_NODES, CH), jnp.float32),
    )(acc2, rest, deg2)


def kernel(x, edge_index, pos_encoding, W, b, W_pos, b_pos):
    e3d = jnp.pad(edge_index.astype(jnp.int32).reshape(2, EROWS, CHUNK),
                  ((0, 0), (0, 4), (0, 0)))

    eye8 = jnp.eye(8, dtype=W_pos.dtype)
    W_big = (eye8[:, None, :, None] * W_pos[None, :, None, :]).reshape(
        8 * POS_DIM, 8 * CH)

    h = _tc_matmul(x, W)
    deg2 = _sc_degree(e3d)
    g, rest = _tc_scale(h, deg2, pos_encoding.reshape(N_NODES // 8, 8 * POS_DIM),
                        W_big, b.reshape(1, CH), b_pos.reshape(1, CH))

    acc2 = _sc_aggregate(g, e3d, jnp.zeros((CHUNK, CH), jnp.float32))

    return _tc_combine(acc2, rest, deg2)

# --- scband reference (transcript-rebuilt; emitter-appended) ---
"""Pipeline reference for scband-gpslayer-14955076124866 (READ-ONLY COPY).

The authoritative reference and input builder live on the scoring server;
editing this copy changes nothing except your own understanding.
"""

import jax, jax.numpy as jnp
import numpy as np

N_NODES = 10000
N_EDGES = 320000
IN_CH = 128
OUT_CH = 128
POS_DIM = 16


def setup_inputs(seed: int = 0) -> dict:
    key = jax.random.key(seed)
    k1, k2, k3, k4, k5, k6, k7 = jax.random.split(key, 7)
    x = jax.random.normal(k1, (N_NODES, IN_CH), dtype=jnp.float32)
    edge_index = jax.random.randint(k2, (2, N_EDGES), 0, N_NODES, dtype=jnp.int64)
    pos_encoding = jax.random.normal(k3, (N_NODES, POS_DIM), dtype=jnp.float32)
    # GCNConv weight + bias (PyG-style: x @ W then normalized aggregation + bias)
    W = jax.random.normal(k4, (IN_CH, OUT_CH), dtype=jnp.float32) * (1.0 / np.sqrt(IN_CH))
    b = jnp.zeros((OUT_CH,), dtype=jnp.float32)
    # positional encoding Linear(pos_dim, out_channels)
    W_pos = jax.random.normal(k5, (POS_DIM, OUT_CH), dtype=jnp.float32) * (1.0 / np.sqrt(POS_DIM))
    b_pos = jax.random.normal(k6, (OUT_CH,), dtype=jnp.float32) * 0.01
    return {"x": x, "edge_index": edge_index, "pos_encoding": pos_encoding,
            "W": W, "b": b, "W_pos": W_pos, "b_pos": b_pos}


def reference(x, edge_index, pos_encoding, W, b, W_pos, b_pos):
    N = x.shape[0]
    src = edge_index[0]
    dst = edge_index[1]
    # add self loops (GCNConv default)
    loop = jnp.arange(N, dtype=edge_index.dtype)
    src = jnp.concatenate([src, loop])
    dst = jnp.concatenate([dst, loop])
    # symmetric normalization: deg^{-1/2}[src] * deg^{-1/2}[dst]
    deg = jnp.zeros((N,), dtype=x.dtype).at[dst].add(1.0)
    dinv = jnp.where(deg > 0, jax.lax.rsqrt(deg), 0.0)
    norm = dinv[src] * dinv[dst]
    # linear transform then message passing (gather + scatter-add)
    h = x @ W
    msg = h[src] * norm[:, None]
    out = jax.ops.segment_sum(msg, dst, num_segments=N) + b
    # positional encoding branch
    out = out + (pos_encoding @ W_pos + b_pos)
    return out

if __name__ == "__main__":
    import jax
    _d = setup_inputs()
    print(jax.jit(kernel)(*tuple(_d.values())))

</pallas_src>

<mosaic_0001>
#map = affine_map<(d0, d1) -> (0, 0, 0)>
#map1 = affine_map<(d0, d1) -> (0, 0)>
module attributes {stable_mosaic.version = 14 : i64} {
  func.func @_sc_degree(%arg0: i32, %arg1: i32, %arg2: memref<2x2504x128xi32, #tpu.memory_space<hbm>>, %arg3: memref<2x10240xf32, #tpu.memory_space<hbm>>, %arg4: memref<88x128xi32, #tpu.memory_space<vmem>>, %arg5: memref<128xf32, #tpu.memory_space<vmem>>, %arg6: memref<640xf32, #tpu.memory_space<vmem>>, %arg7: memref<10240xf32, #tpu.memory_space<vmem_shared>>, %arg8: memref<!tpu.dma_semaphore, #tpu.memory_space<semaphore_mem>>) attributes {dimension_semantics = [#tpu.dimension_semantics<core_parallel>, #tpu.dimension_semantics<subcore_parallel>], iteration_bounds = array<i64: 2, 16>, scalar_prefetch = 0 : i64, scratch_operands = 5 : i64, tpu.core_type = #tpu.core_type<sc_vector_subcore>, window_params = [{transform_indices = #map}, {transform_indices = #map1}]} {
    %mul3A = arith.constant 16 : i32
    %mul3A_0 = arith.muli %arg0, %mul3A : i32
    %add3A = arith.addi %mul3A_0, %arg1 : i32
    %lt3A = arith.constant 4 : i32
    %lt3A_1 = arith.cmpi slt, %add3A, %lt3A : i32
    %jit3A = arith.constant 79 : i32
    %jit3A_2 = arith.constant 78 : i32
    %select_n3A = arith.select %lt3A_1, %jit3A, %jit3A_2 : i32
    %mul3A_3 = arith.constant 78 : i32
    %mul3A_4 = arith.muli %mul3A_3, %add3A : i32
    %min3A = arith.constant 4 : i32
    %min3A_5 = arith.minsi %add3A, %min3A : i32
    %add3A_6 = arith.addi %mul3A_4, %min3A_5 : i32
    %jit3A_7 = arith.constant 8 : i32
    %div3A = arith.divsi %add3A_6, %jit3A_7 : i32
    %sign3A = arith.constant 0 : i32
    %sign3A_8 = arith.cmpi sgt, %add3A_6, %sign3A : i32
    %sign3A_9 = arith.extui %sign3A_8 : i1 to i32
    %sign3A_10 = arith.constant 0 : i32
    %sign3A_11 = arith.cmpi slt, %add3A_6, %sign3A_10 : i32
    %sign3A_12 = arith.extui %sign3A_11 : i1 to i32
    %sign3A_13 = arith.subi %sign3A_9, %sign3A_12 : i32
    %sign3A_14 = arith.constant 0 : i32
    %sign3A_15 = arith.cmpi sgt, %jit3A_7, %sign3A_14 : i32
    %sign3A_16 = arith.extui %sign3A_15 : i1 to i32
    %sign3A_17 = arith.constant 0 : i32
    %sign3A_18 = arith.cmpi slt, %jit3A_7, %sign3A_17 : i32
    %sign3A_19 = arith.extui %sign3A_18 : i1 to i32
    %sign3A_20 = arith.subi %sign3A_16, %sign3A_19 : i32
    %ne3A = arith.cmpi ne, %sign3A_13, %sign3A_20 : i32
    %rem3A = arith.remsi %add3A_6, %jit3A_7 : i32
    %ne3A_21 = arith.constant 0 : i32
    %ne3A_22 = arith.cmpi ne, %rem3A, %ne3A_21 : i32
    %and3A = arith.andi %ne3A, %ne3A_22 : i1
    %sub3A = arith.constant 1 : i32
    %sub3A_23 = arith.subi %div3A, %sub3A : i32
    %select_n3A_24 = arith.select %and3A, %sub3A_23, %div3A : i32
    %mul3A_25 = arith.constant 8 : i32
    %mul3A_26 = arith.muli %select_n3A_24, %mul3A_25 : i32
    %sub3A_27 = arith.subi %add3A_6, %mul3A_26 : i32
    %broadcast_in_dim3A = arith.constant 1.000000e+00 : f32
    %broadcast_in_dim3A_28 = vector.broadcast %broadcast_in_dim3A : f32 to vector<16xf32>
    %swap3A = arith.constant 0 : index
    %swap3A_29 = tpu.vector_load %arg5[%swap3A] {strides = array<i32>} : memref<128xf32, #tpu.memory_space<vmem>>, vector<16xf32>,
    %swap3A_30 = vector.shape_cast %swap3A_29 : vector<16xf32> to vector<16xf32>
    %swap3A_31 = vector.shape_cast %broadcast_in_dim3A_28 : vector<16xf32> to vector<16xf32>
    tpu.vector_store %arg5[%swap3A], %swap3A_31 {strides = array<i32>} : memref<128xf32, #tpu.memory_space<vmem>>, vector<16xf32>,
    %broadcast_in_dim3A_32 = arith.constant 1.000000e+00 : f32
    %broadcast_in_dim3A_33 = vector.broadcast %broadcast_in_dim3A_32 : f32 to vector<16xf32>
    %swap3A_34 = arith.constant 16 : index
    %swap3A_35 = tpu.vector_load %arg5[%swap3A_34] {strides = array<i32>} : memref<128xf32, #tpu.memory_space<vmem>>, vector<16xf32>,
    %swap3A_36 = vector.shape_cast %swap3A_35 : vector<16xf32> to vector<16xf32>
    %swap3A_37 = vector.shape_cast %broadcast_in_dim3A_33 : vector<16xf32> to vector<16xf32>
    tpu.vector_store %arg5[%swap3A_34], %swap3A_37 {strides = array<i32>} : memref<128xf32, #tpu.memory_space<vmem>>, vector<16xf32>,
    %broadcast_in_dim3A_38 = arith.constant 1.000000e+00 : f32
    %broadcast_in_dim3A_39 = vector.broadcast %broadcast_in_dim3A_38 : f32 to vector<16xf32>
    %swap3A_40 = arith.constant 32 : index
    %swap3A_41 = tpu.vector_load %arg5[%swap3A_40] {strides = array<i32>} : memref<128xf32, #tpu.memory_space<vmem>>, vector<16xf32>,
    %swap3A_42 = vector.shape_cast %swap3A_41 : vector<16xf32> to vector<16xf32>
    %swap3A_43 = vector.shape_cast %broadcast_in_dim3A_39 : vector<16xf32> to vector<16xf32>
    tpu.vector_store %arg5[%swap3A_40], %swap3A_43 {strides = array<i32>} : memref<128xf32, #tpu.memory_space<vmem>>, vector<16xf32>,
    %broadcast_in_dim3A_44 = arith.constant 1.000000e+00 : f32
    %broadcast_in_dim3A_45 = vector.broadcast %broadcast_in_dim3A_44 : f32 to vector<16xf32>
    %swap3A_46 = arith.constant 48 : index
    %swap3A_47 = tpu.vector_load %arg5[%swap3A_46] {strides = array<i32>} : memref<128xf32, #tpu.memory_space<vmem>>, vector<16xf32>,
    %swap3A_48 = vector.shape_cast %swap3A_47 : vector<16xf32> to vector<16xf32>
    %swap3A_49 = vector.shape_cast %broadcast_in_dim3A_45 : vector<16xf32> to vector<16xf32>
    tpu.vector_store %arg5[%swap3A_46], %swap3A_49 {strides = array<i32>} : memref<128xf32, #tpu.memory_space<vmem>>, vector<16xf32>,
    %broadcast_in_dim3A_50 = arith.constant 1.000000e+00 : f32
    %broadcast_in_dim3A_51 = vector.broadcast %broadcast_in_dim3A_50 : f32 to vector<16xf32>
    %swap3A_52 = arith.constant 64 : index
    %swap3A_53 = tpu.vector_load %arg5[%swap3A_52] {strides = array<i32>} : memref<128xf32, #tpu.memory_space<vmem>>, vector<16xf32>,
    %swap3A_54 = vector.shape_cast %swap3A_53 : vector<16xf32> to vector<16xf32>
    %swap3A_55 = vector.shape_cast %broadcast_in_dim3A_51 : vector<16xf32> to vector<16xf32>
    tpu.vector_store %arg5[%swap3A_52], %swap3A_55 {strides = array<i32>} : memref<128xf32, #tpu.memory_space<vmem>>, vector<16xf32>,
    %broadcast_in_dim3A_56 = arith.constant 1.000000e+00 : f32
    %broadcast_in_dim3A_57 = vector.broadcast %broadcast_in_dim3A_56 : f32 to vector<16xf32>
    %swap3A_58 = arith.constant 80 : index
    %swap3A_59 = tpu.vector_load %arg5[%swap3A_58] {strides = array<i32>} : memref<128xf32, #tpu.memory_space<vmem>>, vector<16xf32>,
    %swap3A_60 = vector.shape_cast %swap3A_59 : vector<16xf32> to vector<16xf32>
    %swap3A_61 = vector.shape_cast %broadcast_in_dim3A_57 : vector<16xf32> to vector<16xf32>
    tpu.vector_store %arg5[%swap3A_58], %swap3A_61 {strides = array<i32>} : memref<128xf32, #tpu.memory_space<vmem>>, vector<16xf32>,
    %broadcast_in_dim3A_62 = arith.constant 1.000000e+00 : f32
    %broadcast_in_dim3A_63 = vector.broadcast %broadcast_in_dim3A_62 : f32 to vector<16xf32>
    %swap3A_64 = arith.constant 96 : index
    %swap3A_65 = tpu.vector_load %arg5[%swap3A_64] {strides = array<i32>} : memref<128xf32, #tpu.memory_space<vmem>>, vector<16xf32>,
    %swap3A_66 = vector.shape_cast %swap3A_65 : vector<16xf32> to vector<16xf32>
    %swap3A_67 = vector.shape_cast %broadcast_in_dim3A_63 : vector<16xf32> to vector<16xf32>
    tpu.vector_store %arg5[%swap3A_64], %swap3A_67 {strides = array<i32>} : memref<128xf32, #tpu.memory_space<vmem>>, vector<16xf32>,
    %broadcast_in_dim3A_68 = arith.constant 1.000000e+00 : f32
    %broadcast_in_dim3A_69 = vector.broadcast %broadcast_in_dim3A_68 : f32 to vector<16xf32>
    %swap3A_70 = arith.constant 112 : index
    %swap3A_71 = tpu.vector_load %arg5[%swap3A_70] {strides = array<i32>} : memref<128xf32, #tpu.memory_space<vmem>>, vector<16xf32>,
    %swap3A_72 = vector.shape_cast %swap3A_71 : vector<16xf32> to vector<16xf32>
    %swap3A_73 = vector.shape_cast %broadcast_in_dim3A_69 : vector<16xf32> to vector<16xf32>
    tpu.vector_store %arg5[%swap3A_70], %swap3A_73 {strides = array<i32>} : memref<128xf32, #tpu.memory_space<vmem>>, vector<16xf32>,
    %broadcast_in_dim3A_74 = arith.constant 0.000000e+00 : f32
    %broadcast_in_dim3A_75 = vector.broadcast %broadcast_in_dim3A_74 : f32 to vector<16xf32>
    %swap3A_76 = arith.constant 0 : index
    %swap3A_77 = tpu.vector_load %arg6[%swap3A_76] {strides = array<i32>} : memref<640xf32, #tpu.memory_space<vmem>>, vector<16xf32>,
    %swap3A_78 = vector.shape_cast %swap3A_77 : vector<16xf32> to vector<16xf32>
    %swap3A_79 = vector.shape_cast %broadcast_in_dim3A_75 : vector<16xf32> to vector<16xf32>
    tpu.vector_store %arg6[%swap3A_76], %swap3A_79 {strides = array<i32>} : memref<640xf32, #tpu.memory_space<vmem>>, vector<16xf32>,
    %broadcast_in_dim3A_80 = arith.constant 0.000000e+00 : f32
    %broadcast_in_dim3A_81 = vector.broadcast %broadcast_in_dim3A_80 : f32 to vector<16xf32>
    %swap3A_82 = arith.constant 16 : index
    %swap3A_83 = tpu.vector_load %arg6[%swap3A_82] {strides = array<i32>} : memref<640xf32, #tpu.memory_space<vmem>>, vector<16xf32>,
    %swap3A_84 = vector.shape_cast %swap3A_83 : vector<16xf32> to vector<16xf32>
    %swap3A_85 = vector.shape_cast %broadcast_in_dim3A_81 : vector<16xf32> to vector<16xf32>
    tpu.vector_store %arg6[%swap3A_82], %swap3A_85 {strides = array<i32>} : memref<640xf32, #tpu.memory_space<vmem>>, vector<16xf32>,
    %broadcast_in_dim3A_86 = arith.constant 0.000000e+00 : f32
    %broadcast_in_dim3A_87 = vector.broadcast %broadcast_in_dim3A_86 : f32 to vector<16xf32>
    %swap3A_88 = arith.constant 32 : index
    %swap3A_89 = tpu.vector_load %arg6[%swap3A_88] {strides = array<i32>} : memref<640xf32, #tpu.memory_space<vmem>>, vector<16xf32>,
    %swap3A_90 = vector.shape_cast %swap3A_89 : vector<16xf32> to vector<16xf32>
    %swap3A_91 = vector.shape_cast %broadcast_in_dim3A_87 : vector<16xf32> to vector<16xf32>
    tpu.vector_store %arg6[%swap3A_88], %swap3A_91 {strides = array<i32>} : memref<640xf32, #tpu.memory_space<vmem>>, vector<16xf32>,
    %broadcast_in_dim3A_92 = arith.constant 0.000000e+00 : f32
    %broadcast_in_dim3A_93 = vector.broadcast %broadcast_in_dim3A_92 : f32 to vector<16xf32>
    %swap3A_94 = arith.constant 48 : index
    %swap3A_95 = tpu.vector_load %arg6[%swap3A_94] {strides = array<i32>} : memref<640xf32, #tpu.memory_space<vmem>>, vector<16xf32>,
    %swap3A_96 = vector.shape_cast %swap3A_95 : vector<16xf32> to vector<16xf32>
    %swap3A_97 = vector.shape_cast %broadcast_in_dim3A_93 : vector<16xf32> to vector<16xf32>
    tpu.vector_store %arg6[%swap3A_94], %swap3A_97 {strides = array<i32>} : memref<640xf32, #tpu.memory_space<vmem>>, vector<16xf32>,
    %broadcast_in_dim3A_98 = arith.constant 0.000000e+00 : f32
    %broadcast_in_dim3A_99 = vector.broadcast %broadcast_in_dim3A_98 : f32 to vector<16xf32>
    %swap3A_100 = arith.constant 64 : index
    %swap3A_101 = tpu.vector_load %arg6[%swap3A_100] {strides = array<i32>} : memref<640xf32, #tpu.memory_space<vmem>>, vector<16xf32>,
    %swap3A_102 = vector.shape_cast %swap3A_101 : vector<16xf32> to vector<16xf32>
    %swap3A_103 = vector.shape_cast %broadcast_in_dim3A_99 : vector<16xf32> to vector<16xf32>
    tpu.vector_store %arg6[%swap3A_100], %swap3A_103 {strides = array<i32>} : memref<640xf32, #tpu.memory_space<vmem>>, vector<16xf32>,
    %broadcast_in_dim3A_104 = arith.constant 0.000000e+00 : f32
    %broadcast_in_dim3A_105 = vector.broadcast %broadcast_in_dim3A_104 : f32 to vector<16xf32>
    %swap3A_106 = arith.constant 80 : index
    %swap3A_107 = tpu.vector_load %arg6[%swap3A_106] {strides = array<i32>} : memref<640xf32, #tpu.memory_space<vmem>>, vector<16xf32>,
    %swap3A_108 = vector.shape_cast %swap3A_107 : vector<16xf32> to vector<16xf32>
    %swap3A_109 = vector.shape_cast %broadcast_in_dim3A_105 : vector<16xf32> to vector<16xf32>
    tpu.vector_store %arg6[%swap3A_106], %swap3A_109 {strides = array<i32>} : memref<640xf32, #tpu.memory_space<vmem>>, vector<16xf32>,
    %broadcast_in_dim3A_110 = arith.constant 0.000000e+00 : f32
    %broadcast_in_dim3A_111 = vector.broadcast %broadcast_in_dim3A_110 : f32 to vector<16xf32>
    %swap3A_112 = arith.constant 96 : index
    %swap3A_113 = tpu.vector_load %arg6[%swap3A_112] {strides = array<i32>} : memref<640xf32, #tpu.memory_space<vmem>>, vector<16xf32>,
    %swap3A_114 = vector.shape_cast %swap3A_113 : vector<16xf32> to vector<16xf32>
    %swap3A_115 = vector.shape_cast %broadcast_in_dim3A_111 : vector<16xf32> to vector<16xf32>
    tpu.vector_store %arg6[%swap3A_112], %swap3A_115 {strides = array<i32>} : memref<640xf32, #tpu.memory_space<vmem>>, vector<16xf32>,
    %broadcast_in_dim3A_116 = arith.constant 0.000000e+00 : f32
    %broadcast_in_dim3A_117 = vector.broadcast %broadcast_in_dim3A_116 : f32 to vector<16xf32>
    %swap3A_118 = arith.constant 112 : index
    %swap3A_119 = tpu.vector_load %arg6[%swap3A_118] {strides = array<i32>} : memref<640xf32, #tpu.memory_space<vmem>>, vector<16xf32>,
    %swap3A_120 = vector.shape_cast %swap3A_119 : vector<16xf32> to vector<16xf32>
    %swap3A_121 = vector.shape_cast %broadcast_in_dim3A_117 : vector<16xf32> to vector<16xf32>
    tpu.vector_store %arg6[%swap3A_118], %swap3A_121 {strides = array<i32>} : memref<640xf32, #tpu.memory_space<vmem>>, vector<16xf32>,
    %broadcast_in_dim3A_122 = arith.constant 0.000000e+00 : f32
    %broadcast_in_dim3A_123 = vector.broadcast %broadcast_in_dim3A_122 : f32 to vector<16xf32>
    %swap3A_124 = arith.constant 128 : index
    %swap3A_125 = tpu.vector_load %arg6[%swap3A_124] {strides = array<i32>} : memref<640xf32, #tpu.memory_space<vmem>>, vector<16xf32>,
    %swap3A_126 = vector.shape_cast %swap3A_125 : vector<16xf32> to vector<16xf32>
    %swap3A_127 = vector.shape_cast %broadcast_in_dim3A_123 : vector<16xf32> to vector<16xf32>
    tpu.vector_store %arg6[%swap3A_124], %swap3A_127 {strides = array<i32>} : memref<640xf32, #tpu.memory_space<vmem>>, vector<16xf32>,
    %broadcast_in_dim3A_128 = arith.constant 0.000000e+00 : f32
    %broadcast_in_dim3A_129 = vector.broadcast %broadcast_in_dim3A_128 : f32 to vector<16xf32>
    %swap3A_130 = arith.constant 144 : index
    %swap3A_131 = tpu.vector_load %arg6[%swap3A_130] {strides = array<i32>} : memref<640xf32, #tpu.memory_space<vmem>>, vector<16xf32>,
    %swap3A_132 = vector.shape_cast %swap3A_131 : vector<16xf32> to vector<16xf32>
    %swap3A_133 = vector.shape_cast %broadcast_in_dim3A_129 : vector<16xf32> to vector<16xf32>
    tpu.vector_store %arg6[%swap3A_130], %swap3A_133 {strides = array<i32>} : memref<640xf32, #tpu.memory_space<vmem>>, vector<16xf32>,
    %broadcast_in_dim3A_134 = arith.constant 0.000000e+00 : f32
    %broadcast_in_dim3A_135 = vector.broadcast %broadcast_in_dim3A_134 : f32 to vector<16xf32>
    %swap3A_136 = arith.constant 160 : index
    %swap3A_137 = tpu.vector_load %arg6[%swap3A_136] {strides = array<i32>} : memref<640xf32, #tpu.memory_space<vmem>>, vector<16xf32>,
    %swap3A_138 = vector.shape_cast %swap3A_137 : vector<16xf32> to vector<16xf32>
    %swap3A_139 = vector.shape_cast %broadcast_in_dim3A_135 : vector<16xf32> to vector<16xf32>
    tpu.vector_store %arg6[%swap3A_136], %swap3A_139 {strides = array<i32>} : memref<640xf32, #tpu.memory_space<vmem>>, vector<16xf32>,
    %broadcast_in_dim3A_140 = arith.constant 0.000000e+00 : f32
    %broadcast_in_dim3A_141 = vector.broadcast %broadcast_in_dim3A_140 : f32 to vector<16xf32>
    %swap3A_142 = arith.constant 176 : index
    %swap3A_143 = tpu.vector_load %arg6[%swap3A_142] {strides = array<i32>} : memref<640xf32, #tpu.memory_space<vmem>>, vector<16xf32>,
    %swap3A_144 = vector.shape_cast %swap3A_143 : vector<16xf32> to vector<16xf32>
    %swap3A_145 = vector.shape_cast %broadcast_in_dim3A_141 : vector<16xf32> to vector<16xf32>
    tpu.vector_store %arg6[%swap3A_142], %swap3A_145 {strides = array<i32>} : memref<640xf32, #tpu.memory_space<vmem>>, vector<16xf32>,
    %broadcast_in_dim3A_146 = arith.constant 0.000000e+00 : f32
    %broadcast_in_dim3A_147 = vector.broadcast %broadcast_in_dim3A_146 : f32 to vector<16xf32>
    %swap3A_148 = arith.constant 192 : index
    %swap3A_149 = tpu.vector_load %arg6[%swap3A_148] {strides = array<i32>} : memref<640xf32, #tpu.memory_space<vmem>>, vector<16xf32>,
    %swap3A_150 = vector.shape_cast %swap3A_149 : vector<16xf32> to vector<16xf32>
    %swap3A_151 = vector.shape_cast %broadcast_in_dim3A_147 : vector<16xf32> to vector<16xf32>
    tpu.vector_store %arg6[%swap3A_148], %swap3A_151 {strides = array<i32>} : memref<640xf32, #tpu.memory_space<vmem>>, vector<16xf32>,
    %broadcast_in_dim3A_152 = arith.constant 0.000000e+00 : f32
    %broadcast_in_dim3A_153 = vector.broadcast %broadcast_in_dim3A_152 : f32 to vector<16xf32>
    %swap3A_154 = arith.constant 208 : index
    %swap3A_155 = tpu.vector_load %arg6[%swap3A_154] {strides = array<i32>} : memref<640xf32, #tpu.memory_space<vmem>>, vector<16xf32>,
    %swap3A_156 = vector.shape_cast %swap3A_155 : vector<16xf32> to vector<16xf32>
    %swap3A_157 = vector.shape_cast %broadcast_in_dim3A_153 : vector<16xf32> to vector<16xf32>
    tpu.vector_store %arg6[%swap3A_154], %swap3A_157 {strides = array<i32>} : memref<640xf32, #tpu.memory_space<vmem>>, vector<16xf32>,
    %broadcast_in_dim3A_158 = arith.constant 0.000000e+00 : f32
    %broadcast_in_dim3A_159 = vector.broadcast %broadcast_in_dim3A_158 : f32 to vector<16xf32>
    %swap3A_160 = arith.constant 224 : index
    %swap3A_161 = tpu.vector_load %arg6[%swap3A_160] {strides = array<i32>} : memref<640xf32, #tpu.memory_space<vmem>>, vector<16xf32>,
    %swap3A_162 = vector.shape_cast %swap3A_161 : vector<16xf32> to vector<16xf32>
    %swap3A_163 = vector.shape_cast %broadcast_in_dim3A_159 : vector<16xf32> to vector<16xf32>
    tpu.vector_store %arg6[%swap3A_160], %swap3A_163 {strides = array<i32>} : memref<640xf32, #tpu.memory_space<vmem>>, vector<16xf32>,
    %broadcast_in_dim3A_164 = arith.constant 0.000000e+00 : f32
    %broadcast_in_dim3A_165 = vector.broadcast %broadcast_in_dim3A_164 : f32 to vector<16xf32>
    %swap3A_166 = arith.constant 240 : index
    %swap3A_167 = tpu.vector_load %arg6[%swap3A_166] {strides = array<i32>} : memref<640xf32, #tpu.memory_space<vmem>>, vector<16xf32>,
    %swap3A_168 = vector.shape_cast %swap3A_167 : vector<16xf32> to vector<16xf32>
    %swap3A_169 = vector.shape_cast %broadcast_in_dim3A_165 : vector<16xf32> to vector<16xf32>
    tpu.vector_store %arg6[%swap3A_166], %swap3A_169 {strides = array<i32>} : memref<640xf32, #tpu.memory_space<vmem>>, vector<16xf32>,
    %broadcast_in_dim3A_170 = arith.constant 0.000000e+00 : f32
    %broadcast_in_dim3A_171 = vector.broadcast %broadcast_in_dim3A_170 : f32 to vector<16xf32>
    %swap3A_172 = arith.constant 256 : index
    %swap3A_173 = tpu.vector_load %arg6[%swap3A_172] {strides = array<i32>} : memref<640xf32, #tpu.memory_space<vmem>>, vector<16xf32>,
    %swap3A_174 = vector.shape_cast %swap3A_173 : vector<16xf32> to vector<16xf32>
    %swap3A_175 = vector.shape_cast %broadcast_in_dim3A_171 : vector<16xf32> to vector<16xf32>
    tpu.vector_store %arg6[%swap3A_172], %swap3A_175 {strides = array<i32>} : memref<640xf32, #tpu.memory_space<vmem>>, vector<16xf32>,
    %broadcast_in_dim3A_176 = arith.constant 0.000000e+00 : f32
    %broadcast_in_dim3A_177 = vector.broadcast %broadcast_in_dim3A_176 : f32 to vector<16xf32>
    %swap3A_178 = arith.constant 272 : index
    %swap3A_179 = tpu.vector_load %arg6[%swap3A_178] {strides = array<i32>} : memref<640xf32, #tpu.memory_space<vmem>>, vector<16xf32>,
    %swap3A_180 = vector.shape_cast %swap3A_179 : vector<16xf32> to vector<16xf32>
    %swap3A_181 = vector.shape_cast %broadcast_in_dim3A_177 : vector<16xf32> to vector<16xf32>
    tpu.vector_store %arg6[%swap3A_178], %swap3A_181 {strides = array<i32>} : memref<640xf32, #tpu.memory_space<vmem>>, vector<16xf32>,
    %broadcast_in_dim3A_182 = arith.constant 0.000000e+00 : f32
    %broadcast_in_dim3A_183 = vector.broadcast %broadcast_in_dim3A_182 : f32 to vector<16xf32>
    %swap3A_184 = arith.constant 288 : index
    %swap3A_185 = tpu.vector_load %arg6[%swap3A_184] {strides = array<i32>} : memref<640xf32, #tpu.memory_space<vmem>>, vector<16xf32>,
    %swap3A_186 = vector.shape_cast %swap3A_185 : vector<16xf32> to vector<16xf32>
    %swap3A_187 = vector.shape_cast %broadcast_in_dim3A_183 : vector<16xf32> to vector<16xf32>
    tpu.vector_store %arg6[%swap3A_184], %swap3A_187 {strides = array<i32>} : memref<640xf32, #tpu.memory_space<vmem>>, vector<16xf32>,
    %broadcast_in_dim3A_188 = arith.constant 0.000000e+00 : f32
    %broadcast_in_dim3A_189 = vector.broadcast %broadcast_in_dim3A_188 : f32 to vector<16xf32>
    %swap3A_190 = arith.constant 304 : index
    %swap3A_191 = tpu.vector_load %arg6[%swap3A_190] {strides = array<i32>} : memref<640xf32, #tpu.memory_space<vmem>>, vector<16xf32>,
    %swap3A_192 = vector.shape_cast %swap3A_191 : vector<16xf32> to vector<16xf32>
    %swap3A_193 = vector.shape_cast %broadcast_in_dim3A_189 : vector<16xf32> to vector<16xf32>
    tpu.vector_store %arg6[%swap3A_190], %swap3A_193 {strides = array<i32>} : memref<640xf32, #tpu.memory_space<vmem>>, vector<16xf32>,
    %broadcast_in_dim3A_194 = arith.constant 0.000000e+00 : f32
    %broadcast_in_dim3A_195 = vector.broadcast %broadcast_in_dim3A_194 : f32 to vector<16xf32>
    %swap3A_196 = arith.constant 320 : index
    %swap3A_197 = tpu.vector_load %arg6[%swap3A_196] {strides = array<i32>} : memref<640xf32, #tpu.memory_space<vmem>>, vector<16xf32>,
    %swap3A_198 = vector.shape_cast %swap3A_197 : vector<16xf32> to vector<16xf32>
    %swap3A_199 = vector.shape_cast %broadcast_in_dim3A_195 : vector<16xf32> to vector<16xf32>
    tpu.vector_store %arg6[%swap3A_196], %swap3A_199 {strides = array<i32>} : memref<640xf32, #tpu.memory_space<vmem>>, vector<16xf32>,
    %broadcast_in_dim3A_200 = arith.constant 0.000000e+00 : f32
    %broadcast_in_dim3A_201 = vector.broadcast %broadcast_in_dim3A_200 : f32 to vector<16xf32>
    %swap3A_202 = arith.constant 336 : index
    %swap3A_203 = tpu.vector_load %arg6[%swap3A_202] {strides = array<i32>} : memref<640xf32, #tpu.memory_space<vmem>>, vector<16xf32>,
    %swap3A_204 = vector.shape_cast %swap3A_203 : vector<16xf32> to vector<16xf32>
    %swap3A_205 = vector.shape_cast %broadcast_in_dim3A_201 : vector<16xf32> to vector<16xf32>
    tpu.vector_store %arg6[%swap3A_202], %swap3A_205 {strides = array<i32>} : memref<640xf32, #tpu.memory_space<vmem>>, vector<16xf32>,
    %broadcast_in_dim3A_206 = arith.constant 0.000000e+00 : f32
    %broadcast_in_dim3A_207 = vector.broadcast %broadcast_in_dim3A_206 : f32 to vector<16xf32>
    %swap3A_208 = arith.constant 352 : index
    %swap3A_209 = tpu.vector_load %arg6[%swap3A_208] {strides = array<i32>} : memref<640xf32, #tpu.memory_space<vmem>>, vector<16xf32>,
    %swap3A_210 = vector.shape_cast %swap3A_209 : vector<16xf32> to vector<16xf32>
    %swap3A_211 = vector.shape_cast %broadcast_in_dim3A_207 : vector<16xf32> to vector<16xf32>
    tpu.vector_store %arg6[%swap3A_208], %swap3A_211 {strides = array<i32>} : memref<640xf32, #tpu.memory_space<vmem>>, vector<16xf32>,
    %broadcast_in_dim3A_212 = arith.constant 0.000000e+00 : f32
    %broadcast_in_dim3A_213 = vector.broadcast %broadcast_in_dim3A_212 : f32 to vector<16xf32>
    %swap3A_214 = arith.constant 368 : index
    %swap3A_215 = tpu.vector_load %arg6[%swap3A_214] {strides = array<i32>} : memref<640xf32, #tpu.memory_space<vmem>>, vector<16xf32>,
    %swap3A_216 = vector.shape_cast %swap3A_215 : vector<16xf32> to vector<16xf32>
    %swap3A_217 = vector.shape_cast %broadcast_in_dim3A_213 : vector<16xf32> to vector<16xf32>
    tpu.vector_store %arg6[%swap3A_214], %swap3A_217 {strides = array<i32>} : memref<640xf32, #tpu.memory_space<vmem>>, vector<16xf32>,
    %broadcast_in_dim3A_218 = arith.constant 0.000000e+00 : f32
    %broadcast_in_dim3A_219 = vector.broadcast %broadcast_in_dim3A_218 : f32 to vector<16xf32>
    %swap3A_220 = arith.constant 384 : index
    %swap3A_221 = tpu.vector_load %arg6[%swap3A_220] {strides = array<i32>} : memref<640xf32, #tpu.memory_space<vmem>>, vector<16xf32>,
    %swap3A_222 = vector.shape_cast %swap3A_221 : vector<16xf32> to vector<16xf32>
    %swap3A_223 = vector.shape_cast %broadcast_in_dim3A_219 : vector<16xf32> to vector<16xf32>
    tpu.vector_store %arg6[%swap3A_220], %swap3A_223 {strides = array<i32>} : memref<640xf32, #tpu.memory_space<vmem>>, vector<16xf32>,
    %broadcast_in_dim3A_224 = arith.constant 0.000000e+00 : f32
    %broadcast_in_dim3A_225 = vector.broadcast %broadcast_in_dim3A_224 : f32 to vector<16xf32>
    %swap3A_226 = arith.constant 400 : index
    %swap3A_227 = tpu.vector_load %arg6[%swap3A_226] {strides = array<i32>} : memref<640xf32, #tpu.memory_space<vmem>>, vector<16xf32>,
    %swap3A_228 = vector.shape_cast %swap3A_227 : vector<16xf32> to vector<16xf32>
    %swap3A_229 = vector.shape_cast %broadcast_in_dim3A_225 : vector<16xf32> to vector<16xf32>
    tpu.vector_store %arg6[%swap3A_226], %swap3A_229 {strides = array<i32>} : memref<640xf32, #tpu.memory_space<vmem>>, vector<16xf32>,
    %broadcast_in_dim3A_230 = arith.constant 0.000000e+00 : f32
    %broadcast_in_dim3A_231 = vector.broadcast %broadcast_in_dim3A_230 : f32 to vector<16xf32>
    %swap3A_232 = arith.constant 416 : index
    %swap3A_233 = tpu.vector_load %arg6[%swap3A_232] {strides = array<i32>} : memref<640xf32, #tpu.memory_space<vmem>>, vector<16xf32>,
    %swap3A_234 = vector.shape_cast %swap3A_233 : vector<16xf32> to vector<16xf32>
    %swap3A_235 = vector.shape_cast %broadcast_in_dim3A_231 : vector<16xf32> to vector<16xf32>
    tpu.vector_store %arg6[%swap3A_232], %swap3A_235 {strides = array<i32>} : memref<640xf32, #tpu.memory_space<vmem>>, vector<16xf32>,
    %broadcast_in_dim3A_236 = arith.constant 0.000000e+00 : f32
    %broadcast_in_dim3A_237 = vector.broadcast %broadcast_in_dim3A_236 : f32 to vector<16xf32>
    %swap3A_238 = arith.constant 432 : index
    %swap3A_239 = tpu.vector_load %arg6[%swap3A_238] {strides = array<i32>} : memref<640xf32, #tpu.memory_space<vmem>>, vector<16xf32>,
    %swap3A_240 = vector.shape_cast %swap3A_239 : vector<16xf32> to vector<16xf32>
    %swap3A_241 = vector.shape_cast %broadcast_in_dim3A_237 : vector<16xf32> to vector<16xf32>
    tpu.vector_store %arg6[%swap3A_238], %swap3A_241 {strides = array<i32>} : memref<640xf32, #tpu.memory_space<vmem>>, vector<16xf32>,
    %broadcast_in_dim3A_242 = arith.constant 0.000000e+00 : f32
    %broadcast_in_dim3A_243 = vector.broadcast %broadcast_in_dim3A_242 : f32 to vector<16xf32>
    %swap3A_244 = arith.constant 448 : index
    %swap3A_245 = tpu.vector_load %arg6[%swap3A_244] {strides = array<i32>} : memref<640xf32, #tpu.memory_space<vmem>>, vector<16xf32>,
    %swap3A_246 = vector.shape_cast %swap3A_245 : vector<16xf32> to vector<16xf32>
    %swap3A_247 = vector.shape_cast %broadcast_in_dim3A_243 : vector<16xf32> to vector<16xf32>
    tpu.vector_store %arg6[%swap3A_244], %swap3A_247 {strides = array<i32>} : memref<640xf32, #tpu.memory_space<vmem>>, vector<16xf32>,
    %broadcast_in_dim3A_248 = arith.constant 0.000000e+00 : f32
    %broadcast_in_dim3A_249 = vector.broadcast %broadcast_in_dim3A_248 : f32 to vector<16xf32>
    %swap3A_250 = arith.constant 464 : index
    %swap3A_251 = tpu.vector_load %arg6[%swap3A_250] {strides = array<i32>} : memref<640xf32, #tpu.memory_space<vmem>>, vector<16xf32>,
    %swap3A_252 = vector.shape_cast %swap3A_251 : vector<16xf32> to vector<16xf32>
    %swap3A_253 = vector.shape_cast %broadcast_in_dim3A_249 : vector<16xf32> to vector<16xf32>
    tpu.vector_store %arg6[%swap3A_250], %swap3A_253 {strides = array<i32>} : memref<640xf32, #tpu.memory_space<vmem>>, vector<16xf32>,
    %broadcast_in_dim3A_254 = arith.constant 0.000000e+00 : f32
    %broadcast_in_dim3A_255 = vector.broadcast %broadcast_in_dim3A_254 : f32 to vector<16xf32>
    %swap3A_256 = arith.constant 480 : index
    %swap3A_257 = tpu.vector_load %arg6[%swap3A_256] {strides = array<i32>} : memref<640xf32, #tpu.memory_space<vmem>>, vector<16xf32>,
    %swap3A_258 = vector.shape_cast %swap3A_257 : vector<16xf32> to vector<16xf32>
    %swap3A_259 = vector.shape_cast %broadcast_in_dim3A_255 : vector<16xf32> to vector<16xf32>
    tpu.vector_store %arg6[%swap3A_256], %swap3A_259 {strides = array<i32>} : memref<640xf32, #tpu.memory_space<vmem>>, vector<16xf32>,
    %broadcast_in_dim3A_260 = arith.constant 0.000000e+00 : f32
    %broadcast_in_dim3A_261 = vector.broadcast %broadcast_in_dim3A_260 : f32 to vector<16xf32>
    %swap3A_262 = arith.constant 496 : index
    %swap3A_263 = tpu.vector_load %arg6[%swap3A_262] {strides = array<i32>} : memref<640xf32, #tpu.memory_space<vmem>>, vector<16xf32>,
    %swap3A_264 = vector.shape_cast %swap3A_263 : vector<16xf32> to vector<16xf32>
    %swap3A_265 = vector.shape_cast %broadcast_in_dim3A_261 : vector<16xf32> to vector<16xf32>
    tpu.vector_store %arg6[%swap3A_262], %swap3A_265 {strides = array<i32>} : memref<640xf32, #tpu.memory_space<vmem>>, vector<16xf32>,
    %broadcast_in_dim3A_266 = arith.constant 0.000000e+00 : f32
    %broadcast_in_dim3A_267 = vector.broadcast %broadcast_in_dim3A_266 : f32 to vector<16xf32>
    %swap3A_268 = arith.constant 512 : index
    %swap3A_269 = tpu.vector_load %arg6[%swap3A_268] {strides = array<i32>} : memref<640xf32, #tpu.memory_space<vmem>>, vector<16xf32>,
    %swap3A_270 = vector.shape_cast %swap3A_269 : vector<16xf32> to vector<16xf32>
    %swap3A_271 = vector.shape_cast %broadcast_in_dim3A_267 : vector<16xf32> to vector<16xf32>
    tpu.vector_store %arg6[%swap3A_268], %swap3A_271 {strides = array<i32>} : memref<640xf32, #tpu.memory_space<vmem>>, vector<16xf32>,
    %broadcast_in_dim3A_272 = arith.constant 0.000000e+00 : f32
    %broadcast_in_dim3A_273 = vector.broadcast %broadcast_in_dim3A_272 : f32 to vector<16xf32>
    %swap3A_274 = arith.constant 528 : index
    %swap3A_275 = tpu.vector_load %arg6[%swap3A_274] {strides = array<i32>} : memref<640xf32, #tpu.memory_space<vmem>>, vector<16xf32>,
    %swap3A_276 = vector.shape_cast %swap3A_275 : vector<16xf32> to vector<16xf32>
    %swap3A_277 = vector.shape_cast %broadcast_in_dim3A_273 : vector<16xf32> to vector<16xf32>
    tpu.vector_store %arg6[%swap3A_274], %swap3A_277 {strides = array<i32>} : memref<640xf32, #tpu.memory_space<vmem>>, vector<16xf32>,
    %broadcast_in_dim3A_278 = arith.constant 0.000000e+00 : f32
    %broadcast_in_dim3A_279 = vector.broadcast %broadcast_in_dim3A_278 : f32 to vector<16xf32>
    %swap3A_280 = arith.constant 544 : index
    %swap3A_281 = tpu.vector_load %arg6[%swap3A_280] {strides = array<i32>} : memref<640xf32, #tpu.memory_space<vmem>>, vector<16xf32>,
    %swap3A_282 = vector.shape_cast %swap3A_281 : vector<16xf32> to vector<16xf32>
    %swap3A_283 = vector.shape_cast %broadcast_in_dim3A_279 : vector<16xf32> to vector<16xf32>
    tpu.vector_store %arg6[%swap3A_280], %swap3A_283 {strides = array<i32>} : memref<640xf32, #tpu.memory_space<vmem>>, vector<16xf32>,
    %broadcast_in_dim3A_284 = arith.constant 0.000000e+00 : f32
    %broadcast_in_dim3A_285 = vector.broadcast %broadcast_in_dim3A_284 : f32 to vector<16xf32>
    %swap3A_286 = arith.constant 560 : index
    %swap3A_287 = tpu.vector_load %arg6[%swap3A_286] {strides = array<i32>} : memref<640xf32, #tpu.memory_space<vmem>>, vector<16xf32>,
    %swap3A_288 = vector.shape_cast %swap3A_287 : vector<16xf32> to vector<16xf32>
    %swap3A_289 = vector.shape_cast %broadcast_in_dim3A_285 : vector<16xf32> to vector<16xf32>
    tpu.vector_store %arg6[%swap3A_286], %swap3A_289 {strides = array<i32>} : memref<640xf32, #tpu.memory_space<vmem>>, vector<16xf32>,
    %broadcast_in_dim3A_290 = arith.constant 0.000000e+00 : f32
    %broadcast_in_dim3A_291 = vector.broadcast %broadcast_in_dim3A_290 : f32 to vector<16xf32>
    %swap3A_292 = arith.constant 576 : index
    %swap3A_293 = tpu.vector_load %arg6[%swap3A_292] {strides = array<i32>} : memref<640xf32, #tpu.memory_space<vmem>>, vector<16xf32>,
    %swap3A_294 = vector.shape_cast %swap3A_293 : vector<16xf32> to vector<16xf32>
    %swap3A_295 = vector.shape_cast %broadcast_in_dim3A_291 : vector<16xf32> to vector<16xf32>
    tpu.vector_store %arg6[%swap3A_292], %swap3A_295 {strides = array<i32>} : memref<640xf32, #tpu.memory_space<vmem>>, vector<16xf32>,
    %broadcast_in_dim3A_296 = arith.constant 0.000000e+00 : f32
    %broadcast_in_dim3A_297 = vector.broadcast %broadcast_in_dim3A_296 : f32 to vector<16xf32>
    %swap3A_298 = arith.constant 592 : index
    %swap3A_299 = tpu.vector_load %arg6[%swap3A_298] {strides = array<i32>} : memref<640xf32, #tpu.memory_space<vmem>>, vector<16xf32>,
    %swap3A_300 = vector.shape_cast %swap3A_299 : vector<16xf32> to vector<16xf32>
    %swap3A_301 = vector.shape_cast %broadcast_in_dim3A_297 : vector<16xf32> to vector<16xf32>
    tpu.vector_store %arg6[%swap3A_298], %swap3A_301 {strides = array<i32>} : memref<640xf32, #tpu.memory_space<vmem>>, vector<16xf32>,
    %broadcast_in_dim3A_302 = arith.constant 0.000000e+00 : f32
    %broadcast_in_dim3A_303 = vector.broadcast %broadcast_in_dim3A_302 : f32 to vector<16xf32>
    %swap3A_304 = arith.constant 608 : index
    %swap3A_305 = tpu.vector_load %arg6[%swap3A_304] {strides = array<i32>} : memref<640xf32, #tpu.memory_space<vmem>>, vector<16xf32>,
    %swap3A_306 = vector.shape_cast %swap3A_305 : vector<16xf32> to vector<16xf32>
    %swap3A_307 = vector.shape_cast %broadcast_in_dim3A_303 : vector<16xf32> to vector<16xf32>
    tpu.vector_store %arg6[%swap3A_304], %swap3A_307 {strides = array<i32>} : memref<640xf32, #tpu.memory_space<vmem>>, vector<16xf32>,
    %broadcast_in_dim3A_308 = arith.constant 0.000000e+00 : f32
    %broadcast_in_dim3A_309 = vector.broadcast %broadcast_in_dim3A_308 : f32 to vector<16xf32>
    %swap3A_310 = arith.constant 624 : index
    %swap3A_311 = tpu.vector_load %arg6[%swap3A_310] {strides = array<i32>} : memref<640xf32, #tpu.memory_space<vmem>>, vector<16xf32>,
    %swap3A_312 = vector.shape_cast %swap3A_311 : vector<16xf32> to vector<16xf32>
    %swap3A_313 = vector.shape_cast %broadcast_in_dim3A_309 : vector<16xf32> to vector<16xf32>
    tpu.vector_store %arg6[%swap3A_310], %swap3A_313 {strides = array<i32>} : memref<640xf32, #tpu.memory_space<vmem>>, vector<16xf32>,
    %mul3A_314 = arith.constant 640 : i32
    %mul3A_315 = arith.muli %arg1, %mul3A_314 : i32
    "tpu.region"() ({
      %run_scoped3A_343 = tpu.sem_alloc : memref<!tpu.dma_semaphore, #tpu.memory_space<semaphore_mem>>
      %dma_start3A_344 = tpu.memref_slice %arg7[%mul3A_315] : memref<10240xf32, #tpu.memory_space<vmem_shared>> -> memref<640xf32, #tpu.memory_space<vmem_shared>>
      %dma_start3A_345 = tpu.memref_slice %arg7[%mul3A_315] : memref<10240xf32, #tpu.memory_space<vmem_shared>> -> memref<640xf32, #tpu.memory_space<vmem_shared>>
      tpu.enqueue_dma source(%arg6 : memref<640xf32, #tpu.memory_space<vmem>>) target(%dma_start3A_345 : memref<640xf32, #tpu.memory_space<vmem_shared>>) target_semaphore(%run_scoped3A_343 : memref<!tpu.dma_semaphore, #tpu.memory_space<semaphore_mem>>)
      %dma_wait3A_346 = tpu.memref_slice %arg7[%mul3A_315] : memref<10240xf32, #tpu.memory_space<vmem_shared>> -> memref<640xf32, #tpu.memory_space<vmem_shared>>
      %dma_wait3A_347 = tpu.memref_slice %arg7[%mul3A_315] : memref<10240xf32, #tpu.memory_space<vmem_shared>> -> memref<640xf32, #tpu.memory_space<vmem_shared>>
      tpu.wait_dma2 semaphore(%run_scoped3A_343 : memref<!tpu.dma_semaphore, #tpu.memory_space<semaphore_mem>>) src(%arg6 : memref<640xf32, #tpu.memory_space<vmem>>) dst(%dma_wait3A_347 : memref<640xf32, #tpu.memory_space<vmem_shared>>)
      tpu.yield
    }) : () -> ()
    %run_scoped3A = arith.constant 1 : i32
    "tpu.region"() ({
      %run_scoped3A_343 = tpu.sem_alloc : memref<!tpu.dma_semaphore, #tpu.memory_space<semaphore_mem>>
      %dma_start3A_344 = arith.constant 0 : i32
      %dma_start3A_345 = arith.constant 0 : i32
      %dma_start3A_346 = tpu.memref_slice %arg2[%run_scoped3A, %dma_start3A_344, %dma_start3A_345] : memref<2x2504x128xi32, #tpu.memory_space<hbm>> -> memref<1x2504x128xi32, #tpu.memory_space<hbm>>
      %dma_start3A_347 = tpu.memref_squeeze %dma_start3A_346 : memref<1x2504x128xi32, #tpu.memory_space<hbm>> -> memref<2504x128xi32, #tpu.memory_space<hbm>>
      %dma_start3A_348 = arith.constant 0 : i32
      %dma_start3A_349 = tpu.memref_slice %dma_start3A_347[%mul3A_26, %dma_start3A_348] : memref<2504x128xi32, #tpu.memory_space<hbm>> -> memref<88x128xi32, #tpu.memory_space<hbm>>
      %dma_start3A_350 = arith.constant 0 : i32
      %dma_start3A_351 = arith.constant 0 : i32
      %dma_start3A_352 = tpu.memref_slice %arg2[%run_scoped3A, %dma_start3A_350, %dma_start3A_351] : memref<2x2504x128xi32, #tpu.memory_space<hbm>> -> memref<1x2504x128xi32, #tpu.memory_space<hbm>>
      %dma_start3A_353 = tpu.memref_squeeze %dma_start3A_352 : memref<1x2504x128xi32, #tpu.memory_space<hbm>> -> memref<2504x128xi32, #tpu.memory_space<hbm>>
      %dma_start3A_354 = arith.constant 0 : i32
      %dma_start3A_355 = tpu.memref_slice %dma_start3A_353[%mul3A_26, %dma_start3A_354] : memref<2504x128xi32, #tpu.memory_space<hbm>> -> memref<88x128xi32, #tpu.memory_space<hbm>>
      tpu.enqueue_dma source(%dma_start3A_355 : memref<88x128xi32, #tpu.memory_space<hbm>>) target(%arg4 : memref<88x128xi32, #tpu.memory_space<vmem>>) target_semaphore(%run_scoped3A_343 : memref<!tpu.dma_semaphore, #tpu.memory_space<semaphore_mem>>)
      %dma_wait3A_356 = arith.constant 0 : i32
      %dma_wait3A_357 = arith.constant 0 : i32
      %dma_wait3A_358 = tpu.memref_slice %arg2[%run_scoped3A, %dma_wait3A_356, %dma_wait3A_357] : memref<2x2504x128xi32, #tpu.memory_space<hbm>> -> memref<1x2504x128xi32, #tpu.memory_space<hbm>>
      %dma_wait3A_359 = tpu.memref_squeeze %dma_wait3A_358 : memref<1x2504x128xi32, #tpu.memory_space<hbm>> -> memref<2504x128xi32, #tpu.memory_space<hbm>>
      %dma_wait3A_360 = arith.constant 0 : i32
      %dma_wait3A_361 = tpu.memref_slice %dma_wait3A_359[%mul3A_26, %dma_wait3A_360] : memref<2504x128xi32, #tpu.memory_space<hbm>> -> memref<88x128xi32, #tpu.memory_space<hbm>>
      %dma_wait3A_362 = arith.constant 0 : i32
      %dma_wait3A_363 = arith.constant 0 : i32
      %dma_wait3A_364 = tpu.memref_slice %arg2[%run_scoped3A, %dma_wait3A_362, %dma_wait3A_363] : memref<2x2504x128xi32, #tpu.memory_space<hbm>> -> memref<1x2504x128xi32, #tpu.memory_space<hbm>>
      %dma_wait3A_365 = tpu.memref_squeeze %dma_wait3A_364 : memref<1x2504x128xi32, #tpu.memory_space<hbm>> -> memref<2504x128xi32, #tpu.memory_space<hbm>>
      %dma_wait3A_366 = arith.constant 0 : i32
      %dma_wait3A_367 = tpu.memref_slice %dma_wait3A_365[%mul3A_26, %dma_wait3A_366] : memref<2504x128xi32, #tpu.memory_space<hbm>> -> memref<88x128xi32, #tpu.memory_space<hbm>>
      tpu.wait_dma2 semaphore(%run_scoped3A_343 : memref<!tpu.dma_semaphore, #tpu.memory_space<semaphore_mem>>) src(%dma_wait3A_367 : memref<88x128xi32, #tpu.memory_space<hbm>>) dst(%arg4 : memref<88x128xi32, #tpu.memory_space<vmem>>)
      tpu.yield
    }) : () -> ()
    %barrier3A = arith.constant 0 : index
    tpu.barrier barrier_id(%barrier3A)
    %dma_start3A = arith.constant 0 : i32
    %dma_start3A_316 = tpu.memref_slice %arg4[%sub3A_27, %dma_start3A] : memref<88x128xi32, #tpu.memory_space<vmem>> -> memref<1x128xi32, #tpu.memory_space<vmem>>
    %dma_start3A_317 = tpu.memref_squeeze %dma_start3A_316 : memref<1x128xi32, #tpu.memory_space<vmem>> -> memref<128xi32, #tpu.memory_space<vmem>>
    %dma_start3A_318 = arith.constant 0 : i32
    %dma_start3A_319 = tpu.memref_slice %arg7[%dma_start3A_318] : memref<10240xf32, #tpu.memory_space<vmem_shared>> -> memref<10240xf32, #tpu.memory_space<vmem_shared>>
    tpu.enqueue_indirect_dma source(%arg5 : memref<128xf32, #tpu.memory_space<vmem>>) target(%dma_start3A_319 : memref<10240xf32, #tpu.memory_space<vmem_shared>>) offsets(%dma_start3A_317 : memref<128xi32, #tpu.memory_space<vmem>>) semaphore(%arg8 : memref<!tpu.dma_semaphore, #tpu.memory_space<semaphore_mem>>) {add = true}
    %add3A_320 = arith.constant 1 : i32
    %add3A_321 = arith.addi %sub3A_27, %add3A_320 : i32
    %add3A_322 = arith.addi %sub3A_27, %select_n3A : i32
    %while3A = arith.constant 0 : i32
    %while3A_323 = arith.subi %add3A_322, %add3A_321 : i32
    %while3A_324 = arith.addi %add3A_321, %while3A_323 : i32
    %while3A_325 = arith.constant 1 : i32
    %while3A_326 = arith.divsi %while3A_323, %while3A_325 : i32
    %while3A_327 = arith.muli %while3A_326, %while3A_325 : i32
    %while3A_328 = arith.addi %add3A_321, %while3A_327 : i32
    %while3A_329 = arith.constant 1 : i32
    scf.for %while3A_343 = %add3A_321 to %while3A_328 step %while3A_329  : i32 {
      %dma_start3A_344 = arith.constant 0 : i32
      %dma_start3A_345 = tpu.memref_slice %arg4[%while3A_343, %dma_start3A_344] : memref<88x128xi32, #tpu.memory_space<vmem>> -> memref<1x128xi32, #tpu.memory_space<vmem>>
      %dma_start3A_346 = tpu.memref_squeeze %dma_start3A_345 : memref<1x128xi32, #tpu.memory_space<vmem>> -> memref<128xi32, #tpu.memory_space<vmem>>
      %dma_start3A_347 = arith.constant 0 : i32
      %dma_start3A_348 = tpu.memref_slice %arg7[%dma_start3A_347] : memref<10240xf32, #tpu.memory_space<vmem_shared>> -> memref<10240xf32, #tpu.memory_space<vmem_shared>>
      tpu.enqueue_indirect_dma source(%arg5 : memref<128xf32, #tpu.memory_space<vmem>>) target(%dma_start3A_348 : memref<10240xf32, #tpu.memory_space<vmem_shared>>) offsets(%dma_start3A_346 : memref<128xi32, #tpu.memory_space<vmem>>) semaphore(%arg8 : memref<!tpu.dma_semaphore, #tpu.memory_space<semaphore_mem>>) {add = true}
      %sub3A_349 = arith.constant 1 : i32
      %sub3A_350 = arith.subi %while3A_343, %sub3A_349 : i32
      %dma_wait3A_351 = arith.constant 0 : i32
      %dma_wait3A_352 = tpu.memref_slice %arg4[%sub3A_350, %dma_wait3A_351] : memref<88x128xi32, #tpu.memory_space<vmem>> -> memref<1x128xi32, #tpu.memory_space<vmem>>
      %dma_wait3A_353 = tpu.memref_squeeze %dma_wait3A_352 : memref<1x128xi32, #tpu.memory_space<vmem>> -> memref<128xi32, #tpu.memory_space<vmem>>
      %dma_wait3A_354 = arith.constant 0 : i32
      %dma_wait3A_355 = tpu.memref_slice %arg7[%dma_wait3A_354] : memref<10240xf32, #tpu.memory_space<vmem_shared>> -> memref<10240xf32, #tpu.memory_space<vmem_shared>>
      tpu.wait_indirect_dma semaphore(%arg8 : memref<!tpu.dma_semaphore, #tpu.memory_space<semaphore_mem>>) src(%arg5 : memref<128xf32, #tpu.memory_space<vmem>>) dst(%dma_wait3A_355 : memref<10240xf32, #tpu.memory_space<vmem_shared>>)
    }
    %while3A_330 = arith.constant 1 : i32
    scf.for %while3A_343 = %while3A_328 to %while3A_324 step %while3A_330  : i32 {
      %dma_start3A_344 = arith.constant 0 : i32
      %dma_start3A_345 = tpu.memref_slice %arg4[%while3A_343, %dma_start3A_344] : memref<88x128xi32, #tpu.memory_space<vmem>> -> memref<1x128xi32, #tpu.memory_space<vmem>>
      %dma_start3A_346 = tpu.memref_squeeze %dma_start3A_345 : memref<1x128xi32, #tpu.memory_space<vmem>> -> memref<128xi32, #tpu.memory_space<vmem>>
      %dma_start3A_347 = arith.constant 0 : i32
      %dma_start3A_348 = tpu.memref_slice %arg7[%dma_start3A_347] : memref<10240xf32, #tpu.memory_space<vmem_shared>> -> memref<10240xf32, #tpu.memory_space<vmem_shared>>
      tpu.enqueue_indirect_dma source(%arg5 : memref<128xf32, #tpu.memory_space<vmem>>) target(%dma_start3A_348 : memref<10240xf32, #tpu.memory_space<vmem_shared>>) offsets(%dma_start3A_346 : memref<128xi32, #tpu.memory_space<vmem>>) semaphore(%arg8 : memref<!tpu.dma_semaphore, #tpu.memory_space<semaphore_mem>>) {add = true}
      %sub3A_349 = arith.constant 1 : i32
      %sub3A_350 = arith.subi %while3A_343, %sub3A_349 : i32
      %dma_wait3A_351 = arith.constant 0 : i32
      %dma_wait3A_352 = tpu.memref_slice %arg4[%sub3A_350, %dma_wait3A_351] : memref<88x128xi32, #tpu.memory_space<vmem>> -> memref<1x128xi32, #tpu.memory_space<vmem>>
      %dma_wait3A_353 = tpu.memref_squeeze %dma_wait3A_352 : memref<1x128xi32, #tpu.memory_space<vmem>> -> memref<128xi32, #tpu.memory_space<vmem>>
      %dma_wait3A_354 = arith.constant 0 : i32
      %dma_wait3A_355 = tpu.memref_slice %arg7[%dma_wait3A_354] : memref<10240xf32, #tpu.memory_space<vmem_shared>> -> memref<10240xf32, #tpu.memory_space<vmem_shared>>
      tpu.wait_indirect_dma semaphore(%arg8 : memref<!tpu.dma_semaphore, #tpu.memory_space<semaphore_mem>>) src(%arg5 : memref<128xf32, #tpu.memory_space<vmem>>) dst(%dma_wait3A_355 : memref<10240xf32, #tpu.memory_space<vmem_shared>>)
    }
    %add3A_331 = arith.addi %sub3A_27, %select_n3A : i32
    %sub3A_332 = arith.constant 1 : i32
    %sub3A_333 = arith.subi %add3A_331, %sub3A_332 : i32
    %dma_wait3A = arith.constant 0 : i32
    %dma_wait3A_334 = tpu.memref_slice %arg4[%sub3A_333, %dma_wait3A] : memref<88x128xi32, #tpu.memory_space<vmem>> -> memref<1x128xi32, #tpu.memory_space<vmem>>
    %dma_wait3A_335 = tpu.memref_squeeze %dma_wait3A_334 : memref<1x128xi32, #tpu.memory_space<vmem>> -> memref<128xi32, #tpu.memory_space<vmem>>
    %dma_wait3A_336 = arith.constant 0 : i32
    %dma_wait3A_337 = tpu.memref_slice %arg7[%dma_wait3A_336] : memref<10240xf32, #tpu.memory_space<vmem_shared>> -> memref<10240xf32, #tpu.memory_space<vmem_shared>>
    tpu.wait_indirect_dma semaphore(%arg8 : memref<!tpu.dma_semaphore, #tpu.memory_space<semaphore_mem>>) src(%arg5 : memref<128xf32, #tpu.memory_space<vmem>>) dst(%dma_wait3A_337 : memref<10240xf32, #tpu.memory_space<vmem_shared>>)
    %barrier3A_338 = arith.constant 0 : index
    tpu.barrier barrier_id(%barrier3A_338)
    %mul3A_339 = arith.constant 640 : i32
    %mul3A_340 = arith.muli %arg1, %mul3A_339 : i32
    "tpu.region"() ({
      %run_scoped3A_343 = tpu.sem_alloc : memref<!tpu.dma_semaphore, #tpu.memory_space<semaphore_mem>>
      %dma_start3A_344 = tpu.memref_slice %arg7[%mul3A_340] : memref<10240xf32, #tpu.memory_space<vmem_shared>> -> memref<640xf32, #tpu.memory_space<vmem_shared>>
      %dma_start3A_345 = tpu.memref_slice %arg7[%mul3A_340] : memref<10240xf32, #tpu.memory_space<vmem_shared>> -> memref<640xf32, #tpu.memory_space<vmem_shared>>
      tpu.enqueue_dma source(%dma_start3A_345 : memref<640xf32, #tpu.memory_space<vmem_shared>>) target(%arg6 : memref<640xf32, #tpu.memory_space<vmem>>) target_semaphore(%run_scoped3A_343 : memref<!tpu.dma_semaphore, #tpu.memory_space<semaphore_mem>>)
      %dma_wait3A_346 = tpu.memref_slice %arg7[%mul3A_340] : memref<10240xf32, #tpu.memory_space<vmem_shared>> -> memref<640xf32, #tpu.memory_space<vmem_shared>>
      %dma_wait3A_347 = tpu.memref_slice %arg7[%mul3A_340] : memref<10240xf32, #tpu.memory_space<vmem_shared>> -> memref<640xf32, #tpu.memory_space<vmem_shared>>
      tpu.wait_dma2 semaphore(%run_scoped3A_343 : memref<!tpu.dma_semaphore, #tpu.memory_space<semaphore_mem>>) src(%dma_wait3A_347 : memref<640xf32, #tpu.memory_space<vmem_shared>>) dst(%arg6 : memref<640xf32, #tpu.memory_space<vmem>>)
      tpu.yield
    }) : () -> ()
    %mul3A_341 = arith.constant 640 : i32
    %mul3A_342 = arith.muli %arg1, %mul3A_341 : i32
    "tpu.region"() ({
      %run_scoped3A_343 = tpu.sem_alloc : memref<!tpu.dma_semaphore, #tpu.memory_space<semaphore_mem>>
      %dma_start3A_344 = arith.constant 0 : i32
      %dma_start3A_345 = tpu.memref_slice %arg3[%arg0, %dma_start3A_344] : memref<2x10240xf32, #tpu.memory_space<hbm>> -> memref<1x10240xf32, #tpu.memory_space<hbm>>
      %dma_start3A_346 = tpu.memref_squeeze %dma_start3A_345 : memref<1x10240xf32, #tpu.memory_space<hbm>> -> memref<10240xf32, #tpu.memory_space<hbm>>
      %dma_start3A_347 = tpu.memref_slice %dma_start3A_346[%mul3A_342] : memref<10240xf32, #tpu.memory_space<hbm>> -> memref<640xf32, #tpu.memory_space<hbm>>
      %dma_start3A_348 = arith.constant 0 : i32
      %dma_start3A_349 = tpu.memref_slice %arg3[%arg0, %dma_start3A_348] : memref<2x10240xf32, #tpu.memory_space<hbm>> -> memref<1x10240xf32, #tpu.memory_space<hbm>>
      %dma_start3A_350 = tpu.memref_squeeze %dma_start3A_349 : memref<1x10240xf32, #tpu.memory_space<hbm>> -> memref<10240xf32, #tpu.memory_space<hbm>>
      %dma_start3A_351 = tpu.memref_slice %dma_start3A_350[%mul3A_342] : memref<10240xf32, #tpu.memory_space<hbm>> -> memref<640xf32, #tpu.memory_space<hbm>>
      tpu.enqueue_dma source(%arg6 : memref<640xf32, #tpu.memory_space<vmem>>) target(%dma_start3A_351 : memref<640xf32, #tpu.memory_space<hbm>>) target_semaphore(%run_scoped3A_343 : memref<!tpu.dma_semaphore, #tpu.memory_space<semaphore_mem>>)
      %dma_wait3A_352 = arith.constant 0 : i32
      %dma_wait3A_353 = tpu.memref_slice %arg3[%arg0, %dma_wait3A_352] : memref<2x10240xf32, #tpu.memory_space<hbm>> -> memref<1x10240xf32, #tpu.memory_space<hbm>>
      %dma_wait3A_354 = tpu.memref_squeeze %dma_wait3A_353 : memref<1x10240xf32, #tpu.memory_space<hbm>> -> memref<10240xf32, #tpu.memory_space<hbm>>
      %dma_wait3A_355 = tpu.memref_slice %dma_wait3A_354[%mul3A_342] : memref<10240xf32, #tpu.memory_space<hbm>> -> memref<640xf32, #tpu.memory_space<hbm>>
      %dma_wait3A_356 = arith.constant 0 : i32
      %dma_wait3A_357 = tpu.memref_slice %arg3[%arg0, %dma_wait3A_356] : memref<2x10240xf32, #tpu.memory_space<hbm>> -> memref<1x10240xf32, #tpu.memory_space<hbm>>
      %dma_wait3A_358 = tpu.memref_squeeze %dma_wait3A_357 : memref<1x10240xf32, #tpu.memory_space<hbm>> -> memref<10240xf32, #tpu.memory_space<hbm>>
      %dma_wait3A_359 = tpu.memref_slice %dma_wait3A_358[%mul3A_342] : memref<10240xf32, #tpu.memory_space<hbm>> -> memref<640xf32, #tpu.memory_space<hbm>>
      tpu.wait_dma2 semaphore(%run_scoped3A_343 : memref<!tpu.dma_semaphore, #tpu.memory_space<semaphore_mem>>) src(%arg6 : memref<640xf32, #tpu.memory_space<vmem>>) dst(%dma_wait3A_359 : memref<640xf32, #tpu.memory_space<hbm>>)
      tpu.yield
    }) : () -> ()
    return
  }
}

#map = affine_map<(d0, d1) -> (0, 0)>
#map1 = affine_map<(d0, d1) -> (0, 0, 0)>
module attributes {stable_mosaic.version = 14 : i64} {
  func.func @_sc_aggregate(%arg0: i32, %arg1: i32, %arg2: memref<10000x128xf32, #tpu.memory_space<hbm>>, %arg3: memref<2x2504x128xi32, #tpu.memory_space<hbm>>, %arg4: memref<128x128xf32, #tpu.memory_space<hbm>>, %arg5: memref<2x10240x128xf32, #tpu.memory_space<hbm>>, %arg6: memref<48x128xi32, #tpu.memory_space<vmem>>, %arg7: memref<48x128xi32, #tpu.memory_space<vmem>>, %arg8: memref<128x128xf32, #tpu.memory_space<vmem>>, %arg9: memref<128x128xf32, #tpu.memory_space<vmem>>, %arg10: memref<10240x128xf32, #tpu.memory_space<vmem_shared>>, %arg11: memref<!tpu.dma_semaphore, #tpu.memory_space<semaphore_mem>>, %arg12: memref<!tpu.dma_semaphore, #tpu.memory_space<semaphore_mem>>) attributes {dimension_semantics = [#tpu.dimension_semantics<core_parallel>, #tpu.dimension_semantics<subcore_parallel>], iteration_bounds = array<i64: 2, 16>, scalar_prefetch = 0 : i64, scratch_operands = 7 : i64, tpu.core_type = #tpu.core_type<sc_vector_subcore>, window_params = [{transform_indices = #map}, {transform_indices = #map1}, {transform_indices = #map}, {transform_indices = #map1}]} {
    %mul3A = arith.constant 16 : i32
    %mul3A_0 = arith.muli %arg0, %mul3A : i32
    %add3A = arith.addi %mul3A_0, %arg1 : i32
    "tpu.region"() ({
      %run_scoped3A_253 = tpu.sem_alloc : memref<!tpu.dma_semaphore, #tpu.memory_space<semaphore_mem>>
      tpu.enqueue_dma source(%arg4 : memref<128x128xf32, #tpu.memory_space<hbm>>) target(%arg8 : memref<128x128xf32, #tpu.memory_space<vmem>>) target_semaphore(%run_scoped3A_253 : memref<!tpu.dma_semaphore, #tpu.memory_space<semaphore_mem>>)
      tpu.wait_dma2 semaphore(%run_scoped3A_253 : memref<!tpu.dma_semaphore, #tpu.memory_space<semaphore_mem>>) src(%arg4 : memref<128x128xf32, #tpu.memory_space<hbm>>) dst(%arg8 : memref<128x128xf32, #tpu.memory_space<vmem>>)
      tpu.yield
    }) : () -> ()
    %mul3A_1 = arith.constant 640 : i32
    %mul3A_2 = arith.muli %arg1, %mul3A_1 : i32
    %add3A_3 = arith.constant 0 : i32
    %add3A_4 = arith.addi %mul3A_2, %add3A_3 : i32
    "tpu.region"() ({
      %run_scoped3A_253 = tpu.sem_alloc : memref<!tpu.dma_semaphore, #tpu.memory_space<semaphore_mem>>
      %dma_start3A_254 = arith.constant 0 : i32
      %dma_start3A_255 = tpu.memref_slice %arg10[%add3A_4, %dma_start3A_254] : memref<10240x128xf32, #tpu.memory_space<vmem_shared>> -> memref<128x128xf32, #tpu.memory_space<vmem_shared>>
      %dma_start3A_256 = arith.constant 0 : i32
      %dma_start3A_257 = tpu.memref_slice %arg10[%add3A_4, %dma_start3A_256] : memref<10240x128xf32, #tpu.memory_space<vmem_shared>> -> memref<128x128xf32, #tpu.memory_space<vmem_shared>>
      tpu.enqueue_dma source(%arg8 : memref<128x128xf32, #tpu.memory_space<vmem>>) target(%dma_start3A_257 : memref<128x128xf32, #tpu.memory_space<vmem_shared>>) target_semaphore(%run_scoped3A_253 : memref<!tpu.dma_semaphore, #tpu.memory_space<semaphore_mem>>)
      %dma_wait3A_258 = arith.constant 0 : i32
      %dma_wait3A_259 = tpu.memref_slice %arg10[%add3A_4, %dma_wait3A_258] : memref<10240x128xf32, #tpu.memory_space<vmem_shared>> -> memref<128x128xf32, #tpu.memory_space<vmem_shared>>
      %dma_wait3A_260 = arith.constant 0 : i32
      %dma_wait3A_261 = tpu.memref_slice %arg10[%add3A_4, %dma_wait3A_260] : memref<10240x128xf32, #tpu.memory_space<vmem_shared>> -> memref<128x128xf32, #tpu.memory_space<vmem_shared>>
      tpu.wait_dma2 semaphore(%run_scoped3A_253 : memref<!tpu.dma_semaphore, #tpu.memory_space<semaphore_mem>>) src(%arg8 : memref<128x128xf32, #tpu.memory_space<vmem>>) dst(%dma_wait3A_261 : memref<128x128xf32, #tpu.memory_space<vmem_shared>>)
      tpu.yield
    }) : () -> ()
    %mul3A_5 = arith.constant 640 : i32
    %mul3A_6 = arith.muli %arg1, %mul3A_5 : i32
    %add3A_7 = arith.constant 128 : i32
    %add3A_8 = arith.addi %mul3A_6, %add3A_7 : i32
    "tpu.region"() ({
      %run_scoped3A_253 = tpu.sem_alloc : memref<!tpu.dma_semaphore, #tpu.memory_space<semaphore_mem>>
      %dma_start3A_254 = arith.constant 0 : i32
      %dma_start3A_255 = tpu.memref_slice %arg10[%add3A_8, %dma_start3A_254] : memref<10240x128xf32, #tpu.memory_space<vmem_shared>> -> memref<128x128xf32, #tpu.memory_space<vmem_shared>>
      %dma_start3A_256 = arith.constant 0 : i32
      %dma_start3A_257 = tpu.memref_slice %arg10[%add3A_8, %dma_start3A_256] : memref<10240x128xf32, #tpu.memory_space<vmem_shared>> -> memref<128x128xf32, #tpu.memory_space<vmem_shared>>
      tpu.enqueue_dma source(%arg8 : memref<128x128xf32, #tpu.memory_space<vmem>>) target(%dma_start3A_257 : memref<128x128xf32, #tpu.memory_space<vmem_shared>>) target_semaphore(%run_scoped3A_253 : memref<!tpu.dma_semaphore, #tpu.memory_space<semaphore_mem>>)
      %dma_wait3A_258 = arith.constant 0 : i32
      %dma_wait3A_259 = tpu.memref_slice %arg10[%add3A_8, %dma_wait3A_258] : memref<10240x128xf32, #tpu.memory_space<vmem_shared>> -> memref<128x128xf32, #tpu.memory_space<vmem_shared>>
      %dma_wait3A_260 = arith.constant 0 : i32
      %dma_wait3A_261 = tpu.memref_slice %arg10[%add3A_8, %dma_wait3A_260] : memref<10240x128xf32, #tpu.memory_space<vmem_shared>> -> memref<128x128xf32, #tpu.memory_space<vmem_shared>>
      tpu.wait_dma2 semaphore(%run_scoped3A_253 : memref<!tpu.dma_semaphore, #tpu.memory_space<semaphore_mem>>) src(%arg8 : memref<128x128xf32, #tpu.memory_space<vmem>>) dst(%dma_wait3A_261 : memref<128x128xf32, #tpu.memory_space<vmem_shared>>)
      tpu.yield
    }) : () -> ()
    %mul3A_9 = arith.constant 640 : i32
    %mul3A_10 = arith.muli %arg1, %mul3A_9 : i32
    %add3A_11 = arith.constant 256 : i32
    %add3A_12 = arith.addi %mul3A_10, %add3A_11 : i32
    "tpu.region"() ({
      %run_scoped3A_253 = tpu.sem_alloc : memref<!tpu.dma_semaphore, #tpu.memory_space<semaphore_mem>>
      %dma_start3A_254 = arith.constant 0 : i32
      %dma_start3A_255 = tpu.memref_slice %arg10[%add3A_12, %dma_start3A_254] : memref<10240x128xf32, #tpu.memory_space<vmem_shared>> -> memref<128x128xf32, #tpu.memory_space<vmem_shared>>
      %dma_start3A_256 = arith.constant 0 : i32
      %dma_start3A_257 = tpu.memref_slice %arg10[%add3A_12, %dma_start3A_256] : memref<10240x128xf32, #tpu.memory_space<vmem_shared>> -> memref<128x128xf32, #tpu.memory_space<vmem_shared>>
      tpu.enqueue_dma source(%arg8 : memref<128x128xf32, #tpu.memory_space<vmem>>) target(%dma_start3A_257 : memref<128x128xf32, #tpu.memory_space<vmem_shared>>) target_semaphore(%run_scoped3A_253 : memref<!tpu.dma_semaphore, #tpu.memory_space<semaphore_mem>>)
      %dma_wait3A_258 = arith.constant 0 : i32
      %dma_wait3A_259 = tpu.memref_slice %arg10[%add3A_12, %dma_wait3A_258] : memref<10240x128xf32, #tpu.memory_space<vmem_shared>> -> memref<128x128xf32, #tpu.memory_space<vmem_shared>>
      %dma_wait3A_260 = arith.constant 0 : i32
      %dma_wait3A_261 = tpu.memref_slice %arg10[%add3A_12, %dma_wait3A_260] : memref<10240x128xf32, #tpu.memory_space<vmem_shared>> -> memref<128x128xf32, #tpu.memory_space<vmem_shared>>
      tpu.wait_dma2 semaphore(%run_scoped3A_253 : memref<!tpu.dma_semaphore, #tpu.memory_space<semaphore_mem>>) src(%arg8 : memref<128x128xf32, #tpu.memory_space<vmem>>) dst(%dma_wait3A_261 : memref<128x128xf32, #tpu.memory_space<vmem_shared>>)
      tpu.yield
    }) : () -> ()
    %mul3A_13 = arith.constant 640 : i32
    %mul3A_14 = arith.muli %arg1, %mul3A_13 : i32
    %add3A_15 = arith.constant 384 : i32
    %add3A_16 = arith.addi %mul3A_14, %add3A_15 : i32
    "tpu.region"() ({
      %run_scoped3A_253 = tpu.sem_alloc : memref<!tpu.dma_semaphore, #tpu.memory_space<semaphore_mem>>
      %dma_start3A_254 = arith.constant 0 : i32
      %dma_start3A_255 = tpu.memref_slice %arg10[%add3A_16, %dma_start3A_254] : memref<10240x128xf32, #tpu.memory_space<vmem_shared>> -> memref<128x128xf32, #tpu.memory_space<vmem_shared>>
      %dma_start3A_256 = arith.constant 0 : i32
      %dma_start3A_257 = tpu.memref_slice %arg10[%add3A_16, %dma_start3A_256] : memref<10240x128xf32, #tpu.memory_space<vmem_shared>> -> memref<128x128xf32, #tpu.memory_space<vmem_shared>>
      tpu.enqueue_dma source(%arg8 : memref<128x128xf32, #tpu.memory_space<vmem>>) target(%dma_start3A_257 : memref<128x128xf32, #tpu.memory_space<vmem_shared>>) target_semaphore(%run_scoped3A_253 : memref<!tpu.dma_semaphore, #tpu.memory_space<semaphore_mem>>)
      %dma_wait3A_258 = arith.constant 0 : i32
      %dma_wait3A_259 = tpu.memref_slice %arg10[%add3A_16, %dma_wait3A_258] : memref<10240x128xf32, #tpu.memory_space<vmem_shared>> -> memref<128x128xf32, #tpu.memory_space<vmem_shared>>
      %dma_wait3A_260 = arith.constant 0 : i32
      %dma_wait3A_261 = tpu.memref_slice %arg10[%add3A_16, %dma_wait3A_260] : memref<10240x128xf32, #tpu.memory_space<vmem_shared>> -> memref<128x128xf32, #tpu.memory_space<vmem_shared>>
      tpu.wait_dma2 semaphore(%run_scoped3A_253 : memref<!tpu.dma_semaphore, #tpu.memory_space<semaphore_mem>>) src(%arg8 : memref<128x128xf32, #tpu.memory_space<vmem>>) dst(%dma_wait3A_261 : memref<128x128xf32, #tpu.memory_space<vmem_shared>>)
      tpu.yield
    }) : () -> ()
    %mul3A_17 = arith.constant 640 : i32
    %mul3A_18 = arith.muli %arg1, %mul3A_17 : i32
    %add3A_19 = arith.constant 512 : i32
    %add3A_20 = arith.addi %mul3A_18, %add3A_19 : i32
    "tpu.region"() ({
      %run_scoped3A_253 = tpu.sem_alloc : memref<!tpu.dma_semaphore, #tpu.memory_space<semaphore_mem>>
      %dma_start3A_254 = arith.constant 0 : i32
      %dma_start3A_255 = tpu.memref_slice %arg10[%add3A_20, %dma_start3A_254] : memref<10240x128xf32, #tpu.memory_space<vmem_shared>> -> memref<128x128xf32, #tpu.memory_space<vmem_shared>>
      %dma_start3A_256 = arith.constant 0 : i32
      %dma_start3A_257 = tpu.memref_slice %arg10[%add3A_20, %dma_start3A_256] : memref<10240x128xf32, #tpu.memory_space<vmem_shared>> -> memref<128x128xf32, #tpu.memory_space<vmem_shared>>
      tpu.enqueue_dma source(%arg8 : memref<128x128xf32, #tpu.memory_space<vmem>>) target(%dma_start3A_257 : memref<128x128xf32, #tpu.memory_space<vmem_shared>>) target_semaphore(%run_scoped3A_253 : memref<!tpu.dma_semaphore, #tpu.memory_space<semaphore_mem>>)
      %dma_wait3A_258 = arith.constant 0 : i32
      %dma_wait3A_259 = tpu.memref_slice %arg10[%add3A_20, %dma_wait3A_258] : memref<10240x128xf32, #tpu.memory_space<vmem_shared>> -> memref<128x128xf32, #tpu.memory_space<vmem_shared>>
      %dma_wait3A_260 = arith.constant 0 : i32
      %dma_wait3A_261 = tpu.memref_slice %arg10[%add3A_20, %dma_wait3A_260] : memref<10240x128xf32, #tpu.memory_space<vmem_shared>> -> memref<128x128xf32, #tpu.memory_space<vmem_shared>>
      tpu.wait_dma2 semaphore(%run_scoped3A_253 : memref<!tpu.dma_semaphore, #tpu.memory_space<semaphore_mem>>) src(%arg8 : memref<128x128xf32, #tpu.memory_space<vmem>>) dst(%dma_wait3A_261 : memref<128x128xf32, #tpu.memory_space<vmem_shared>>)
      tpu.yield
    }) : () -> ()
    %barrier3A = arith.constant 0 : index
    tpu.barrier barrier_id(%barrier3A)
    %lt3A = arith.constant 4 : i32
    %lt3A_21 = arith.cmpi slt, %add3A, %lt3A : i32
    %jit3A = arith.constant 79 : i32
    %jit3A_22 = arith.constant 78 : i32
    %select_n3A = arith.select %lt3A_21, %jit3A, %jit3A_22 : i32
    %mul3A_23 = arith.constant 78 : i32
    %mul3A_24 = arith.muli %mul3A_23, %add3A : i32
    %min3A = arith.constant 4 : i32
    %min3A_25 = arith.minsi %add3A, %min3A : i32
    %add3A_26 = arith.addi %mul3A_24, %min3A_25 : i32
    %add3A_27 = arith.constant 40 : i32
    %add3A_28 = arith.addi %add3A_26, %add3A_27 : i32
    %jit3A_29 = arith.constant 8 : i32
    %div3A = arith.divsi %add3A_26, %jit3A_29 : i32
    %sign3A = arith.constant 0 : i32
    %sign3A_30 = arith.cmpi sgt, %add3A_26, %sign3A : i32
    %sign3A_31 = arith.extui %sign3A_30 : i1 to i32
    %sign3A_32 = arith.constant 0 : i32
    %sign3A_33 = arith.cmpi slt, %add3A_26, %sign3A_32 : i32
    %sign3A_34 = arith.extui %sign3A_33 : i1 to i32
    %sign3A_35 = arith.subi %sign3A_31, %sign3A_34 : i32
    %sign3A_36 = arith.constant 0 : i32
    %sign3A_37 = arith.cmpi sgt, %jit3A_29, %sign3A_36 : i32
    %sign3A_38 = arith.extui %sign3A_37 : i1 to i32
    %sign3A_39 = arith.constant 0 : i32
    %sign3A_40 = arith.cmpi slt, %jit3A_29, %sign3A_39 : i32
    %sign3A_41 = arith.extui %sign3A_40 : i1 to i32
    %sign3A_42 = arith.subi %sign3A_38, %sign3A_41 : i32
    %ne3A = arith.cmpi ne, %sign3A_35, %sign3A_42 : i32
    %rem3A = arith.remsi %add3A_26, %jit3A_29 : i32
    %ne3A_43 = arith.constant 0 : i32
    %ne3A_44 = arith.cmpi ne, %rem3A, %ne3A_43 : i32
    %and3A = arith.andi %ne3A, %ne3A_44 : i1
    %sub3A = arith.constant 1 : i32
    %sub3A_45 = arith.subi %div3A, %sub3A : i32
    %select_n3A_46 = arith.select %and3A, %sub3A_45, %div3A : i32
    %mul3A_47 = arith.constant 8 : i32
    %mul3A_48 = arith.muli %select_n3A_46, %mul3A_47 : i32
    %sub3A_49 = arith.subi %add3A_26, %mul3A_48 : i32
    %sub3A_50 = arith.subi %add3A_28, %mul3A_48 : i32
    %run_scoped3A = arith.constant 0 : i32
    "tpu.region"() ({
      %run_scoped3A_253 = tpu.sem_alloc : memref<!tpu.dma_semaphore, #tpu.memory_space<semaphore_mem>>
      %dma_start3A_254 = arith.constant 0 : i32
      %dma_start3A_255 = arith.constant 0 : i32
      %dma_start3A_256 = tpu.memref_slice %arg3[%run_scoped3A, %dma_start3A_254, %dma_start3A_255] : memref<2x2504x128xi32, #tpu.memory_space<hbm>> -> memref<1x2504x128xi32, #tpu.memory_space<hbm>>
      %dma_start3A_257 = tpu.memref_squeeze %dma_start3A_256 : memref<1x2504x128xi32, #tpu.memory_space<hbm>> -> memref<2504x128xi32, #tpu.memory_space<hbm>>
      %dma_start3A_258 = arith.constant 0 : i32
      %dma_start3A_259 = tpu.memref_slice %dma_start3A_257[%mul3A_48, %dma_start3A_258] : memref<2504x128xi32, #tpu.memory_space<hbm>> -> memref<48x128xi32, #tpu.memory_space<hbm>>
      %dma_start3A_260 = arith.constant 0 : i32
      %dma_start3A_261 = arith.constant 0 : i32
      %dma_start3A_262 = tpu.memref_slice %arg3[%run_scoped3A, %dma_start3A_260, %dma_start3A_261] : memref<2x2504x128xi32, #tpu.memory_space<hbm>> -> memref<1x2504x128xi32, #tpu.memory_space<hbm>>
      %dma_start3A_263 = tpu.memref_squeeze %dma_start3A_262 : memref<1x2504x128xi32, #tpu.memory_space<hbm>> -> memref<2504x128xi32, #tpu.memory_space<hbm>>
      %dma_start3A_264 = arith.constant 0 : i32
      %dma_start3A_265 = tpu.memref_slice %dma_start3A_263[%mul3A_48, %dma_start3A_264] : memref<2504x128xi32, #tpu.memory_space<hbm>> -> memref<48x128xi32, #tpu.memory_space<hbm>>
      tpu.enqueue_dma source(%dma_start3A_265 : memref<48x128xi32, #tpu.memory_space<hbm>>) target(%arg6 : memref<48x128xi32, #tpu.memory_space<vmem>>) target_semaphore(%run_scoped3A_253 : memref<!tpu.dma_semaphore, #tpu.memory_space<semaphore_mem>>)
      %dma_wait3A_266 = arith.constant 0 : i32
      %dma_wait3A_267 = arith.constant 0 : i32
      %dma_wait3A_268 = tpu.memref_slice %arg3[%run_scoped3A, %dma_wait3A_266, %dma_wait3A_267] : memref<2x2504x128xi32, #tpu.memory_space<hbm>> -> memref<1x2504x128xi32, #tpu.memory_space<hbm>>
      %dma_wait3A_269 = tpu.memref_squeeze %dma_wait3A_268 : memref<1x2504x128xi32, #tpu.memory_space<hbm>> -> memref<2504x128xi32, #tpu.memory_space<hbm>>
      %dma_wait3A_270 = arith.constant 0 : i32
      %dma_wait3A_271 = tpu.memref_slice %dma_wait3A_269[%mul3A_48, %dma_wait3A_270] : memref<2504x128xi32, #tpu.memory_space<hbm>> -> memref<48x128xi32, #tpu.memory_space<hbm>>
      %dma_wait3A_272 = arith.constant 0 : i32
      %dma_wait3A_273 = arith.constant 0 : i32
      %dma_wait3A_274 = tpu.memref_slice %arg3[%run_scoped3A, %dma_wait3A_272, %dma_wait3A_273] : memref<2x2504x128xi32, #tpu.memory_space<hbm>> -> memref<1x2504x128xi32, #tpu.memory_space<hbm>>
      %dma_wait3A_275 = tpu.memref_squeeze %dma_wait3A_274 : memref<1x2504x128xi32, #tpu.memory_space<hbm>> -> memref<2504x128xi32, #tpu.memory_space<hbm>>
      %dma_wait3A_276 = arith.constant 0 : i32
      %dma_wait3A_277 = tpu.memref_slice %dma_wait3A_275[%mul3A_48, %dma_wait3A_276] : memref<2504x128xi32, #tpu.memory_space<hbm>> -> memref<48x128xi32, #tpu.memory_space<hbm>>
      tpu.wait_dma2 semaphore(%run_scoped3A_253 : memref<!tpu.dma_semaphore, #tpu.memory_space<semaphore_mem>>) src(%dma_wait3A_277 : memref<48x128xi32, #tpu.memory_space<hbm>>) dst(%arg6 : memref<48x128xi32, #tpu.memory_space<vmem>>)
      tpu.yield
    }) : () -> ()
    %run_scoped3A_51 = arith.constant 1 : i32
    "tpu.region"() ({
      %run_scoped3A_253 = tpu.sem_alloc : memref<!tpu.dma_semaphore, #tpu.memory_space<semaphore_mem>>
      %dma_start3A_254 = arith.constant 0 : i32
      %dma_start3A_255 = arith.constant 0 : i32
      %dma_start3A_256 = tpu.memref_slice %arg3[%run_scoped3A_51, %dma_start3A_254, %dma_start3A_255] : memref<2x2504x128xi32, #tpu.memory_space<hbm>> -> memref<1x2504x128xi32, #tpu.memory_space<hbm>>
      %dma_start3A_257 = tpu.memref_squeeze %dma_start3A_256 : memref<1x2504x128xi32, #tpu.memory_space<hbm>> -> memref<2504x128xi32, #tpu.memory_space<hbm>>
      %dma_start3A_258 = arith.constant 0 : i32
      %dma_start3A_259 = tpu.memref_slice %dma_start3A_257[%mul3A_48, %dma_start3A_258] : memref<2504x128xi32, #tpu.memory_space<hbm>> -> memref<48x128xi32, #tpu.memory_space<hbm>>
      %dma_start3A_260 = arith.constant 0 : i32
      %dma_start3A_261 = arith.constant 0 : i32
      %dma_start3A_262 = tpu.memref_slice %arg3[%run_scoped3A_51, %dma_start3A_260, %dma_start3A_261] : memref<2x2504x128xi32, #tpu.memory_space<hbm>> -> memref<1x2504x128xi32, #tpu.memory_space<hbm>>
      %dma_start3A_263 = tpu.memref_squeeze %dma_start3A_262 : memref<1x2504x128xi32, #tpu.memory_space<hbm>> -> memref<2504x128xi32, #tpu.memory_space<hbm>>
      %dma_start3A_264 = arith.constant 0 : i32
      %dma_start3A_265 = tpu.memref_slice %dma_start3A_263[%mul3A_48, %dma_start3A_264] : memref<2504x128xi32, #tpu.memory_space<hbm>> -> memref<48x128xi32, #tpu.memory_space<hbm>>
      tpu.enqueue_dma source(%dma_start3A_265 : memref<48x128xi32, #tpu.memory_space<hbm>>) target(%arg7 : memref<48x128xi32, #tpu.memory_space<vmem>>) target_semaphore(%run_scoped3A_253 : memref<!tpu.dma_semaphore, #tpu.memory_space<semaphore_mem>>)
      %dma_wait3A_266 = arith.constant 0 : i32
      %dma_wait3A_267 = arith.constant 0 : i32
      %dma_wait3A_268 = tpu.memref_slice %arg3[%run_scoped3A_51, %dma_wait3A_266, %dma_wait3A_267] : memref<2x2504x128xi32, #tpu.memory_space<hbm>> -> memref<1x2504x128xi32, #tpu.memory_space<hbm>>
      %dma_wait3A_269 = tpu.memref_squeeze %dma_wait3A_268 : memref<1x2504x128xi32, #tpu.memory_space<hbm>> -> memref<2504x128xi32, #tpu.memory_space<hbm>>
      %dma_wait3A_270 = arith.constant 0 : i32
      %dma_wait3A_271 = tpu.memref_slice %dma_wait3A_269[%mul3A_48, %dma_wait3A_270] : memref<2504x128xi32, #tpu.memory_space<hbm>> -> memref<48x128xi32, #tpu.memory_space<hbm>>
      %dma_wait3A_272 = arith.constant 0 : i32
      %dma_wait3A_273 = arith.constant 0 : i32
      %dma_wait3A_274 = tpu.memref_slice %arg3[%run_scoped3A_51, %dma_wait3A_272, %dma_wait3A_273] : memref<2x2504x128xi32, #tpu.memory_space<hbm>> -> memref<1x2504x128xi32, #tpu.memory_space<hbm>>
      %dma_wait3A_275 = tpu.memref_squeeze %dma_wait3A_274 : memref<1x2504x128xi32, #tpu.memory_space<hbm>> -> memref<2504x128xi32, #tpu.memory_space<hbm>>
      %dma_wait3A_276 = arith.constant 0 : i32
      %dma_wait3A_277 = tpu.memref_slice %dma_wait3A_275[%mul3A_48, %dma_wait3A_276] : memref<2504x128xi32, #tpu.memory_space<hbm>> -> memref<48x128xi32, #tpu.memory_space<hbm>>
      tpu.wait_dma2 semaphore(%run_scoped3A_253 : memref<!tpu.dma_semaphore, #tpu.memory_space<semaphore_mem>>) src(%dma_wait3A_277 : memref<48x128xi32, #tpu.memory_space<hbm>>) dst(%arg7 : memref<48x128xi32, #tpu.memory_space<vmem>>)
      tpu.yield
    }) : () -> ()
    %dma_start3A = arith.constant 0 : i32
    %dma_start3A_52 = tpu.memref_slice %arg6[%sub3A_49, %dma_start3A] : memref<48x128xi32, #tpu.memory_space<vmem>> -> memref<1x128xi32, #tpu.memory_space<vmem>>
    %dma_start3A_53 = tpu.memref_squeeze %dma_start3A_52 : memref<1x128xi32, #tpu.memory_space<vmem>> -> memref<128xi32, #tpu.memory_space<vmem>>
    %dma_start3A_54 = arith.constant 0 : i32
    %dma_start3A_55 = arith.constant 0 : i32
    %dma_start3A_56 = tpu.memref_slice %arg2[%dma_start3A_54, %dma_start3A_55] : memref<10000x128xf32, #tpu.memory_space<hbm>> -> memref<10000x128xf32, #tpu.memory_space<hbm>>
    tpu.enqueue_indirect_dma source(%dma_start3A_56 : memref<10000x128xf32, #tpu.memory_space<hbm>>) target(%arg8 : memref<128x128xf32, #tpu.memory_space<vmem>>) offsets(%dma_start3A_53 : memref<128xi32, #tpu.memory_space<vmem>>) semaphore(%arg11 : memref<!tpu.dma_semaphore, #tpu.memory_space<semaphore_mem>>)
    %while3A = arith.constant 0 : i32
    %while3A_57 = arith.subi %sub3A_50, %sub3A_49 : i32
    %while3A_58 = arith.addi %sub3A_49, %while3A_57 : i32
    %while3A_59 = arith.constant 1 : i32
    %while3A_60 = arith.divsi %while3A_57, %while3A_59 : i32
    %while3A_61 = arith.muli %while3A_60, %while3A_59 : i32
    %while3A_62 = arith.addi %sub3A_49, %while3A_61 : i32
    %while3A_63 = arith.constant 1 : i32
    scf.for %while3A_253 = %sub3A_49 to %while3A_62 step %while3A_63  : i32 {
      %sub3A_254 = arith.subi %while3A_253, %sub3A_49 : i32
      %jit3A_255 = arith.constant 2 : i32
      %eq3A = arith.constant 0 : i32
      %eq3A_256 = arith.cmpi eq, %jit3A_255, %eq3A : i32
      %jit3A_257 = arith.constant 1 : i32
      %select_n3A_258 = arith.select %eq3A_256, %jit3A_257, %jit3A_255 : i32
      %rem3A_259 = arith.remsi %sub3A_254, %select_n3A_258 : i32
      %ne3A_260 = arith.constant 0 : i32
      %ne3A_261 = arith.cmpi ne, %rem3A_259, %ne3A_260 : i32
      %lt3A_262 = arith.constant 0 : i32
      %lt3A_263 = arith.cmpi slt, %rem3A_259, %lt3A_262 : i32
      %lt3A_264 = arith.constant 0 : i32
      %lt3A_265 = arith.cmpi slt, %select_n3A_258, %lt3A_264 : i32
      %ne3A_266 = arith.xori %lt3A_263, %lt3A_265 : i1
      %and3A_267 = arith.andi %ne3A_266, %ne3A_261 : i1
      %add3A_268 = arith.addi %rem3A_259, %select_n3A_258 : i32
      %select_n3A_269 = arith.select %and3A_267, %add3A_268, %rem3A_259 : i32
      %eq3A_270 = arith.constant 0 : i32
      %eq3A_271 = arith.cmpi eq, %select_n3A_269, %eq3A_270 : i32
      %convert_element_type3A = arith.extui %eq3A_271 : i1 to i32
      %cond3A = arith.constant 0 : i32
      %cond3A_272 = arith.cmpi ne, %convert_element_type3A, %cond3A : i32
      scf.if %cond3A_272 {
        %add3A_294 = arith.constant 1 : i32
        %add3A_295 = arith.addi %while3A_253, %add3A_294 : i32
        %lt3A_296 = arith.cmpi slt, %add3A_295, %sub3A_50 : i32
        %convert_element_type3A_297 = arith.extui %lt3A_296 : i1 to i32
        %cond3A_298 = arith.constant 0 : i32
        %cond3A_299 = arith.cmpi ne, %convert_element_type3A_297, %cond3A_298 : i32
        scf.if %cond3A_299 {
          %add3A_306 = arith.constant 1 : i32
          %add3A_307 = arith.addi %while3A_253, %add3A_306 : i32
          %dma_start3A_308 = arith.constant 0 : i32
          %dma_start3A_309 = tpu.memref_slice %arg6[%add3A_307, %dma_start3A_308] : memref<48x128xi32, #tpu.memory_space<vmem>> -> memref<1x128xi32, #tpu.memory_space<vmem>>
          %dma_start3A_310 = tpu.memref_squeeze %dma_start3A_309 : memref<1x128xi32, #tpu.memory_space<vmem>> -> memref<128xi32, #tpu.memory_space<vmem>>
          %dma_start3A_311 = arith.constant 0 : i32
          %dma_start3A_312 = arith.constant 0 : i32
          %dma_start3A_313 = tpu.memref_slice %arg2[%dma_start3A_311, %dma_start3A_312] : memref<10000x128xf32, #tpu.memory_space<hbm>> -> memref<10000x128xf32, #tpu.memory_space<hbm>>
          tpu.enqueue_indirect_dma source(%dma_start3A_313 : memref<10000x128xf32, #tpu.memory_space<hbm>>) target(%arg9 : memref<128x128xf32, #tpu.memory_space<vmem>>) offsets(%dma_start3A_310 : memref<128xi32, #tpu.memory_space<vmem>>) semaphore(%arg12 : memref<!tpu.dma_semaphore, #tpu.memory_space<semaphore_mem>>)
        } else {
        }
        %dma_wait3A_300 = arith.constant 0 : i32
        %dma_wait3A_301 = tpu.memref_slice %arg6[%while3A_253, %dma_wait3A_300] : memref<48x128xi32, #tpu.memory_space<vmem>> -> memref<1x128xi32, #tpu.memory_space<vmem>>
        %dma_wait3A_302 = tpu.memref_squeeze %dma_wait3A_301 : memref<1x128xi32, #tpu.memory_space<vmem>> -> memref<128xi32, #tpu.memory_space<vmem>>
        %dma_wait3A_303 = arith.constant 0 : i32
        %dma_wait3A_304 = arith.constant 0 : i32
        %dma_wait3A_305 = tpu.memref_slice %arg2[%dma_wait3A_303, %dma_wait3A_304] : memref<10000x128xf32, #tpu.memory_space<hbm>> -> memref<10000x128xf32, #tpu.memory_space<hbm>>
        tpu.wait_indirect_dma semaphore(%arg11 : memref<!tpu.dma_semaphore, #tpu.memory_space<semaphore_mem>>) src(%dma_wait3A_305 : memref<10000x128xf32, #tpu.memory_space<hbm>>) dst(%arg8 : memref<128x128xf32, #tpu.memory_space<vmem>>)
        "tpu.region"() ({
          %run_scoped3A_306 = tpu.sem_alloc : memref<!tpu.dma_semaphore, #tpu.memory_space<semaphore_mem>>
          %dma_start3A_307 = arith.constant 0 : i32
          %dma_start3A_308 = tpu.memref_slice %arg7[%while3A_253, %dma_start3A_307] : memref<48x128xi32, #tpu.memory_space<vmem>> -> memref<1x128xi32, #tpu.memory_space<vmem>>
          %dma_start3A_309 = tpu.memref_squeeze %dma_start3A_308 : memref<1x128xi32, #tpu.memory_space<vmem>> -> memref<128xi32, #tpu.memory_space<vmem>>
          %dma_start3A_310 = arith.constant 0 : i32
          %dma_start3A_311 = arith.constant 0 : i32
          %dma_start3A_312 = tpu.memref_slice %arg10[%dma_start3A_310, %dma_start3A_311] : memref<10240x128xf32, #tpu.memory_space<vmem_shared>> -> memref<10240x128xf32, #tpu.memory_space<vmem_shared>>
          tpu.enqueue_indirect_dma source(%arg8 : memref<128x128xf32, #tpu.memory_space<vmem>>) target(%dma_start3A_312 : memref<10240x128xf32, #tpu.memory_space<vmem_shared>>) offsets(%dma_start3A_309 : memref<128xi32, #tpu.memory_space<vmem>>) semaphore(%run_scoped3A_306 : memref<!tpu.dma_semaphore, #tpu.memory_space<semaphore_mem>>) {add = true}
          %dma_wait3A_313 = arith.constant 0 : i32
          %dma_wait3A_314 = tpu.memref_slice %arg7[%while3A_253, %dma_wait3A_313] : memref<48x128xi32, #tpu.memory_space<vmem>> -> memref<1x128xi32, #tpu.memory_space<vmem>>
          %dma_wait3A_315 = tpu.memref_squeeze %dma_wait3A_314 : memref<1x128xi32, #tpu.memory_space<vmem>> -> memref<128xi32, #tpu.memory_space<vmem>>
          %dma_wait3A_316 = arith.constant 0 : i32
          %dma_wait3A_317 = arith.constant 0 : i32
          %dma_wait3A_318 = tpu.memref_slice %arg10[%dma_wait3A_316, %dma_wait3A_317] : memref<10240x128xf32, #tpu.memory_space<vmem_shared>> -> memref<10240x128xf32, #tpu.memory_space<vmem_shared>>
          tpu.wait_indirect_dma semaphore(%run_scoped3A_306 : memref<!tpu.dma_semaphore, #tpu.memory_space<semaphore_mem>>) src(%arg8 : memref<128x128xf32, #tpu.memory_space<vmem>>) dst(%dma_wait3A_318 : memref<10240x128xf32, #tpu.memory_space<vmem_shared>>)
          tpu.yield
        }) : () -> ()
      } else {
      }
      %jit3A_273 = arith.constant 2 : i32
      %eq3A_274 = arith.constant 0 : i32
      %eq3A_275 = arith.cmpi eq, %jit3A_273, %eq3A_274 : i32
      %jit3A_276 = arith.constant 1 : i32
      %select_n3A_277 = arith.select %eq3A_275, %jit3A_276, %jit3A_273 : i32
      %rem3A_278 = arith.remsi %sub3A_254, %select_n3A_277 : i32
      %ne3A_279 = arith.constant 0 : i32
      %ne3A_280 = arith.cmpi ne, %rem3A_278, %ne3A_279 : i32
      %lt3A_281 = arith.constant 0 : i32
      %lt3A_282 = arith.cmpi slt, %rem3A_278, %lt3A_281 : i32
      %lt3A_283 = arith.constant 0 : i32
      %lt3A_284 = arith.cmpi slt, %select_n3A_277, %lt3A_283 : i32
      %ne3A_285 = arith.xori %lt3A_282, %lt3A_284 : i1
      %and3A_286 = arith.andi %ne3A_285, %ne3A_280 : i1
      %add3A_287 = arith.addi %rem3A_278, %select_n3A_277 : i32
      %select_n3A_288 = arith.select %and3A_286, %add3A_287, %rem3A_278 : i32
      %eq3A_289 = arith.constant 1 : i32
      %eq3A_290 = arith.cmpi eq, %select_n3A_288, %eq3A_289 : i32
      %convert_element_type3A_291 = arith.extui %eq3A_290 : i1 to i32
      %cond3A_292 = arith.constant 0 : i32
      %cond3A_293 = arith.cmpi ne, %convert_element_type3A_291, %cond3A_292 : i32
      scf.if %cond3A_293 {
        %add3A_294 = arith.constant 1 : i32
        %add3A_295 = arith.addi %while3A_253, %add3A_294 : i32
        %lt3A_296 = arith.cmpi slt, %add3A_295, %sub3A_50 : i32
        %convert_element_type3A_297 = arith.extui %lt3A_296 : i1 to i32
        %cond3A_298 = arith.constant 0 : i32
        %cond3A_299 = arith.cmpi ne, %convert_element_type3A_297, %cond3A_298 : i32
        scf.if %cond3A_299 {
          %add3A_306 = arith.constant 1 : i32
          %add3A_307 = arith.addi %while3A_253, %add3A_306 : i32
          %dma_start3A_308 = arith.constant 0 : i32
          %dma_start3A_309 = tpu.memref_slice %arg6[%add3A_307, %dma_start3A_308] : memref<48x128xi32, #tpu.memory_space<vmem>> -> memref<1x128xi32, #tpu.memory_space<vmem>>
          %dma_start3A_310 = tpu.memref_squeeze %dma_start3A_309 : memref<1x128xi32, #tpu.memory_space<vmem>> -> memref<128xi32, #tpu.memory_space<vmem>>
          %dma_start3A_311 = arith.constant 0 : i32
          %dma_start3A_312 = arith.constant 0 : i32
          %dma_start3A_313 = tpu.memref_slice %arg2[%dma_start3A_311, %dma_start3A_312] : memref<10000x128xf32, #tpu.memory_space<hbm>> -> memref<10000x128xf32, #tpu.memory_space<hbm>>
          tpu.enqueue_indirect_dma source(%dma_start3A_313 : memref<10000x128xf32, #tpu.memory_space<hbm>>) target(%arg8 : memref<128x128xf32, #tpu.memory_space<vmem>>) offsets(%dma_start3A_310 : memref<128xi32, #tpu.memory_space<vmem>>) semaphore(%arg11 : memref<!tpu.dma_semaphore, #tpu.memory_space<semaphore_mem>>)
        } else {
        }
        %dma_wait3A_300 = arith.constant 0 : i32
        %dma_wait3A_301 = tpu.memref_slice %arg6[%while3A_253, %dma_wait3A_300] : memref<48x128xi32, #tpu.memory_space<vmem>> -> memref<1x128xi32, #tpu.memory_space<vmem>>
        %dma_wait3A_302 = tpu.memref_squeeze %dma_wait3A_301 : memref<1x128xi32, #tpu.memory_space<vmem>> -> memref<128xi32, #tpu.memory_space<vmem>>
        %dma_wait3A_303 = arith.constant 0 : i32
        %dma_wait3A_304 = arith.constant 0 : i32
        %dma_wait3A_305 = tpu.memref_slice %arg2[%dma_wait3A_303, %dma_wait3A_304] : memref<10000x128xf32, #tpu.memory_space<hbm>> -> memref<10000x128xf32, #tpu.memory_space<hbm>>
        tpu.wait_indirect_dma semaphore(%arg12 : memref<!tpu.dma_semaphore, #tpu.memory_space<semaphore_mem>>) src(%dma_wait3A_305 : memref<10000x128xf32, #tpu.memory_space<hbm>>) dst(%arg9 : memref<128x128xf32, #tpu.memory_space<vmem>>)
        "tpu.region"() ({
          %run_scoped3A_306 = tpu.sem_alloc : memref<!tpu.dma_semaphore, #tpu.memory_space<semaphore_mem>>
          %dma_start3A_307 = arith.constant 0 : i32
          %dma_start3A_308 = tpu.memref_slice %arg7[%while3A_253, %dma_start3A_307] : memref<48x128xi32, #tpu.memory_space<vmem>> -> memref<1x128xi32, #tpu.memory_space<vmem>>
          %dma_start3A_309 = tpu.memref_squeeze %dma_start3A_308 : memref<1x128xi32, #tpu.memory_space<vmem>> -> memref<128xi32, #tpu.memory_space<vmem>>
          %dma_start3A_310 = arith.constant 0 : i32
          %dma_start3A_311 = arith.constant 0 : i32
          %dma_start3A_312 = tpu.memref_slice %arg10[%dma_start3A_310, %dma_start3A_311] : memref<10240x128xf32, #tpu.memory_space<vmem_shared>> -> memref<10240x128xf32, #tpu.memory_space<vmem_shared>>
          tpu.enqueue_indirect_dma source(%arg9 : memref<128x128xf32, #tpu.memory_space<vmem>>) target(%dma_start3A_312 : memref<10240x128xf32, #tpu.memory_space<vmem_shared>>) offsets(%dma_start3A_309 : memref<128xi32, #tpu.memory_space<vmem>>) semaphore(%run_scoped3A_306 : memref<!tpu.dma_semaphore, #tpu.memory_space<semaphore_mem>>) {add = true}
          %dma_wait3A_313 = arith.constant 0 : i32
          %dma_wait3A_314 = tpu.memref_slice %arg7[%while3A_253, %dma_wait3A_313] : memref<48x128xi32, #tpu.memory_space<vmem>> -> memref<1x128xi32, #tpu.memory_space<vmem>>
          %dma_wait3A_315 = tpu.memref_squeeze %dma_wait3A_314 : memref<1x128xi32, #tpu.memory_space<vmem>> -> memref<128xi32, #tpu.memory_space<vmem>>
          %dma_wait3A_316 = arith.constant 0 : i32
          %dma_wait3A_317 = arith.constant 0 : i32
          %dma_wait3A_318 = tpu.memref_slice %arg10[%dma_wait3A_316, %dma_wait3A_317] : memref<10240x128xf32, #tpu.memory_space<vmem_shared>> -> memref<10240x128xf32, #tpu.memory_space<vmem_shared>>
          tpu.wait_indirect_dma semaphore(%run_scoped3A_306 : memref<!tpu.dma_semaphore, #tpu.memory_space<semaphore_mem>>) src(%arg9 : memref<128x128xf32, #tpu.memory_space<vmem>>) dst(%dma_wait3A_318 : memref<10240x128xf32, #tpu.memory_space<vmem_shared>>)
          tpu.yield
        }) : () -> ()
      } else {
      }
    }
    %while3A_64 = arith.constant 1 : i32
    scf.for %while3A_253 = %while3A_62 to %while3A_58 step %while3A_64  : i32 {
      %sub3A_254 = arith.subi %while3A_253, %sub3A_49 : i32
      %jit3A_255 = arith.constant 2 : i32
      %eq3A = arith.constant 0 : i32
      %eq3A_256 = arith.cmpi eq, %jit3A_255, %eq3A : i32
      %jit3A_257 = arith.constant 1 : i32
      %select_n3A_258 = arith.select %eq3A_256, %jit3A_257, %jit3A_255 : i32
      %rem3A_259 = arith.remsi %sub3A_254, %select_n3A_258 : i32
      %ne3A_260 = arith.constant 0 : i32
      %ne3A_261 = arith.cmpi ne, %rem3A_259, %ne3A_260 : i32
      %lt3A_262 = arith.constant 0 : i32
      %lt3A_263 = arith.cmpi slt, %rem3A_259, %lt3A_262 : i32
      %lt3A_264 = arith.constant 0 : i32
      %lt3A_265 = arith.cmpi slt, %select_n3A_258, %lt3A_264 : i32
      %ne3A_266 = arith.xori %lt3A_263, %lt3A_265 : i1
      %and3A_267 = arith.andi %ne3A_266, %ne3A_261 : i1
      %add3A_268 = arith.addi %rem3A_259, %select_n3A_258 : i32
      %select_n3A_269 = arith.select %and3A_267, %add3A_268, %rem3A_259 : i32
      %eq3A_270 = arith.constant 0 : i32
      %eq3A_271 = arith.cmpi eq, %select_n3A_269, %eq3A_270 : i32
      %convert_element_type3A = arith.extui %eq3A_271 : i1 to i32
      %cond3A = arith.constant 0 : i32
      %cond3A_272 = arith.cmpi ne, %convert_element_type3A, %cond3A : i32
      scf.if %cond3A_272 {
        %add3A_294 = arith.constant 1 : i32
        %add3A_295 = arith.addi %while3A_253, %add3A_294 : i32
        %lt3A_296 = arith.cmpi slt, %add3A_295, %sub3A_50 : i32
        %convert_element_type3A_297 = arith.extui %lt3A_296 : i1 to i32
        %cond3A_298 = arith.constant 0 : i32
        %cond3A_299 = arith.cmpi ne, %convert_element_type3A_297, %cond3A_298 : i32
        scf.if %cond3A_299 {
          %add3A_306 = arith.constant 1 : i32
          %add3A_307 = arith.addi %while3A_253, %add3A_306 : i32
          %dma_start3A_308 = arith.constant 0 : i32
          %dma_start3A_309 = tpu.memref_slice %arg6[%add3A_307, %dma_start3A_308] : memref<48x128xi32, #tpu.memory_space<vmem>> -> memref<1x128xi32, #tpu.memory_space<vmem>>
          %dma_start3A_310 = tpu.memref_squeeze %dma_start3A_309 : memref<1x128xi32, #tpu.memory_space<vmem>> -> memref<128xi32, #tpu.memory_space<vmem>>
          %dma_start3A_311 = arith.constant 0 : i32
          %dma_start3A_312 = arith.constant 0 : i32
          %dma_start3A_313 = tpu.memref_slice %arg2[%dma_start3A_311, %dma_start3A_312] : memref<10000x128xf32, #tpu.memory_space<hbm>> -> memref<10000x128xf32, #tpu.memory_space<hbm>>
          tpu.enqueue_indirect_dma source(%dma_start3A_313 : memref<10000x128xf32, #tpu.memory_space<hbm>>) target(%arg9 : memref<128x128xf32, #tpu.memory_space<vmem>>) offsets(%dma_start3A_310 : memref<128xi32, #tpu.memory_space<vmem>>) semaphore(%arg12 : memref<!tpu.dma_semaphore, #tpu.memory_space<semaphore_mem>>)
        } else {
        }
        %dma_wait3A_300 = arith.constant 0 : i32
        %dma_wait3A_301 = tpu.memref_slice %arg6[%while3A_253, %dma_wait3A_300] : memref<48x128xi32, #tpu.memory_space<vmem>> -> memref<1x128xi32, #tpu.memory_space<vmem>>
        %dma_wait3A_302 = tpu.memref_squeeze %dma_wait3A_301 : memref<1x128xi32, #tpu.memory_space<vmem>> -> memref<128xi32, #tpu.memory_space<vmem>>
        %dma_wait3A_303 = arith.constant 0 : i32
        %dma_wait3A_304 = arith.constant 0 : i32
        %dma_wait3A_305 = tpu.memref_slice %arg2[%dma_wait3A_303, %dma_wait3A_304] : memref<10000x128xf32, #tpu.memory_space<hbm>> -> memref<10000x128xf32, #tpu.memory_space<hbm>>
        tpu.wait_indirect_dma semaphore(%arg11 : memref<!tpu.dma_semaphore, #tpu.memory_space<semaphore_mem>>) src(%dma_wait3A_305 : memref<10000x128xf32, #tpu.memory_space<hbm>>) dst(%arg8 : memref<128x128xf32, #tpu.memory_space<vmem>>)
        "tpu.region"() ({
          %run_scoped3A_306 = tpu.sem_alloc : memref<!tpu.dma_semaphore, #tpu.memory_space<semaphore_mem>>
          %dma_start3A_307 = arith.constant 0 : i32
          %dma_start3A_308 = tpu.memref_slice %arg7[%while3A_253, %dma_start3A_307] : memref<48x128xi32, #tpu.memory_space<vmem>> -> memref<1x128xi32, #tpu.memory_space<vmem>>
          %dma_start3A_309 = tpu.memref_squeeze %dma_start3A_308 : memref<1x128xi32, #tpu.memory_space<vmem>> -> memref<128xi32, #tpu.memory_space<vmem>>
          %dma_start3A_310 = arith.constant 0 : i32
          %dma_start3A_311 = arith.constant 0 : i32
          %dma_start3A_312 = tpu.memref_slice %arg10[%dma_start3A_310, %dma_start3A_311] : memref<10240x128xf32, #tpu.memory_space<vmem_shared>> -> memref<10240x128xf32, #tpu.memory_space<vmem_shared>>
          tpu.enqueue_indirect_dma source(%arg8 : memref<128x128xf32, #tpu.memory_space<vmem>>) target(%dma_start3A_312 : memref<10240x128xf32, #tpu.memory_space<vmem_shared>>) offsets(%dma_start3A_309 : memref<128xi32, #tpu.memory_space<vmem>>) semaphore(%run_scoped3A_306 : memref<!tpu.dma_semaphore, #tpu.memory_space<semaphore_mem>>) {add = true}
          %dma_wait3A_313 = arith.constant 0 : i32
          %dma_wait3A_314 = tpu.memref_slice %arg7[%while3A_253, %dma_wait3A_313] : memref<48x128xi32, #tpu.memory_space<vmem>> -> memref<1x128xi32, #tpu.memory_space<vmem>>
          %dma_wait3A_315 = tpu.memref_squeeze %dma_wait3A_314 : memref<1x128xi32, #tpu.memory_space<vmem>> -> memref<128xi32, #tpu.memory_space<vmem>>
          %dma_wait3A_316 = arith.constant 0 : i32
          %dma_wait3A_317 = arith.constant 0 : i32
          %dma_wait3A_318 = tpu.memref_slice %arg10[%dma_wait3A_316, %dma_wait3A_317] : memref<10240x128xf32, #tpu.memory_space<vmem_shared>> -> memref<10240x128xf32, #tpu.memory_space<vmem_shared>>
          tpu.wait_indirect_dma semaphore(%run_scoped3A_306 : memref<!tpu.dma_semaphore, #tpu.memory_space<semaphore_mem>>) src(%arg8 : memref<128x128xf32, #tpu.memory_space<vmem>>) dst(%dma_wait3A_318 : memref<10240x128xf32, #tpu.memory_space<vmem_shared>>)
          tpu.yield
        }) : () -> ()
      } else {
      }
      %jit3A_273 = arith.constant 2 : i32
      %eq3A_274 = arith.constant 0 : i32
      %eq3A_275 = arith.cmpi eq, %jit3A_273, %eq3A_274 : i32
      %jit3A_276 = arith.constant 1 : i32
      %select_n3A_277 = arith.select %eq3A_275, %jit3A_276, %jit3A_273 : i32
      %rem3A_278 = arith.remsi %sub3A_254, %select_n3A_277 : i32
      %ne3A_279 = arith.constant 0 : i32
      %ne3A_280 = arith.cmpi ne, %rem3A_278, %ne3A_279 : i32
      %lt3A_281 = arith.constant 0 : i32
      %lt3A_282 = arith.cmpi slt, %rem3A_278, %lt3A_281 : i32
      %lt3A_283 = arith.constant 0 : i32
      %lt3A_284 = arith.cmpi slt, %select_n3A_277, %lt3A_283 : i32
      %ne3A_285 = arith.xori %lt3A_282, %lt3A_284 : i1
      %and3A_286 = arith.andi %ne3A_285, %ne3A_280 : i1
      %add3A_287 = arith.addi %rem3A_278, %select_n3A_277 : i32
      %select_n3A_288 = arith.select %and3A_286, %add3A_287, %rem3A_278 : i32
      %eq3A_289 = arith.constant 1 : i32
      %eq3A_290 = arith.cmpi eq, %select_n3A_288, %eq3A_289 : i32
      %convert_element_type3A_291 = arith.extui %eq3A_290 : i1 to i32
      %cond3A_292 = arith.constant 0 : i32
      %cond3A_293 = arith.cmpi ne, %convert_element_type3A_291, %cond3A_292 : i32
      scf.if %cond3A_293 {
        %add3A_294 = arith.constant 1 : i32
        %add3A_295 = arith.addi %while3A_253, %add3A_294 : i32
        %lt3A_296 = arith.cmpi slt, %add3A_295, %sub3A_50 : i32
        %convert_element_type3A_297 = arith.extui %lt3A_296 : i1 to i32
        %cond3A_298 = arith.constant 0 : i32
        %cond3A_299 = arith.cmpi ne, %convert_element_type3A_297, %cond3A_298 : i32
        scf.if %cond3A_299 {
          %add3A_306 = arith.constant 1 : i32
          %add3A_307 = arith.addi %while3A_253, %add3A_306 : i32
          %dma_start3A_308 = arith.constant 0 : i32
          %dma_start3A_309 = tpu.memref_slice %arg6[%add3A_307, %dma_start3A_308] : memref<48x128xi32, #tpu.memory_space<vmem>> -> memref<1x128xi32, #tpu.memory_space<vmem>>
          %dma_start3A_310 = tpu.memref_squeeze %dma_start3A_309 : memref<1x128xi32, #tpu.memory_space<vmem>> -> memref<128xi32, #tpu.memory_space<vmem>>
          %dma_start3A_311 = arith.constant 0 : i32
          %dma_start3A_312 = arith.constant 0 : i32
          %dma_start3A_313 = tpu.memref_slice %arg2[%dma_start3A_311, %dma_start3A_312] : memref<10000x128xf32, #tpu.memory_space<hbm>> -> memref<10000x128xf32, #tpu.memory_space<hbm>>
          tpu.enqueue_indirect_dma source(%dma_start3A_313 : memref<10000x128xf32, #tpu.memory_space<hbm>>) target(%arg8 : memref<128x128xf32, #tpu.memory_space<vmem>>) offsets(%dma_start3A_310 : memref<128xi32, #tpu.memory_space<vmem>>) semaphore(%arg11 : memref<!tpu.dma_semaphore, #tpu.memory_space<semaphore_mem>>)
        } else {
        }
        %dma_wait3A_300 = arith.constant 0 : i32
        %dma_wait3A_301 = tpu.memref_slice %arg6[%while3A_253, %dma_wait3A_300] : memref<48x128xi32, #tpu.memory_space<vmem>> -> memref<1x128xi32, #tpu.memory_space<vmem>>
        %dma_wait3A_302 = tpu.memref_squeeze %dma_wait3A_301 : memref<1x128xi32, #tpu.memory_space<vmem>> -> memref<128xi32, #tpu.memory_space<vmem>>
        %dma_wait3A_303 = arith.constant 0 : i32
        %dma_wait3A_304 = arith.constant 0 : i32
        %dma_wait3A_305 = tpu.memref_slice %arg2[%dma_wait3A_303, %dma_wait3A_304] : memref<10000x128xf32, #tpu.memory_space<hbm>> -> memref<10000x128xf32, #tpu.memory_space<hbm>>
        tpu.wait_indirect_dma semaphore(%arg12 : memref<!tpu.dma_semaphore, #tpu.memory_space<semaphore_mem>>) src(%dma_wait3A_305 : memref<10000x128xf32, #tpu.memory_space<hbm>>) dst(%arg9 : memref<128x128xf32, #tpu.memory_space<vmem>>)
        "tpu.region"() ({
          %run_scoped3A_306 = tpu.sem_alloc : memref<!tpu.dma_semaphore, #tpu.memory_space<semaphore_mem>>
          %dma_start3A_307 = arith.constant 0 : i32
          %dma_start3A_308 = tpu.memref_slice %arg7[%while3A_253, %dma_start3A_307] : memref<48x128xi32, #tpu.memory_space<vmem>> -> memref<1x128xi32, #tpu.memory_space<vmem>>
          %dma_start3A_309 = tpu.memref_squeeze %dma_start3A_308 : memref<1x128xi32, #tpu.memory_space<vmem>> -> memref<128xi32, #tpu.memory_space<vmem>>
          %dma_start3A_310 = arith.constant 0 : i32
          %dma_start3A_311 = arith.constant 0 : i32
          %dma_start3A_312 = tpu.memref_slice %arg10[%dma_start3A_310, %dma_start3A_311] : memref<10240x128xf32, #tpu.memory_space<vmem_shared>> -> memref<10240x128xf32, #tpu.memory_space<vmem_shared>>
          tpu.enqueue_indirect_dma source(%arg9 : memref<128x128xf32, #tpu.memory_space<vmem>>) target(%dma_start3A_312 : memref<10240x128xf32, #tpu.memory_space<vmem_shared>>) offsets(%dma_start3A_309 : memref<128xi32, #tpu.memory_space<vmem>>) semaphore(%run_scoped3A_306 : memref<!tpu.dma_semaphore, #tpu.memory_space<semaphore_mem>>) {add = true}
          %dma_wait3A_313 = arith.constant 0 : i32
          %dma_wait3A_314 = tpu.memref_slice %arg7[%while3A_253, %dma_wait3A_313] : memref<48x128xi32, #tpu.memory_space<vmem>> -> memref<1x128xi32, #tpu.memory_space<vmem>>
          %dma_wait3A_315 = tpu.memref_squeeze %dma_wait3A_314 : memref<1x128xi32, #tpu.memory_space<vmem>> -> memref<128xi32, #tpu.memory_space<vmem>>
          %dma_wait3A_316 = arith.constant 0 : i32
          %dma_wait3A_317 = arith.constant 0 : i32
          %dma_wait3A_318 = tpu.memref_slice %arg10[%dma_wait3A_316, %dma_wait3A_317] : memref<10240x128xf32, #tpu.memory_space<vmem_shared>> -> memref<10240x128xf32, #tpu.memory_space<vmem_shared>>
          tpu.wait_indirect_dma semaphore(%run_scoped3A_306 : memref<!tpu.dma_semaphore, #tpu.memory_space<semaphore_mem>>) src(%arg9 : memref<128x128xf32, #tpu.memory_space<vmem>>) dst(%dma_wait3A_318 : memref<10240x128xf32, #tpu.memory_space<vmem_shared>>)
          tpu.yield
        }) : () -> ()
      } else {
      }
    }
    %add3A_65 = arith.constant 40 : i32
    %add3A_66 = arith.addi %add3A_26, %add3A_65 : i32
    %add3A_67 = arith.addi %add3A_26, %select_n3A : i32
    %jit3A_68 = arith.constant 8 : i32
    %div3A_69 = arith.divsi %add3A_66, %jit3A_68 : i32
    %sign3A_70 = arith.constant 0 : i32
    %sign3A_71 = arith.cmpi sgt, %add3A_66, %sign3A_70 : i32
    %sign3A_72 = arith.extui %sign3A_71 : i1 to i32
    %sign3A_73 = arith.constant 0 : i32
    %sign3A_74 = arith.cmpi slt, %add3A_66, %sign3A_73 : i32
    %sign3A_75 = arith.extui %sign3A_74 : i1 to i32
    %sign3A_76 = arith.subi %sign3A_72, %sign3A_75 : i32
    %sign3A_77 = arith.constant 0 : i32
    %sign3A_78 = arith.cmpi sgt, %jit3A_68, %sign3A_77 : i32
    %sign3A_79 = arith.extui %sign3A_78 : i1 to i32
    %sign3A_80 = arith.constant 0 : i32
    %sign3A_81 = arith.cmpi slt, %jit3A_68, %sign3A_80 : i32
    %sign3A_82 = arith.extui %sign3A_81 : i1 to i32
    %sign3A_83 = arith.subi %sign3A_79, %sign3A_82 : i32
    %ne3A_84 = arith.cmpi ne, %sign3A_76, %sign3A_83 : i32
    %rem3A_85 = arith.remsi %add3A_66, %jit3A_68 : i32
    %ne3A_86 = arith.constant 0 : i32
    %ne3A_87 = arith.cmpi ne, %rem3A_85, %ne3A_86 : i32
    %and3A_88 = arith.andi %ne3A_84, %ne3A_87 : i1
    %sub3A_89 = arith.constant 1 : i32
    %sub3A_90 = arith.subi %div3A_69, %sub3A_89 : i32
    %select_n3A_91 = arith.select %and3A_88, %sub3A_90, %div3A_69 : i32
    %mul3A_92 = arith.constant 8 : i32
    %mul3A_93 = arith.muli %select_n3A_91, %mul3A_92 : i32
    %sub3A_94 = arith.subi %add3A_66, %mul3A_93 : i32
    %sub3A_95 = arith.subi %add3A_67, %mul3A_93 : i32
    %run_scoped3A_96 = arith.constant 0 : i32
    "tpu.region"() ({
      %run_scoped3A_253 = tpu.sem_alloc : memref<!tpu.dma_semaphore, #tpu.memory_space<semaphore_mem>>
      %dma_start3A_254 = arith.constant 0 : i32
      %dma_start3A_255 = arith.constant 0 : i32
      %dma_start3A_256 = tpu.memref_slice %arg3[%run_scoped3A_96, %dma_start3A_254, %dma_start3A_255] : memref<2x2504x128xi32, #tpu.memory_space<hbm>> -> memref<1x2504x128xi32, #tpu.memory_space<hbm>>
      %dma_start3A_257 = tpu.memref_squeeze %dma_start3A_256 : memref<1x2504x128xi32, #tpu.memory_space<hbm>> -> memref<2504x128xi32, #tpu.memory_space<hbm>>
      %dma_start3A_258 = arith.constant 0 : i32
      %dma_start3A_259 = tpu.memref_slice %dma_start3A_257[%mul3A_93, %dma_start3A_258] : memref<2504x128xi32, #tpu.memory_space<hbm>> -> memref<48x128xi32, #tpu.memory_space<hbm>>
      %dma_start3A_260 = arith.constant 0 : i32
      %dma_start3A_261 = arith.constant 0 : i32
      %dma_start3A_262 = tpu.memref_slice %arg3[%run_scoped3A_96, %dma_start3A_260, %dma_start3A_261] : memref<2x2504x128xi32, #tpu.memory_space<hbm>> -> memref<1x2504x128xi32, #tpu.memory_space<hbm>>
      %dma_start3A_263 = tpu.memref_squeeze %dma_start3A_262 : memref<1x2504x128xi32, #tpu.memory_space<hbm>> -> memref<2504x128xi32, #tpu.memory_space<hbm>>
      %dma_start3A_264 = arith.constant 0 : i32
      %dma_start3A_265 = tpu.memref_slice %dma_start3A_263[%mul3A_93, %dma_start3A_264] : memref<2504x128xi32, #tpu.memory_space<hbm>> -> memref<48x128xi32, #tpu.memory_space<hbm>>
      tpu.enqueue_dma source(%dma_start3A_265 : memref<48x128xi32, #tpu.memory_space<hbm>>) target(%arg6 : memref<48x128xi32, #tpu.memory_space<vmem>>) target_semaphore(%run_scoped3A_253 : memref<!tpu.dma_semaphore, #tpu.memory_space<semaphore_mem>>)
      %dma_wait3A_266 = arith.constant 0 : i32
      %dma_wait3A_267 = arith.constant 0 : i32
      %dma_wait3A_268 = tpu.memref_slice %arg3[%run_scoped3A_96, %dma_wait3A_266, %dma_wait3A_267] : memref<2x2504x128xi32, #tpu.memory_space<hbm>> -> memref<1x2504x128xi32, #tpu.memory_space<hbm>>
      %dma_wait3A_269 = tpu.memref_squeeze %dma_wait3A_268 : memref<1x2504x128xi32, #tpu.memory_space<hbm>> -> memref<2504x128xi32, #tpu.memory_space<hbm>>
      %dma_wait3A_270 = arith.constant 0 : i32
      %dma_wait3A_271 = tpu.memref_slice %dma_wait3A_269[%mul3A_93, %dma_wait3A_270] : memref<2504x128xi32, #tpu.memory_space<hbm>> -> memref<48x128xi32, #tpu.memory_space<hbm>>
      %dma_wait3A_272 = arith.constant 0 : i32
      %dma_wait3A_273 = arith.constant 0 : i32
      %dma_wait3A_274 = tpu.memref_slice %arg3[%run_scoped3A_96, %dma_wait3A_272, %dma_wait3A_273] : memref<2x2504x128xi32, #tpu.memory_space<hbm>> -> memref<1x2504x128xi32, #tpu.memory_space<hbm>>
      %dma_wait3A_275 = tpu.memref_squeeze %dma_wait3A_274 : memref<1x2504x128xi32, #tpu.memory_space<hbm>> -> memref<2504x128xi32, #tpu.memory_space<hbm>>
      %dma_wait3A_276 = arith.constant 0 : i32
      %dma_wait3A_277 = tpu.memref_slice %dma_wait3A_275[%mul3A_93, %dma_wait3A_276] : memref<2504x128xi32, #tpu.memory_space<hbm>> -> memref<48x128xi32, #tpu.memory_space<hbm>>
      tpu.wait_dma2 semaphore(%run_scoped3A_253 : memref<!tpu.dma_semaphore, #tpu.memory_space<semaphore_mem>>) src(%dma_wait3A_277 : memref<48x128xi32, #tpu.memory_space<hbm>>) dst(%arg6 : memref<48x128xi32, #tpu.memory_space<vmem>>)
      tpu.yield
    }) : () -> ()
    %run_scoped3A_97 = arith.constant 1 : i32
    "tpu.region"() ({
      %run_scoped3A_253 = tpu.sem_alloc : memref<!tpu.dma_semaphore, #tpu.memory_space<semaphore_mem>>
      %dma_start3A_254 = arith.constant 0 : i32
      %dma_start3A_255 = arith.constant 0 : i32
      %dma_start3A_256 = tpu.memref_slice %arg3[%run_scoped3A_97, %dma_start3A_254, %dma_start3A_255] : memref<2x2504x128xi32, #tpu.memory_space<hbm>> -> memref<1x2504x128xi32, #tpu.memory_space<hbm>>
      %dma_start3A_257 = tpu.memref_squeeze %dma_start3A_256 : memref<1x2504x128xi32, #tpu.memory_space<hbm>> -> memref<2504x128xi32, #tpu.memory_space<hbm>>
      %dma_start3A_258 = arith.constant 0 : i32
      %dma_start3A_259 = tpu.memref_slice %dma_start3A_257[%mul3A_93, %dma_start3A_258] : memref<2504x128xi32, #tpu.memory_space<hbm>> -> memref<48x128xi32, #tpu.memory_space<hbm>>
      %dma_start3A_260 = arith.constant 0 : i32
      %dma_start3A_261 = arith.constant 0 : i32
      %dma_start3A_262 = tpu.memref_slice %arg3[%run_scoped3A_97, %dma_start3A_260, %dma_start3A_261] : memref<2x2504x128xi32, #tpu.memory_space<hbm>> -> memref<1x2504x128xi32, #tpu.memory_space<hbm>>
      %dma_start3A_263 = tpu.memref_squeeze %dma_start3A_262 : memref<1x2504x128xi32, #tpu.memory_space<hbm>> -> memref<2504x128xi32, #tpu.memory_space<hbm>>
      %dma_start3A_264 = arith.constant 0 : i32
      %dma_start3A_265 = tpu.memref_slice %dma_start3A_263[%mul3A_93, %dma_start3A_264] : memref<2504x128xi32, #tpu.memory_space<hbm>> -> memref<48x128xi32, #tpu.memory_space<hbm>>
      tpu.enqueue_dma source(%dma_start3A_265 : memref<48x128xi32, #tpu.memory_space<hbm>>) target(%arg7 : memref<48x128xi32, #tpu.memory_space<vmem>>) target_semaphore(%run_scoped3A_253 : memref<!tpu.dma_semaphore, #tpu.memory_space<semaphore_mem>>)
      %dma_wait3A_266 = arith.constant 0 : i32
      %dma_wait3A_267 = arith.constant 0 : i32
      %dma_wait3A_268 = tpu.memref_slice %arg3[%run_scoped3A_97, %dma_wait3A_266, %dma_wait3A_267] : memref<2x2504x128xi32, #tpu.memory_space<hbm>> -> memref<1x2504x128xi32, #tpu.memory_space<hbm>>
      %dma_wait3A_269 = tpu.memref_squeeze %dma_wait3A_268 : memref<1x2504x128xi32, #tpu.memory_space<hbm>> -> memref<2504x128xi32, #tpu.memory_space<hbm>>
      %dma_wait3A_270 = arith.constant 0 : i32
      %dma_wait3A_271 = tpu.memref_slice %dma_wait3A_269[%mul3A_93, %dma_wait3A_270] : memref<2504x128xi32, #tpu.memory_space<hbm>> -> memref<48x128xi32, #tpu.memory_space<hbm>>
      %dma_wait3A_272 = arith.constant 0 : i32
      %dma_wait3A_273 = arith.constant 0 : i32
      %dma_wait3A_274 = tpu.memref_slice %arg3[%run_scoped3A_97, %dma_wait3A_272, %dma_wait3A_273] : memref<2x2504x128xi32, #tpu.memory_space<hbm>> -> memref<1x2504x128xi32, #tpu.memory_space<hbm>>
      %dma_wait3A_275 = tpu.memref_squeeze %dma_wait3A_274 : memref<1x2504x128xi32, #tpu.memory_space<hbm>> -> memref<2504x128xi32, #tpu.memory_space<hbm>>
      %dma_wait3A_276 = arith.constant 0 : i32
      %dma_wait3A_277 = tpu.memref_slice %dma_wait3A_275[%mul3A_93, %dma_wait3A_276] : memref<2504x128xi32, #tpu.memory_space<hbm>> -> memref<48x128xi32, #tpu.memory_space<hbm>>
      tpu.wait_dma2 semaphore(%run_scoped3A_253 : memref<!tpu.dma_semaphore, #tpu.memory_space<semaphore_mem>>) src(%dma_wait3A_277 : memref<48x128xi32, #tpu.memory_space<hbm>>) dst(%arg7 : memref<48x128xi32, #tpu.memory_space<vmem>>)
      tpu.yield
    }) : () -> ()
    %dma_start3A_98 = arith.constant 0 : i32
    %dma_start3A_99 = tpu.memref_slice %arg6[%sub3A_94, %dma_start3A_98] : memref<48x128xi32, #tpu.memory_space<vmem>> -> memref<1x128xi32, #tpu.memory_space<vmem>>
    %dma_start3A_100 = tpu.memref_squeeze %dma_start3A_99 : memref<1x128xi32, #tpu.memory_space<vmem>> -> memref<128xi32, #tpu.memory_space<vmem>>
    %dma_start3A_101 = arith.constant 0 : i32
    %dma_start3A_102 = arith.constant 0 : i32
    %dma_start3A_103 = tpu.memref_slice %arg2[%dma_start3A_101, %dma_start3A_102] : memref<10000x128xf32, #tpu.memory_space<hbm>> -> memref<10000x128xf32, #tpu.memory_space<hbm>>
    tpu.enqueue_indirect_dma source(%dma_start3A_103 : memref<10000x128xf32, #tpu.memory_space<hbm>>) target(%arg8 : memref<128x128xf32, #tpu.memory_space<vmem>>) offsets(%dma_start3A_100 : memref<128xi32, #tpu.memory_space<vmem>>) semaphore(%arg11 : memref<!tpu.dma_semaphore, #tpu.memory_space<semaphore_mem>>)
    %while3A_104 = arith.constant 0 : i32
    %while3A_105 = arith.subi %sub3A_95, %sub3A_94 : i32
    %while3A_106 = arith.addi %sub3A_94, %while3A_105 : i32
    %while3A_107 = arith.constant 1 : i32
    %while3A_108 = arith.divsi %while3A_105, %while3A_107 : i32
    %while3A_109 = arith.muli %while3A_108, %while3A_107 : i32
    %while3A_110 = arith.addi %sub3A_94, %while3A_109 : i32
    %while3A_111 = arith.constant 1 : i32
    scf.for %while3A_253 = %sub3A_94 to %while3A_110 step %while3A_111  : i32 {
      %sub3A_254 = arith.subi %while3A_253, %sub3A_94 : i32
      %jit3A_255 = arith.constant 2 : i32
      %eq3A = arith.constant 0 : i32
      %eq3A_256 = arith.cmpi eq, %jit3A_255, %eq3A : i32
      %jit3A_257 = arith.constant 1 : i32
      %select_n3A_258 = arith.select %eq3A_256, %jit3A_257, %jit3A_255 : i32
      %rem3A_259 = arith.remsi %sub3A_254, %select_n3A_258 : i32
      %ne3A_260 = arith.constant 0 : i32
      %ne3A_261 = arith.cmpi ne, %rem3A_259, %ne3A_260 : i32
      %lt3A_262 = arith.constant 0 : i32
      %lt3A_263 = arith.cmpi slt, %rem3A_259, %lt3A_262 : i32
      %lt3A_264 = arith.constant 0 : i32
      %lt3A_265 = arith.cmpi slt, %select_n3A_258, %lt3A_264 : i32
      %ne3A_266 = arith.xori %lt3A_263, %lt3A_265 : i1
      %and3A_267 = arith.andi %ne3A_266, %ne3A_261 : i1
      %add3A_268 = arith.addi %rem3A_259, %select_n3A_258 : i32
      %select_n3A_269 = arith.select %and3A_267, %add3A_268, %rem3A_259 : i32
      %eq3A_270 = arith.constant 0 : i32
      %eq3A_271 = arith.cmpi eq, %select_n3A_269, %eq3A_270 : i32
      %convert_element_type3A = arith.extui %eq3A_271 : i1 to i32
      %cond3A = arith.constant 0 : i32
      %cond3A_272 = arith.cmpi ne, %convert_element_type3A, %cond3A : i32
      scf.if %cond3A_272 {
        %add3A_294 = arith.constant 1 : i32
        %add3A_295 = arith.addi %while3A_253, %add3A_294 : i32
        %lt3A_296 = arith.cmpi slt, %add3A_295, %sub3A_95 : i32
        %convert_element_type3A_297 = arith.extui %lt3A_296 : i1 to i32
        %cond3A_298 = arith.constant 0 : i32
        %cond3A_299 = arith.cmpi ne, %convert_element_type3A_297, %cond3A_298 : i32
        scf.if %cond3A_299 {
          %add3A_306 = arith.constant 1 : i32
          %add3A_307 = arith.addi %while3A_253, %add3A_306 : i32
          %dma_start3A_308 = arith.constant 0 : i32
          %dma_start3A_309 = tpu.memref_slice %arg6[%add3A_307, %dma_start3A_308] : memref<48x128xi32, #tpu.memory_space<vmem>> -> memref<1x128xi32, #tpu.memory_space<vmem>>
          %dma_start3A_310 = tpu.memref_squeeze %dma_start3A_309 : memref<1x128xi32, #tpu.memory_space<vmem>> -> memref<128xi32, #tpu.memory_space<vmem>>
          %dma_start3A_311 = arith.constant 0 : i32
          %dma_start3A_312 = arith.constant 0 : i32
          %dma_start3A_313 = tpu.memref_slice %arg2[%dma_start3A_311, %dma_start3A_312] : memref<10000x128xf32, #tpu.memory_space<hbm>> -> memref<10000x128xf32, #tpu.memory_space<hbm>>
          tpu.enqueue_indirect_dma source(%dma_start3A_313 : memref<10000x128xf32, #tpu.memory_space<hbm>>) target(%arg9 : memref<128x128xf32, #tpu.memory_space<vmem>>) offsets(%dma_start3A_310 : memref<128xi32, #tpu.memory_space<vmem>>) semaphore(%arg12 : memref<!tpu.dma_semaphore, #tpu.memory_space<semaphore_mem>>)
        } else {
        }
        %dma_wait3A_300 = arith.constant 0 : i32
        %dma_wait3A_301 = tpu.memref_slice %arg6[%while3A_253, %dma_wait3A_300] : memref<48x128xi32, #tpu.memory_space<vmem>> -> memref<1x128xi32, #tpu.memory_space<vmem>>
        %dma_wait3A_302 = tpu.memref_squeeze %dma_wait3A_301 : memref<1x128xi32, #tpu.memory_space<vmem>> -> memref<128xi32, #tpu.memory_space<vmem>>
        %dma_wait3A_303 = arith.constant 0 : i32
        %dma_wait3A_304 = arith.constant 0 : i32
        %dma_wait3A_305 = tpu.memref_slice %arg2[%dma_wait3A_303, %dma_wait3A_304] : memref<10000x128xf32, #tpu.memory_space<hbm>> -> memref<10000x128xf32, #tpu.memory_space<hbm>>
        tpu.wait_indirect_dma semaphore(%arg11 : memref<!tpu.dma_semaphore, #tpu.memory_space<semaphore_mem>>) src(%dma_wait3A_305 : memref<10000x128xf32, #tpu.memory_space<hbm>>) dst(%arg8 : memref<128x128xf32, #tpu.memory_space<vmem>>)
        "tpu.region"() ({
          %run_scoped3A_306 = tpu.sem_alloc : memref<!tpu.dma_semaphore, #tpu.memory_space<semaphore_mem>>
          %dma_start3A_307 = arith.constant 0 : i32
          %dma_start3A_308 = tpu.memref_slice %arg7[%while3A_253, %dma_start3A_307] : memref<48x128xi32, #tpu.memory_space<vmem>> -> memref<1x128xi32, #tpu.memory_space<vmem>>
          %dma_start3A_309 = tpu.memref_squeeze %dma_start3A_308 : memref<1x128xi32, #tpu.memory_space<vmem>> -> memref<128xi32, #tpu.memory_space<vmem>>
          %dma_start3A_310 = arith.constant 0 : i32
          %dma_start3A_311 = arith.constant 0 : i32
          %dma_start3A_312 = tpu.memref_slice %arg10[%dma_start3A_310, %dma_start3A_311] : memref<10240x128xf32, #tpu.memory_space<vmem_shared>> -> memref<10240x128xf32, #tpu.memory_space<vmem_shared>>
          tpu.enqueue_indirect_dma source(%arg8 : memref<128x128xf32, #tpu.memory_space<vmem>>) target(%dma_start3A_312 : memref<10240x128xf32, #tpu.memory_space<vmem_shared>>) offsets(%dma_start3A_309 : memref<128xi32, #tpu.memory_space<vmem>>) semaphore(%run_scoped3A_306 : memref<!tpu.dma_semaphore, #tpu.memory_space<semaphore_mem>>) {add = true}
          %dma_wait3A_313 = arith.constant 0 : i32
          %dma_wait3A_314 = tpu.memref_slice %arg7[%while3A_253, %dma_wait3A_313] : memref<48x128xi32, #tpu.memory_space<vmem>> -> memref<1x128xi32, #tpu.memory_space<vmem>>
          %dma_wait3A_315 = tpu.memref_squeeze %dma_wait3A_314 : memref<1x128xi32, #tpu.memory_space<vmem>> -> memref<128xi32, #tpu.memory_space<vmem>>
          %dma_wait3A_316 = arith.constant 0 : i32
          %dma_wait3A_317 = arith.constant 0 : i32
          %dma_wait3A_318 = tpu.memref_slice %arg10[%dma_wait3A_316, %dma_wait3A_317] : memref<10240x128xf32, #tpu.memory_space<vmem_shared>> -> memref<10240x128xf32, #tpu.memory_space<vmem_shared>>
          tpu.wait_indirect_dma semaphore(%run_scoped3A_306 : memref<!tpu.dma_semaphore, #tpu.memory_space<semaphore_mem>>) src(%arg8 : memref<128x128xf32, #tpu.memory_space<vmem>>) dst(%dma_wait3A_318 : memref<10240x128xf32, #tpu.memory_space<vmem_shared>>)
          tpu.yield
        }) : () -> ()
      } else {
      }
      %jit3A_273 = arith.constant 2 : i32
      %eq3A_274 = arith.constant 0 : i32
      %eq3A_275 = arith.cmpi eq, %jit3A_273, %eq3A_274 : i32
      %jit3A_276 = arith.constant 1 : i32
      %select_n3A_277 = arith.select %eq3A_275, %jit3A_276, %jit3A_273 : i32
      %rem3A_278 = arith.remsi %sub3A_254, %select_n3A_277 : i32
      %ne3A_279 = arith.constant 0 : i32
      %ne3A_280 = arith.cmpi ne, %rem3A_278, %ne3A_279 : i32
      %lt3A_281 = arith.constant 0 : i32
      %lt3A_282 = arith.cmpi slt, %rem3A_278, %lt3A_281 : i32
      %lt3A_283 = arith.constant 0 : i32
      %lt3A_284 = arith.cmpi slt, %select_n3A_277, %lt3A_283 : i32
      %ne3A_285 = arith.xori %lt3A_282, %lt3A_284 : i1
      %and3A_286 = arith.andi %ne3A_285, %ne3A_280 : i1
      %add3A_287 = arith.addi %rem3A_278, %select_n3A_277 : i32
      %select_n3A_288 = arith.select %and3A_286, %add3A_287, %rem3A_278 : i32
      %eq3A_289 = arith.constant 1 : i32
      %eq3A_290 = arith.cmpi eq, %select_n3A_288, %eq3A_289 : i32
      %convert_element_type3A_291 = arith.extui %eq3A_290 : i1 to i32
      %cond3A_292 = arith.constant 0 : i32
      %cond3A_293 = arith.cmpi ne, %convert_element_type3A_291, %cond3A_292 : i32
      scf.if %cond3A_293 {
        %add3A_294 = arith.constant 1 : i32
        %add3A_295 = arith.addi %while3A_253, %add3A_294 : i32
        %lt3A_296 = arith.cmpi slt, %add3A_295, %sub3A_95 : i32
        %convert_element_type3A_297 = arith.extui %lt3A_296 : i1 to i32
        %cond3A_298 = arith.constant 0 : i32
        %cond3A_299 = arith.cmpi ne, %convert_element_type3A_297, %cond3A_298 : i32
        scf.if %cond3A_299 {
          %add3A_306 = arith.constant 1 : i32
          %add3A_307 = arith.addi %while3A_253, %add3A_306 : i32
          %dma_start3A_308 = arith.constant 0 : i32
          %dma_start3A_309 = tpu.memref_slice %arg6[%add3A_307, %dma_start3A_308] : memref<48x128xi32, #tpu.memory_space<vmem>> -> memref<1x128xi32, #tpu.memory_space<vmem>>
          %dma_start3A_310 = tpu.memref_squeeze %dma_start3A_309 : memref<1x128xi32, #tpu.memory_space<vmem>> -> memref<128xi32, #tpu.memory_space<vmem>>
          %dma_start3A_311 = arith.constant 0 : i32
          %dma_start3A_312 = arith.constant 0 : i32
          %dma_start3A_313 = tpu.memref_slice %arg2[%dma_start3A_311, %dma_start3A_312] : memref<10000x128xf32, #tpu.memory_space<hbm>> -> memref<10000x128xf32, #tpu.memory_space<hbm>>
          tpu.enqueue_indirect_dma source(%dma_start3A_313 : memref<10000x128xf32, #tpu.memory_space<hbm>>) target(%arg8 : memref<128x128xf32, #tpu.memory_space<vmem>>) offsets(%dma_start3A_310 : memref<128xi32, #tpu.memory_space<vmem>>) semaphore(%arg11 : memref<!tpu.dma_semaphore, #tpu.memory_space<semaphore_mem>>)
        } else {
        }
        %dma_wait3A_300 = arith.constant 0 : i32
        %dma_wait3A_301 = tpu.memref_slice %arg6[%while3A_253, %dma_wait3A_300] : memref<48x128xi32, #tpu.memory_space<vmem>> -> memref<1x128xi32, #tpu.memory_space<vmem>>
        %dma_wait3A_302 = tpu.memref_squeeze %dma_wait3A_301 : memref<1x128xi32, #tpu.memory_space<vmem>> -> memref<128xi32, #tpu.memory_space<vmem>>
        %dma_wait3A_303 = arith.constant 0 : i32
        %dma_wait3A_304 = arith.constant 0 : i32
        %dma_wait3A_305 = tpu.memref_slice %arg2[%dma_wait3A_303, %dma_wait3A_304] : memref<10000x128xf32, #tpu.memory_space<hbm>> -> memref<10000x128xf32, #tpu.memory_space<hbm>>
        tpu.wait_indirect_dma semaphore(%arg12 : memref<!tpu.dma_semaphore, #tpu.memory_space<semaphore_mem>>) src(%dma_wait3A_305 : memref<10000x128xf32, #tpu.memory_space<hbm>>) dst(%arg9 : memref<128x128xf32, #tpu.memory_space<vmem>>)
        "tpu.region"() ({
          %run_scoped3A_306 = tpu.sem_alloc : memref<!tpu.dma_semaphore, #tpu.memory_space<semaphore_mem>>
          %dma_start3A_307 = arith.constant 0 : i32
          %dma_start3A_308 = tpu.memref_slice %arg7[%while3A_253, %dma_start3A_307] : memref<48x128xi32, #tpu.memory_space<vmem>> -> memref<1x128xi32, #tpu.memory_space<vmem>>
          %dma_start3A_309 = tpu.memref_squeeze %dma_start3A_308 : memref<1x128xi32, #tpu.memory_space<vmem>> -> memref<128xi32, #tpu.memory_space<vmem>>
          %dma_start3A_310 = arith.constant 0 : i32
          %dma_start3A_311 = arith.constant 0 : i32
          %dma_start3A_312 = tpu.memref_slice %arg10[%dma_start3A_310, %dma_start3A_311] : memref<10240x128xf32, #tpu.memory_space<vmem_shared>> -> memref<10240x128xf32, #tpu.memory_space<vmem_shared>>
          tpu.enqueue_indirect_dma source(%arg9 : memref<128x128xf32, #tpu.memory_space<vmem>>) target(%dma_start3A_312 : memref<10240x128xf32, #tpu.memory_space<vmem_shared>>) offsets(%dma_start3A_309 : memref<128xi32, #tpu.memory_space<vmem>>) semaphore(%run_scoped3A_306 : memref<!tpu.dma_semaphore, #tpu.memory_space<semaphore_mem>>) {add = true}
          %dma_wait3A_313 = arith.constant 0 : i32
          %dma_wait3A_314 = tpu.memref_slice %arg7[%while3A_253, %dma_wait3A_313] : memref<48x128xi32, #tpu.memory_space<vmem>> -> memref<1x128xi32, #tpu.memory_space<vmem>>
          %dma_wait3A_315 = tpu.memref_squeeze %dma_wait3A_314 : memref<1x128xi32, #tpu.memory_space<vmem>> -> memref<128xi32, #tpu.memory_space<vmem>>
          %dma_wait3A_316 = arith.constant 0 : i32
          %dma_wait3A_317 = arith.constant 0 : i32
          %dma_wait3A_318 = tpu.memref_slice %arg10[%dma_wait3A_316, %dma_wait3A_317] : memref<10240x128xf32, #tpu.memory_space<vmem_shared>> -> memref<10240x128xf32, #tpu.memory_space<vmem_shared>>
          tpu.wait_indirect_dma semaphore(%run_scoped3A_306 : memref<!tpu.dma_semaphore, #tpu.memory_space<semaphore_mem>>) src(%arg9 : memref<128x128xf32, #tpu.memory_space<vmem>>) dst(%dma_wait3A_318 : memref<10240x128xf32, #tpu.memory_space<vmem_shared>>)
          tpu.yield
        }) : () -> ()
      } else {
      }
    }
    %while3A_112 = arith.constant 1 : i32
    scf.for %while3A_253 = %while3A_110 to %while3A_106 step %while3A_112  : i32 {
      %sub3A_254 = arith.subi %while3A_253, %sub3A_94 : i32
      %jit3A_255 = arith.constant 2 : i32
      %eq3A = arith.constant 0 : i32
      %eq3A_256 = arith.cmpi eq, %jit3A_255, %eq3A : i32
      %jit3A_257 = arith.constant 1 : i32
      %select_n3A_258 = arith.select %eq3A_256, %jit3A_257, %jit3A_255 : i32
      %rem3A_259 = arith.remsi %sub3A_254, %select_n3A_258 : i32
      %ne3A_260 = arith.constant 0 : i32
      %ne3A_261 = arith.cmpi ne, %rem3A_259, %ne3A_260 : i32
      %lt3A_262 = arith.constant 0 : i32
      %lt3A_263 = arith.cmpi slt, %rem3A_259, %lt3A_262 : i32
      %lt3A_264 = arith.constant 0 : i32
      %lt3A_265 = arith.cmpi slt, %select_n3A_258, %lt3A_264 : i32
      %ne3A_266 = arith.xori %lt3A_263, %lt3A_265 : i1
      %and3A_267 = arith.andi %ne3A_266, %ne3A_261 : i1
      %add3A_268 = arith.addi %rem3A_259, %select_n3A_258 : i32
      %select_n3A_269 = arith.select %and3A_267, %add3A_268, %rem3A_259 : i32
      %eq3A_270 = arith.constant 0 : i32
      %eq3A_271 = arith.cmpi eq, %select_n3A_269, %eq3A_270 : i32
      %convert_element_type3A = arith.extui %eq3A_271 : i1 to i32
      %cond3A = arith.constant 0 : i32
      %cond3A_272 = arith.cmpi ne, %convert_element_type3A, %cond3A : i32
      scf.if %cond3A_272 {
        %add3A_294 = arith.constant 1 : i32
        %add3A_295 = arith.addi %while3A_253, %add3A_294 : i32
        %lt3A_296 = arith.cmpi slt, %add3A_295, %sub3A_95 : i32
        %convert_element_type3A_297 = arith.extui %lt3A_296 : i1 to i32
        %cond3A_298 = arith.constant 0 : i32
        %cond3A_299 = arith.cmpi ne, %convert_element_type3A_297, %cond3A_298 : i32
        scf.if %cond3A_299 {
          %add3A_306 = arith.constant 1 : i32
          %add3A_307 = arith.addi %while3A_253, %add3A_306 : i32
          %dma_start3A_308 = arith.constant 0 : i32
          %dma_start3A_309 = tpu.memref_slice %arg6[%add3A_307, %dma_start3A_308] : memref<48x128xi32, #tpu.memory_space<vmem>> -> memref<1x128xi32, #tpu.memory_space<vmem>>
          %dma_start3A_310 = tpu.memref_squeeze %dma_start3A_309 : memref<1x128xi32, #tpu.memory_space<vmem>> -> memref<128xi32, #tpu.memory_space<vmem>>
          %dma_start3A_311 = arith.constant 0 : i32
          %dma_start3A_312 = arith.constant 0 : i32
          %dma_start3A_313 = tpu.memref_slice %arg2[%dma_start3A_311, %dma_start3A_312] : memref<10000x128xf32, #tpu.memory_space<hbm>> -> memref<10000x128xf32, #tpu.memory_space<hbm>>
          tpu.enqueue_indirect_dma source(%dma_start3A_313 : memref<10000x128xf32, #tpu.memory_space<hbm>>) target(%arg9 : memref<128x128xf32, #tpu.memory_space<vmem>>) offsets(%dma_start3A_310 : memref<128xi32, #tpu.memory_space<vmem>>) semaphore(%arg12 : memref<!tpu.dma_semaphore, #tpu.memory_space<semaphore_mem>>)
        } else {
        }
        %dma_wait3A_300 = arith.constant 0 : i32
        %dma_wait3A_301 = tpu.memref_slice %arg6[%while3A_253, %dma_wait3A_300] : memref<48x128xi32, #tpu.memory_space<vmem>> -> memref<1x128xi32, #tpu.memory_space<vmem>>
        %dma_wait3A_302 = tpu.memref_squeeze %dma_wait3A_301 : memref<1x128xi32, #tpu.memory_space<vmem>> -> memref<128xi32, #tpu.memory_space<vmem>>
        %dma_wait3A_303 = arith.constant 0 : i32
        %dma_wait3A_304 = arith.constant 0 : i32
        %dma_wait3A_305 = tpu.memref_slice %arg2[%dma_wait3A_303, %dma_wait3A_304] : memref<10000x128xf32, #tpu.memory_space<hbm>> -> memref<10000x128xf32, #tpu.memory_space<hbm>>
        tpu.wait_indirect_dma semaphore(%arg11 : memref<!tpu.dma_semaphore, #tpu.memory_space<semaphore_mem>>) src(%dma_wait3A_305 : memref<10000x128xf32, #tpu.memory_space<hbm>>) dst(%arg8 : memref<128x128xf32, #tpu.memory_space<vmem>>)
        "tpu.region"() ({
          %run_scoped3A_306 = tpu.sem_alloc : memref<!tpu.dma_semaphore, #tpu.memory_space<semaphore_mem>>
          %dma_start3A_307 = arith.constant 0 : i32
          %dma_start3A_308 = tpu.memref_slice %arg7[%while3A_253, %dma_start3A_307] : memref<48x128xi32, #tpu.memory_space<vmem>> -> memref<1x128xi32, #tpu.memory_space<vmem>>
          %dma_start3A_309 = tpu.memref_squeeze %dma_start3A_308 : memref<1x128xi32, #tpu.memory_space<vmem>> -> memref<128xi32, #tpu.memory_space<vmem>>
          %dma_start3A_310 = arith.constant 0 : i32
          %dma_start3A_311 = arith.constant 0 : i32
          %dma_start3A_312 = tpu.memref_slice %arg10[%dma_start3A_310, %dma_start3A_311] : memref<10240x128xf32, #tpu.memory_space<vmem_shared>> -> memref<10240x128xf32, #tpu.memory_space<vmem_shared>>
          tpu.enqueue_indirect_dma source(%arg8 : memref<128x128xf32, #tpu.memory_space<vmem>>) target(%dma_start3A_312 : memref<10240x128xf32, #tpu.memory_space<vmem_shared>>) offsets(%dma_start3A_309 : memref<128xi32, #tpu.memory_space<vmem>>) semaphore(%run_scoped3A_306 : memref<!tpu.dma_semaphore, #tpu.memory_space<semaphore_mem>>) {add = true}
          %dma_wait3A_313 = arith.constant 0 : i32
          %dma_wait3A_314 = tpu.memref_slice %arg7[%while3A_253, %dma_wait3A_313] : memref<48x128xi32, #tpu.memory_space<vmem>> -> memref<1x128xi32, #tpu.memory_space<vmem>>
          %dma_wait3A_315 = tpu.memref_squeeze %dma_wait3A_314 : memref<1x128xi32, #tpu.memory_space<vmem>> -> memref<128xi32, #tpu.memory_space<vmem>>
          %dma_wait3A_316 = arith.constant 0 : i32
          %dma_wait3A_317 = arith.constant 0 : i32
          %dma_wait3A_318 = tpu.memref_slice %arg10[%dma_wait3A_316, %dma_wait3A_317] : memref<10240x128xf32, #tpu.memory_space<vmem_shared>> -> memref<10240x128xf32, #tpu.memory_space<vmem_shared>>
          tpu.wait_indirect_dma semaphore(%run_scoped3A_306 : memref<!tpu.dma_semaphore, #tpu.memory_space<semaphore_mem>>) src(%arg8 : memref<128x128xf32, #tpu.memory_space<vmem>>) dst(%dma_wait3A_318 : memref<10240x128xf32, #tpu.memory_space<vmem_shared>>)
          tpu.yield
        }) : () -> ()
      } else {
      }
      %jit3A_273 = arith.constant 2 : i32
      %eq3A_274 = arith.constant 0 : i32
      %eq3A_275 = arith.cmpi eq, %jit3A_273, %eq3A_274 : i32
      %jit3A_276 = arith.constant 1 : i32
      %select_n3A_277 = arith.select %eq3A_275, %jit3A_276, %jit3A_273 : i32
      %rem3A_278 = arith.remsi %sub3A_254, %select_n3A_277 : i32
      %ne3A_279 = arith.constant 0 : i32
      %ne3A_280 = arith.cmpi ne, %rem3A_278, %ne3A_279 : i32
      %lt3A_281 = arith.constant 0 : i32
      %lt3A_282 = arith.cmpi slt, %rem3A_278, %lt3A_281 : i32
      %lt3A_283 = arith.constant 0 : i32
      %lt3A_284 = arith.cmpi slt, %select_n3A_277, %lt3A_283 : i32
      %ne3A_285 = arith.xori %lt3A_282, %lt3A_284 : i1
      %and3A_286 = arith.andi %ne3A_285, %ne3A_280 : i1
      %add3A_287 = arith.addi %rem3A_278, %select_n3A_277 : i32
      %select_n3A_288 = arith.select %and3A_286, %add3A_287, %rem3A_278 : i32
      %eq3A_289 = arith.constant 1 : i32
      %eq3A_290 = arith.cmpi eq, %select_n3A_288, %eq3A_289 : i32
      %convert_element_type3A_291 = arith.extui %eq3A_290 : i1 to i32
      %cond3A_292 = arith.constant 0 : i32
      %cond3A_293 = arith.cmpi ne, %convert_element_type3A_291, %cond3A_292 : i32
      scf.if %cond3A_293 {
        %add3A_294 = arith.constant 1 : i32
        %add3A_295 = arith.addi %while3A_253, %add3A_294 : i32
        %lt3A_296 = arith.cmpi slt, %add3A_295, %sub3A_95 : i32
        %convert_element_type3A_297 = arith.extui %lt3A_296 : i1 to i32
        %cond3A_298 = arith.constant 0 : i32
        %cond3A_299 = arith.cmpi ne, %convert_element_type3A_297, %cond3A_298 : i32
        scf.if %cond3A_299 {
          %add3A_306 = arith.constant 1 : i32
          %add3A_307 = arith.addi %while3A_253, %add3A_306 : i32
          %dma_start3A_308 = arith.constant 0 : i32
          %dma_start3A_309 = tpu.memref_slice %arg6[%add3A_307, %dma_start3A_308] : memref<48x128xi32, #tpu.memory_space<vmem>> -> memref<1x128xi32, #tpu.memory_space<vmem>>
          %dma_start3A_310 = tpu.memref_squeeze %dma_start3A_309 : memref<1x128xi32, #tpu.memory_space<vmem>> -> memref<128xi32, #tpu.memory_space<vmem>>
          %dma_start3A_311 = arith.constant 0 : i32
          %dma_start3A_312 = arith.constant 0 : i32
          %dma_start3A_313 = tpu.memref_slice %arg2[%dma_start3A_311, %dma_start3A_312] : memref<10000x128xf32, #tpu.memory_space<hbm>> -> memref<10000x128xf32, #tpu.memory_space<hbm>>
          tpu.enqueue_indirect_dma source(%dma_start3A_313 : memref<10000x128xf32, #tpu.memory_space<hbm>>) target(%arg8 : memref<128x128xf32, #tpu.memory_space<vmem>>) offsets(%dma_start3A_310 : memref<128xi32, #tpu.memory_space<vmem>>) semaphore(%arg11 : memref<!tpu.dma_semaphore, #tpu.memory_space<semaphore_mem>>)
        } else {
        }
        %dma_wait3A_300 = arith.constant 0 : i32
        %dma_wait3A_301 = tpu.memref_slice %arg6[%while3A_253, %dma_wait3A_300] : memref<48x128xi32, #tpu.memory_space<vmem>> -> memref<1x128xi32, #tpu.memory_space<vmem>>
        %dma_wait3A_302 = tpu.memref_squeeze %dma_wait3A_301 : memref<1x128xi32, #tpu.memory_space<vmem>> -> memref<128xi32, #tpu.memory_space<vmem>>
        %dma_wait3A_303 = arith.constant 0 : i32
        %dma_wait3A_304 = arith.constant 0 : i32
        %dma_wait3A_305 = tpu.memref_slice %arg2[%dma_wait3A_303, %dma_wait3A_304] : memref<10000x128xf32, #tpu.memory_space<hbm>> -> memref<10000x128xf32, #tpu.memory_space<hbm>>
        tpu.wait_indirect_dma semaphore(%arg12 : memref<!tpu.dma_semaphore, #tpu.memory_space<semaphore_mem>>) src(%dma_wait3A_305 : memref<10000x128xf32, #tpu.memory_space<hbm>>) dst(%arg9 : memref<128x128xf32, #tpu.memory_space<vmem>>)
        "tpu.region"() ({
          %run_scoped3A_306 = tpu.sem_alloc : memref<!tpu.dma_semaphore, #tpu.memory_space<semaphore_mem>>
          %dma_start3A_307 = arith.constant 0 : i32
          %dma_start3A_308 = tpu.memref_slice %arg7[%while3A_253, %dma_start3A_307] : memref<48x128xi32, #tpu.memory_space<vmem>> -> memref<1x128xi32, #tpu.memory_space<vmem>>
          %dma_start3A_309 = tpu.memref_squeeze %dma_start3A_308 : memref<1x128xi32, #tpu.memory_space<vmem>> -> memref<128xi32, #tpu.memory_space<vmem>>
          %dma_start3A_310 = arith.constant 0 : i32
          %dma_start3A_311 = arith.constant 0 : i32
          %dma_start3A_312 = tpu.memref_slice %arg10[%dma_start3A_310, %dma_start3A_311] : memref<10240x128xf32, #tpu.memory_space<vmem_shared>> -> memref<10240x128xf32, #tpu.memory_space<vmem_shared>>
          tpu.enqueue_indirect_dma source(%arg9 : memref<128x128xf32, #tpu.memory_space<vmem>>) target(%dma_start3A_312 : memref<10240x128xf32, #tpu.memory_space<vmem_shared>>) offsets(%dma_start3A_309 : memref<128xi32, #tpu.memory_space<vmem>>) semaphore(%run_scoped3A_306 : memref<!tpu.dma_semaphore, #tpu.memory_space<semaphore_mem>>) {add = true}
          %dma_wait3A_313 = arith.constant 0 : i32
          %dma_wait3A_314 = tpu.memref_slice %arg7[%while3A_253, %dma_wait3A_313] : memref<48x128xi32, #tpu.memory_space<vmem>> -> memref<1x128xi32, #tpu.memory_space<vmem>>
          %dma_wait3A_315 = tpu.memref_squeeze %dma_wait3A_314 : memref<1x128xi32, #tpu.memory_space<vmem>> -> memref<128xi32, #tpu.memory_space<vmem>>
          %dma_wait3A_316 = arith.constant 0 : i32
          %dma_wait3A_317 = arith.constant 0 : i32
          %dma_wait3A_318 = tpu.memref_slice %arg10[%dma_wait3A_316, %dma_wait3A_317] : memref<10240x128xf32, #tpu.memory_space<vmem_shared>> -> memref<10240x128xf32, #tpu.memory_space<vmem_shared>>
          tpu.wait_indirect_dma semaphore(%run_scoped3A_306 : memref<!tpu.dma_semaphore, #tpu.memory_space<semaphore_mem>>) src(%arg9 : memref<128x128xf32, #tpu.memory_space<vmem>>) dst(%dma_wait3A_318 : memref<10240x128xf32, #tpu.memory_space<vmem_shared>>)
          tpu.yield
        }) : () -> ()
      } else {
      }
    }
    %barrier3A_113 = arith.constant 0 : index
    tpu.barrier barrier_id(%barrier3A_113)
    %mul3A_114 = arith.constant 640 : i32
    %mul3A_115 = arith.muli %arg1, %mul3A_114 : i32
    %add3A_116 = arith.constant 0 : i32
    %add3A_117 = arith.addi %mul3A_115, %add3A_116 : i32
    %mul3A_118 = arith.constant 640 : i32
    %mul3A_119 = arith.muli %arg1, %mul3A_118 : i32
    %add3A_120 = arith.constant 128 : i32
    %add3A_121 = arith.addi %mul3A_119, %add3A_120 : i32
    %mul3A_122 = arith.constant 640 : i32
    %mul3A_123 = arith.muli %arg1, %mul3A_122 : i32
    %add3A_124 = arith.constant 256 : i32
    %add3A_125 = arith.addi %mul3A_123, %add3A_124 : i32
    %mul3A_126 = arith.constant 640 : i32
    %mul3A_127 = arith.muli %arg1, %mul3A_126 : i32
    %add3A_128 = arith.constant 384 : i32
    %add3A_129 = arith.addi %mul3A_127, %add3A_128 : i32
    %mul3A_130 = arith.constant 640 : i32
    %mul3A_131 = arith.muli %arg1, %mul3A_130 : i32
    %add3A_132 = arith.constant 512 : i32
    %add3A_133 = arith.addi %mul3A_131, %add3A_132 : i32
    "tpu.region"() ({
      %run_scoped3A_253 = tpu.sem_alloc : memref<!tpu.dma_semaphore, #tpu.memory_space<semaphore_mem>>
      %dma_start3A_254 = arith.constant 0 : i32
      %dma_start3A_255 = tpu.memref_slice %arg10[%add3A_117, %dma_start3A_254] : memref<10240x128xf32, #tpu.memory_space<vmem_shared>> -> memref<128x128xf32, #tpu.memory_space<vmem_shared>>
      %dma_start3A_256 = arith.constant 0 : i32
      %dma_start3A_257 = tpu.memref_slice %arg10[%add3A_117, %dma_start3A_256] : memref<10240x128xf32, #tpu.memory_space<vmem_shared>> -> memref<128x128xf32, #tpu.memory_space<vmem_shared>>
      tpu.enqueue_dma source(%dma_start3A_257 : memref<128x128xf32, #tpu.memory_space<vmem_shared>>) target(%arg8 : memref<128x128xf32, #tpu.memory_space<vmem>>) target_semaphore(%run_scoped3A_253 : memref<!tpu.dma_semaphore, #tpu.memory_space<semaphore_mem>>)
      %dma_wait3A_258 = arith.constant 0 : i32
      %dma_wait3A_259 = tpu.memref_slice %arg10[%add3A_117, %dma_wait3A_258] : memref<10240x128xf32, #tpu.memory_space<vmem_shared>> -> memref<128x128xf32, #tpu.memory_space<vmem_shared>>
      %dma_wait3A_260 = arith.constant 0 : i32
      %dma_wait3A_261 = tpu.memref_slice %arg10[%add3A_117, %dma_wait3A_260] : memref<10240x128xf32, #tpu.memory_space<vmem_shared>> -> memref<128x128xf32, #tpu.memory_space<vmem_shared>>
      tpu.wait_dma2 semaphore(%run_scoped3A_253 : memref<!tpu.dma_semaphore, #tpu.memory_space<semaphore_mem>>) src(%dma_wait3A_261 : memref<128x128xf32, #tpu.memory_space<vmem_shared>>) dst(%arg8 : memref<128x128xf32, #tpu.memory_space<vmem>>)
      tpu.yield
    }) : () -> ()
    %dma_start3A_134 = arith.constant 0 : i32
    %dma_start3A_135 = arith.constant 0 : i32
    %dma_start3A_136 = tpu.memref_slice %arg5[%arg0, %dma_start3A_134, %dma_start3A_135] : memref<2x10240x128xf32, #tpu.memory_space<hbm>> -> memref<1x10240x128xf32, #tpu.memory_space<hbm>>
    %dma_start3A_137 = tpu.memref_squeeze %dma_start3A_136 : memref<1x10240x128xf32, #tpu.memory_space<hbm>> -> memref<10240x128xf32, #tpu.memory_space<hbm>>
    %dma_start3A_138 = arith.constant 0 : i32
    %dma_start3A_139 = tpu.memref_slice %dma_start3A_137[%add3A_117, %dma_start3A_138] : memref<10240x128xf32, #tpu.memory_space<hbm>> -> memref<128x128xf32, #tpu.memory_space<hbm>>
    %dma_start3A_140 = arith.constant 0 : i32
    %dma_start3A_141 = arith.constant 0 : i32
    %dma_start3A_142 = tpu.memref_slice %arg5[%arg0, %dma_start3A_140, %dma_start3A_141] : memref<2x10240x128xf32, #tpu.memory_space<hbm>> -> memref<1x10240x128xf32, #tpu.memory_space<hbm>>
    %dma_start3A_143 = tpu.memref_squeeze %dma_start3A_142 : memref<1x10240x128xf32, #tpu.memory_space<hbm>> -> memref<10240x128xf32, #tpu.memory_space<hbm>>
    %dma_start3A_144 = arith.constant 0 : i32
    %dma_start3A_145 = tpu.memref_slice %dma_start3A_143[%add3A_117, %dma_start3A_144] : memref<10240x128xf32, #tpu.memory_space<hbm>> -> memref<128x128xf32, #tpu.memory_space<hbm>>
    tpu.enqueue_dma source(%arg8 : memref<128x128xf32, #tpu.memory_space<vmem>>) target(%dma_start3A_145 : memref<128x128xf32, #tpu.memory_space<hbm>>) target_semaphore(%arg11 : memref<!tpu.dma_semaphore, #tpu.memory_space<semaphore_mem>>)
    "tpu.region"() ({
      %run_scoped3A_253 = tpu.sem_alloc : memref<!tpu.dma_semaphore, #tpu.memory_space<semaphore_mem>>
      %dma_start3A_254 = arith.constant 0 : i32
      %dma_start3A_255 = tpu.memref_slice %arg10[%add3A_121, %dma_start3A_254] : memref<10240x128xf32, #tpu.memory_space<vmem_shared>> -> memref<128x128xf32, #tpu.memory_space<vmem_shared>>
      %dma_start3A_256 = arith.constant 0 : i32
      %dma_start3A_257 = tpu.memref_slice %arg10[%add3A_121, %dma_start3A_256] : memref<10240x128xf32, #tpu.memory_space<vmem_shared>> -> memref<128x128xf32, #tpu.memory_space<vmem_shared>>
      tpu.enqueue_dma source(%dma_start3A_257 : memref<128x128xf32, #tpu.memory_space<vmem_shared>>) target(%arg9 : memref<128x128xf32, #tpu.memory_space<vmem>>) target_semaphore(%run_scoped3A_253 : memref<!tpu.dma_semaphore, #tpu.memory_space<semaphore_mem>>)
      %dma_wait3A_258 = arith.constant 0 : i32
      %dma_wait3A_259 = tpu.memref_slice %arg10[%add3A_121, %dma_wait3A_258] : memref<10240x128xf32, #tpu.memory_space<vmem_shared>> -> memref<128x128xf32, #tpu.memory_space<vmem_shared>>
      %dma_wait3A_260 = arith.constant 0 : i32
      %dma_wait3A_261 = tpu.memref_slice %arg10[%add3A_121, %dma_wait3A_260] : memref<10240x128xf32, #tpu.memory_space<vmem_shared>> -> memref<128x128xf32, #tpu.memory_space<vmem_shared>>
      tpu.wait_dma2 semaphore(%run_scoped3A_253 : memref<!tpu.dma_semaphore, #tpu.memory_space<semaphore_mem>>) src(%dma_wait3A_261 : memref<128x128xf32, #tpu.memory_space<vmem_shared>>) dst(%arg9 : memref<128x128xf32, #tpu.memory_space<vmem>>)
      tpu.yield
    }) : () -> ()
    %dma_start3A_146 = arith.constant 0 : i32
    %dma_start3A_147 = arith.constant 0 : i32
    %dma_start3A_148 = tpu.memref_slice %arg5[%arg0, %dma_start3A_146, %dma_start3A_147] : memref<2x10240x128xf32, #tpu.memory_space<hbm>> -> memref<1x10240x128xf32, #tpu.memory_space<hbm>>
    %dma_start3A_149 = tpu.memref_squeeze %dma_start3A_148 : memref<1x10240x128xf32, #tpu.memory_space<hbm>> -> memref<10240x128xf32, #tpu.memory_space<hbm>>
    %dma_start3A_150 = arith.constant 0 : i32
    %dma_start3A_151 = tpu.memref_slice %dma_start3A_149[%add3A_121, %dma_start3A_150] : memref<10240x128xf32, #tpu.memory_space<hbm>> -> memref<128x128xf32, #tpu.memory_space<hbm>>
    %dma_start3A_152 = arith.constant 0 : i32
    %dma_start3A_153 = arith.constant 0 : i32
    %dma_start3A_154 = tpu.memref_slice %arg5[%arg0, %dma_start3A_152, %dma_start3A_153] : memref<2x10240x128xf32, #tpu.memory_space<hbm>> -> memref<1x10240x128xf32, #tpu.memory_space<hbm>>
    %dma_start3A_155 = tpu.memref_squeeze %dma_start3A_154 : memref<1x10240x128xf32, #tpu.memory_space<hbm>> -> memref<10240x128xf32, #tpu.memory_space<hbm>>
    %dma_start3A_156 = arith.constant 0 : i32
    %dma_start3A_157 = tpu.memref_slice %dma_start3A_155[%add3A_121, %dma_start3A_156] : memref<10240x128xf32, #tpu.memory_space<hbm>> -> memref<128x128xf32, #tpu.memory_space<hbm>>
    tpu.enqueue_dma source(%arg9 : memref<128x128xf32, #tpu.memory_space<vmem>>) target(%dma_start3A_157 : memref<128x128xf32, #tpu.memory_space<hbm>>) target_semaphore(%arg12 : memref<!tpu.dma_semaphore, #tpu.memory_space<semaphore_mem>>)
    %dma_wait3A = arith.constant 0 : i32
    %dma_wait3A_158 = arith.constant 0 : i32
    %dma_wait3A_159 = tpu.memref_slice %arg5[%arg0, %dma_wait3A, %dma_wait3A_158] : memref<2x10240x128xf32, #tpu.memory_space<hbm>> -> memref<1x10240x128xf32, #tpu.memory_space<hbm>>
    %dma_wait3A_160 = tpu.memref_squeeze %dma_wait3A_159 : memref<1x10240x128xf32, #tpu.memory_space<hbm>> -> memref<10240x128xf32, #tpu.memory_space<hbm>>
    %dma_wait3A_161 = arith.constant 0 : i32
    %dma_wait3A_162 = tpu.memref_slice %dma_wait3A_160[%add3A_117, %dma_wait3A_161] : memref<10240x128xf32, #tpu.memory_space<hbm>> -> memref<128x128xf32, #tpu.memory_space<hbm>>
    %dma_wait3A_163 = arith.constant 0 : i32
    %dma_wait3A_164 = arith.constant 0 : i32
    %dma_wait3A_165 = tpu.memref_slice %arg5[%arg0, %dma_wait3A_163, %dma_wait3A_164] : memref<2x10240x128xf32, #tpu.memory_space<hbm>> -> memref<1x10240x128xf32, #tpu.memory_space<hbm>>
    %dma_wait3A_166 = tpu.memref_squeeze %dma_wait3A_165 : memref<1x10240x128xf32, #tpu.memory_space<hbm>> -> memref<10240x128xf32, #tpu.memory_space<hbm>>
    %dma_wait3A_167 = arith.constant 0 : i32
    %dma_wait3A_168 = tpu.memref_slice %dma_wait3A_166[%add3A_117, %dma_wait3A_167] : memref<10240x128xf32, #tpu.memory_space<hbm>> -> memref<128x128xf32, #tpu.memory_space<hbm>>
    tpu.wait_dma2 semaphore(%arg11 : memref<!tpu.dma_semaphore, #tpu.memory_space<semaphore_mem>>) src(%arg8 : memref<128x128xf32, #tpu.memory_space<vmem>>) dst(%dma_wait3A_168 : memref<128x128xf32, #tpu.memory_space<hbm>>)
    "tpu.region"() ({
      %run_scoped3A_253 = tpu.sem_alloc : memref<!tpu.dma_semaphore, #tpu.memory_space<semaphore_mem>>
      %dma_start3A_254 = arith.constant 0 : i32
      %dma_start3A_255 = tpu.memref_slice %arg10[%add3A_125, %dma_start3A_254] : memref<10240x128xf32, #tpu.memory_space<vmem_shared>> -> memref<128x128xf32, #tpu.memory_space<vmem_shared>>
      %dma_start3A_256 = arith.constant 0 : i32
      %dma_start3A_257 = tpu.memref_slice %arg10[%add3A_125, %dma_start3A_256] : memref<10240x128xf32, #tpu.memory_space<vmem_shared>> -> memref<128x128xf32, #tpu.memory_space<vmem_shared>>
      tpu.enqueue_dma source(%dma_start3A_257 : memref<128x128xf32, #tpu.memory_space<vmem_shared>>) target(%arg8 : memref<128x128xf32, #tpu.memory_space<vmem>>) target_semaphore(%run_scoped3A_253 : memref<!tpu.dma_semaphore, #tpu.memory_space<semaphore_mem>>)
      %dma_wait3A_258 = arith.constant 0 : i32
      %dma_wait3A_259 = tpu.memref_slice %arg10[%add3A_125, %dma_wait3A_258] : memref<10240x128xf32, #tpu.memory_space<vmem_shared>> -> memref<128x128xf32, #tpu.memory_space<vmem_shared>>
      %dma_wait3A_260 = arith.constant 0 : i32
      %dma_wait3A_261 = tpu.memref_slice %arg10[%add3A_125, %dma_wait3A_260] : memref<10240x128xf32, #tpu.memory_space<vmem_shared>> -> memref<128x128xf32, #tpu.memory_space<vmem_shared>>
      tpu.wait_dma2 semaphore(%run_scoped3A_253 : memref<!tpu.dma_semaphore, #tpu.memory_space<semaphore_mem>>) src(%dma_wait3A_261 : memref<128x128xf32, #tpu.memory_space<vmem_shared>>) dst(%arg8 : memref<128x128xf32, #tpu.memory_space<vmem>>)
      tpu.yield
    }) : () -> ()
    %dma_start3A_169 = arith.constant 0 : i32
    %dma_start3A_170 = arith.constant 0 : i32
    %dma_start3A_171 = tpu.memref_slice %arg5[%arg0, %dma_start3A_169, %dma_start3A_170] : memref<2x10240x128xf32, #tpu.memory_space<hbm>> -> memref<1x10240x128xf32, #tpu.memory_space<hbm>>
    %dma_start3A_172 = tpu.memref_squeeze %dma_start3A_171 : memref<1x10240x128xf32, #tpu.memory_space<hbm>> -> memref<10240x128xf32, #tpu.memory_space<hbm>>
    %dma_start3A_173 = arith.constant 0 : i32
    %dma_start3A_174 = tpu.memref_slice %dma_start3A_172[%add3A_125, %dma_start3A_173] : memref<10240x128xf32, #tpu.memory_space<hbm>> -> memref<128x128xf32, #tpu.memory_space<hbm>>
    %dma_start3A_175 = arith.constant 0 : i32
    %dma_start3A_176 = arith.constant 0 : i32
    %dma_start3A_177 = tpu.memref_slice %arg5[%arg0, %dma_start3A_175, %dma_start3A_176] : memref<2x10240x128xf32, #tpu.memory_space<hbm>> -> memref<1x10240x128xf32, #tpu.memory_space<hbm>>
    %dma_start3A_178 = tpu.memref_squeeze %dma_start3A_177 : memref<1x10240x128xf32, #tpu.memory_space<hbm>> -> memref<10240x128xf32, #tpu.memory_space<hbm>>
    %dma_start3A_179 = arith.constant 0 : i32
    %dma_start3A_180 = tpu.memref_slice %dma_start3A_178[%add3A_125, %dma_start3A_179] : memref<10240x128xf32, #tpu.memory_space<hbm>> -> memref<128x128xf32, #tpu.memory_space<hbm>>
    tpu.enqueue_dma source(%arg8 : memref<128x128xf32, #tpu.memory_space<vmem>>) target(%dma_start3A_180 : memref<128x128xf32, #tpu.memory_space<hbm>>) target_semaphore(%arg11 : memref<!tpu.dma_semaphore, #tpu.memory_space<semaphore_mem>>)
    %dma_wait3A_181 = arith.constant 0 : i32
    %dma_wait3A_182 = arith.constant 0 : i32
    %dma_wait3A_183 = tpu.memref_slice %arg5[%arg0, %dma_wait3A_181, %dma_wait3A_182] : memref<2x10240x128xf32, #tpu.memory_space<hbm>> -> memref<1x10240x128xf32, #tpu.memory_space<hbm>>
    %dma_wait3A_184 = tpu.memref_squeeze %dma_wait3A_183 : memref<1x10240x128xf32, #tpu.memory_space<hbm>> -> memref<10240x128xf32, #tpu.memory_space<hbm>>
    %dma_wait3A_185 = arith.constant 0 : i32
    %dma_wait3A_186 = tpu.memref_slice %dma_wait3A_184[%add3A_121, %dma_wait3A_185] : memref<10240x128xf32, #tpu.memory_space<hbm>> -> memref<128x128xf32, #tpu.memory_space<hbm>>
    %dma_wait3A_187 = arith.constant 0 : i32
    %dma_wait3A_188 = arith.constant 0 : i32
    %dma_wait3A_189 = tpu.memref_slice %arg5[%arg0, %dma_wait3A_187, %dma_wait3A_188] : memref<2x10240x128xf32, #tpu.memory_space<hbm>> -> memref<1x10240x128xf32, #tpu.memory_space<hbm>>
    %dma_wait3A_190 = tpu.memref_squeeze %dma_wait3A_189 : memref<1x10240x128xf32, #tpu.memory_space<hbm>> -> memref<10240x128xf32, #tpu.memory_space<hbm>>
    %dma_wait3A_191 = arith.constant 0 : i32
    %dma_wait3A_192 = tpu.memref_slice %dma_wait3A_190[%add3A_121, %dma_wait3A_191] : memref<10240x128xf32, #tpu.memory_space<hbm>> -> memref<128x128xf32, #tpu.memory_space<hbm>>
    tpu.wait_dma2 semaphore(%arg12 : memref<!tpu.dma_semaphore, #tpu.memory_space<semaphore_mem>>) src(%arg9 : memref<128x128xf32, #tpu.memory_space<vmem>>) dst(%dma_wait3A_192 : memref<128x128xf32, #tpu.memory_space<hbm>>)
    "tpu.region"() ({
      %run_scoped3A_253 = tpu.sem_alloc : memref<!tpu.dma_semaphore, #tpu.memory_space<semaphore_mem>>
      %dma_start3A_254 = arith.constant 0 : i32
      %dma_start3A_255 = tpu.memref_slice %arg10[%add3A_129, %dma_start3A_254] : memref<10240x128xf32, #tpu.memory_space<vmem_shared>> -> memref<128x128xf32, #tpu.memory_space<vmem_shared>>
      %dma_start3A_256 = arith.constant 0 : i32
      %dma_start3A_257 = tpu.memref_slice %arg10[%add3A_129, %dma_start3A_256] : memref<10240x128xf32, #tpu.memory_space<vmem_shared>> -> memref<128x128xf32, #tpu.memory_space<vmem_shared>>
      tpu.enqueue_dma source(%dma_start3A_257 : memref<128x128xf32, #tpu.memory_space<vmem_shared>>) target(%arg9 : memref<128x128xf32, #tpu.memory_space<vmem>>) target_semaphore(%run_scoped3A_253 : memref<!tpu.dma_semaphore, #tpu.memory_space<semaphore_mem>>)
      %dma_wait3A_258 = arith.constant 0 : i32
      %dma_wait3A_259 = tpu.memref_slice %arg10[%add3A_129, %dma_wait3A_258] : memref<10240x128xf32, #tpu.memory_space<vmem_shared>> -> memref<128x128xf32, #tpu.memory_space<vmem_shared>>
      %dma_wait3A_260 = arith.constant 0 : i32
      %dma_wait3A_261 = tpu.memref_slice %arg10[%add3A_129, %dma_wait3A_260] : memref<10240x128xf32, #tpu.memory_space<vmem_shared>> -> memref<128x128xf32, #tpu.memory_space<vmem_shared>>
      tpu.wait_dma2 semaphore(%run_scoped3A_253 : memref<!tpu.dma_semaphore, #tpu.memory_space<semaphore_mem>>) src(%dma_wait3A_261 : memref<128x128xf32, #tpu.memory_space<vmem_shared>>) dst(%arg9 : memref<128x128xf32, #tpu.memory_space<vmem>>)
      tpu.yield
    }) : () -> ()
    %dma_start3A_193 = arith.constant 0 : i32
    %dma_start3A_194 = arith.constant 0 : i32
    %dma_start3A_195 = tpu.memref_slice %arg5[%arg0, %dma_start3A_193, %dma_start3A_194] : memref<2x10240x128xf32, #tpu.memory_space<hbm>> -> memref<1x10240x128xf32, #tpu.memory_space<hbm>>
    %dma_start3A_196 = tpu.memref_squeeze %dma_start3A_195 : memref<1x10240x128xf32, #tpu.memory_space<hbm>> -> memref<10240x128xf32, #tpu.memory_space<hbm>>
    %dma_start3A_197 = arith.constant 0 : i32
    %dma_start3A_198 = tpu.memref_slice %dma_start3A_196[%add3A_129, %dma_start3A_197] : memref<10240x128xf32, #tpu.memory_space<hbm>> -> memref<128x128xf32, #tpu.memory_space<hbm>>
    %dma_start3A_199 = arith.constant 0 : i32
    %dma_start3A_200 = arith.constant 0 : i32
    %dma_start3A_201 = tpu.memref_slice %arg5[%arg0, %dma_start3A_199, %dma_start3A_200] : memref<2x10240x128xf32, #tpu.memory_space<hbm>> -> memref<1x10240x128xf32, #tpu.memory_space<hbm>>
    %dma_start3A_202 = tpu.memref_squeeze %dma_start3A_201 : memref<1x10240x128xf32, #tpu.memory_space<hbm>> -> memref<10240x128xf32, #tpu.memory_space<hbm>>
    %dma_start3A_203 = arith.constant 0 : i32
    %dma_start3A_204 = tpu.memref_slice %dma_start3A_202[%add3A_129, %dma_start3A_203] : memref<10240x128xf32, #tpu.memory_space<hbm>> -> memref<128x128xf32, #tpu.memory_space<hbm>>
    tpu.enqueue_dma source(%arg9 : memref<128x128xf32, #tpu.memory_space<vmem>>) target(%dma_start3A_204 : memref<128x128xf32, #tpu.memory_space<hbm>>) target_semaphore(%arg12 : memref<!tpu.dma_semaphore, #tpu.memory_space<semaphore_mem>>)
    %dma_wait3A_205 = arith.constant 0 : i32
    %dma_wait3A_206 = arith.constant 0 : i32
    %dma_wait3A_207 = tpu.memref_slice %arg5[%arg0, %dma_wait3A_205, %dma_wait3A_206] : memref<2x10240x128xf32, #tpu.memory_space<hbm>> -> memref<1x10240x128xf32, #tpu.memory_space<hbm>>
    %dma_wait3A_208 = tpu.memref_squeeze %dma_wait3A_207 : memref<1x10240x128xf32, #tpu.memory_space<hbm>> -> memref<10240x128xf32, #tpu.memory_space<hbm>>
    %dma_wait3A_209 = arith.constant 0 : i32
    %dma_wait3A_210 = tpu.memref_slice %dma_wait3A_208[%add3A_125, %dma_wait3A_209] : memref<10240x128xf32, #tpu.memory_space<hbm>> -> memref<128x128xf32, #tpu.memory_space<hbm>>
    %dma_wait3A_211 = arith.constant 0 : i32
    %dma_wait3A_212 = arith.constant 0 : i32
    %dma_wait3A_213 = tpu.memref_slice %arg5[%arg0, %dma_wait3A_211, %dma_wait3A_212] : memref<2x10240x128xf32, #tpu.memory_space<hbm>> -> memref<1x10240x128xf32, #tpu.memory_space<hbm>>
    %dma_wait3A_214 = tpu.memref_squeeze %dma_wait3A_213 : memref<1x10240x128xf32, #tpu.memory_space<hbm>> -> memref<10240x128xf32, #tpu.memory_space<hbm>>
    %dma_wait3A_215 = arith.constant 0 : i32
    %dma_wait3A_216 = tpu.memref_slice %dma_wait3A_214[%add3A_125, %dma_wait3A_215] : memref<10240x128xf32, #tpu.memory_space<hbm>> -> memref<128x128xf32, #tpu.memory_space<hbm>>
    tpu.wait_dma2 semaphore(%arg11 : memref<!tpu.dma_semaphore, #tpu.memory_space<semaphore_mem>>) src(%arg8 : memref<128x128xf32, #tpu.memory_space<vmem>>) dst(%dma_wait3A_216 : memref<128x128xf32, #tpu.memory_space<hbm>>)
    "tpu.region"() ({
      %run_scoped3A_253 = tpu.sem_alloc : memref<!tpu.dma_semaphore, #tpu.memory_space<semaphore_mem>>
      %dma_start3A_254 = arith.constant 0 : i32
      %dma_start3A_255 = tpu.memref_slice %arg10[%add3A_133, %dma_start3A_254] : memref<10240x128xf32, #tpu.memory_space<vmem_shared>> -> memref<128x128xf32, #tpu.memory_space<vmem_shared>>
      %dma_start3A_256 = arith.constant 0 : i32
      %dma_start3A_257 = tpu.memref_slice %arg10[%add3A_133, %dma_start3A_256] : memref<10240x128xf32, #tpu.memory_space<vmem_shared>> -> memref<128x128xf32, #tpu.memory_space<vmem_shared>>
      tpu.enqueue_dma source(%dma_start3A_257 : memref<128x128xf32, #tpu.memory_space<vmem_shared>>) target(%arg8 : memref<128x128xf32, #tpu.memory_space<vmem>>) target_semaphore(%run_scoped3A_253 : memref<!tpu.dma_semaphore, #tpu.memory_space<semaphore_mem>>)
      %dma_wait3A_258 = arith.constant 0 : i32
      %dma_wait3A_259 = tpu.memref_slice %arg10[%add3A_133, %dma_wait3A_258] : memref<10240x128xf32, #tpu.memory_space<vmem_shared>> -> memref<128x128xf32, #tpu.memory_space<vmem_shared>>
      %dma_wait3A_260 = arith.constant 0 : i32
      %dma_wait3A_261 = tpu.memref_slice %arg10[%add3A_133, %dma_wait3A_260] : memref<10240x128xf32, #tpu.memory_space<vmem_shared>> -> memref<128x128xf32, #tpu.memory_space<vmem_shared>>
      tpu.wait_dma2 semaphore(%run_scoped3A_253 : memref<!tpu.dma_semaphore, #tpu.memory_space<semaphore_mem>>) src(%dma_wait3A_261 : memref<128x128xf32, #tpu.memory_space<vmem_shared>>) dst(%arg8 : memref<128x128xf32, #tpu.memory_space<vmem>>)
      tpu.yield
    }) : () -> ()
    %dma_start3A_217 = arith.constant 0 : i32
    %dma_start3A_218 = arith.constant 0 : i32
    %dma_start3A_219 = tpu.memref_slice %arg5[%arg0, %dma_start3A_217, %dma_start3A_218] : memref<2x10240x128xf32, #tpu.memory_space<hbm>> -> memref<1x10240x128xf32, #tpu.memory_space<hbm>>
    %dma_start3A_220 = tpu.memref_squeeze %dma_start3A_219 : memref<1x10240x128xf32, #tpu.memory_space<hbm>> -> memref<10240x128xf32, #tpu.memory_space<hbm>>
    %dma_start3A_221 = arith.constant 0 : i32
    %dma_start3A_222 = tpu.memref_slice %dma_start3A_220[%add3A_133, %dma_start3A_221] : memref<10240x128xf32, #tpu.memory_space<hbm>> -> memref<128x128xf32, #tpu.memory_space<hbm>>
    %dma_start3A_223 = arith.constant 0 : i32
    %dma_start3A_224 = arith.constant 0 : i32
    %dma_start3A_225 = tpu.memref_slice %arg5[%arg0, %dma_start3A_223, %dma_start3A_224] : memref<2x10240x128xf32, #tpu.memory_space<hbm>> -> memref<1x10240x128xf32, #tpu.memory_space<hbm>>
    %dma_start3A_226 = tpu.memref_squeeze %dma_start3A_225 : memref<1x10240x128xf32, #tpu.memory_space<hbm>> -> memref<10240x128xf32, #tpu.memory_space<hbm>>
    %dma_start3A_227 = arith.constant 0 : i32
    %dma_start3A_228 = tpu.memref_slice %dma_start3A_226[%add3A_133, %dma_start3A_227] : memref<10240x128xf32, #tpu.memory_space<hbm>> -> memref<128x128xf32, #tpu.memory_space<hbm>>
    tpu.enqueue_dma source(%arg8 : memref<128x128xf32, #tpu.memory_space<vmem>>) target(%dma_start3A_228 : memref<128x128xf32, #tpu.memory_space<hbm>>) target_semaphore(%arg11 : memref<!tpu.dma_semaphore, #tpu.memory_space<semaphore_mem>>)
    %dma_wait3A_229 = arith.constant 0 : i32
    %dma_wait3A_230 = arith.constant 0 : i32
    %dma_wait3A_231 = tpu.memref_slice %arg5[%arg0, %dma_wait3A_229, %dma_wait3A_230] : memref<2x10240x128xf32, #tpu.memory_space<hbm>> -> memref<1x10240x128xf32, #tpu.memory_space<hbm>>
    %dma_wait3A_232 = tpu.memref_squeeze %dma_wait3A_231 : memref<1x10240x128xf32, #tpu.memory_space<hbm>> -> memref<10240x128xf32, #tpu.memory_space<hbm>>
    %dma_wait3A_233 = arith.constant 0 : i32
    %dma_wait3A_234 = tpu.memref_slice %dma_wait3A_232[%add3A_129, %dma_wait3A_233] : memref<10240x128xf32, #tpu.memory_space<hbm>> -> memref<128x128xf32, #tpu.memory_space<hbm>>
    %dma_wait3A_235 = arith.constant 0 : i32
    %dma_wait3A_236 = arith.constant 0 : i32
    %dma_wait3A_237 = tpu.memref_slice %arg5[%arg0, %dma_wait3A_235, %dma_wait3A_236] : memref<2x10240x128xf32, #tpu.memory_space<hbm>> -> memref<1x10240x128xf32, #tpu.memory_space<hbm>>
    %dma_wait3A_238 = tpu.memref_squeeze %dma_wait3A_237 : memref<1x10240x128xf32, #tpu.memory_space<hbm>> -> memref<10240x128xf32, #tpu.memory_space<hbm>>
    %dma_wait3A_239 = arith.constant 0 : i32
    %dma_wait3A_240 = tpu.memref_slice %dma_wait3A_238[%add3A_129, %dma_wait3A_239] : memref<10240x128xf32, #tpu.memory_space<hbm>> -> memref<128x128xf32, #tpu.memory_space<hbm>>
    tpu.wait_dma2 semaphore(%arg12 : memref<!tpu.dma_semaphore, #tpu.memory_space<semaphore_mem>>) src(%arg9 : memref<128x128xf32, #tpu.memory_space<vmem>>) dst(%dma_wait3A_240 : memref<128x128xf32, #tpu.memory_space<hbm>>)
    %dma_wait3A_241 = arith.constant 0 : i32
    %dma_wait3A_242 = arith.constant 0 : i32
    %dma_wait3A_243 = tpu.memref_slice %arg5[%arg0, %dma_wait3A_241, %dma_wait3A_242] : memref<2x10240x128xf32, #tpu.memory_space<hbm>> -> memref<1x10240x128xf32, #tpu.memory_space<hbm>>
    %dma_wait3A_244 = tpu.memref_squeeze %dma_wait3A_243 : memref<1x10240x128xf32, #tpu.memory_space<hbm>> -> memref<10240x128xf32, #tpu.memory_space<hbm>>
    %dma_wait3A_245 = arith.constant 0 : i32
    %dma_wait3A_246 = tpu.memref_slice %dma_wait3A_244[%add3A_133, %dma_wait3A_245] : memref<10240x128xf32, #tpu.memory_space<hbm>> -> memref<128x128xf32, #tpu.memory_space<hbm>>
    %dma_wait3A_247 = arith.constant 0 : i32
    %dma_wait3A_248 = arith.constant 0 : i32
    %dma_wait3A_249 = tpu.memref_slice %arg5[%arg0, %dma_wait3A_247, %dma_wait3A_248] : memref<2x10240x128xf32, #tpu.memory_space<hbm>> -> memref<1x10240x128xf32, #tpu.memory_space<hbm>>
    %dma_wait3A_250 = tpu.memref_squeeze %dma_wait3A_249 : memref<1x10240x128xf32, #tpu.memory_space<hbm>> -> memref<10240x128xf32, #tpu.memory_space<hbm>>
    %dma_wait3A_251 = arith.constant 0 : i32
    %dma_wait3A_252 = tpu.memref_slice %dma_wait3A_250[%add3A_133, %dma_wait3A_251] : memref<10240x128xf32, #tpu.memory_space<hbm>> -> memref<128x128xf32, #tpu.memory_space<hbm>>
    tpu.wait_dma2 semaphore(%arg11 : memref<!tpu.dma_semaphore, #tpu.memory_space<semaphore_mem>>) src(%arg8 : memref<128x128xf32, #tpu.memory_space<vmem>>) dst(%dma_wait3A_252 : memref<128x128xf32, #tpu.memory_space<hbm>>)
    return
  }
}

module attributes {stable_mosaic.version = 14 : i64} {
  func.func @body(%arg0: memref<10000x128xf32, #tpu.memory_space<vmem>>, %arg1: memref<128x128xf32, #tpu.memory_space<vmem>>, %arg2: memref<10000x128xf32, #tpu.memory_space<vmem>>) attributes {dimension_semantics = [], scalar_prefetch = 0 : i64, scratch_operands = 0 : i64, tpu.core_type = #tpu.core_type<tc>} {
    %get3A = arith.constant 0 : index
    %get3A_0 = arith.constant 0 : index
    %get3A_1 = vector.load %arg0[%get3A, %get3A_0] : memref<10000x128xf32, #tpu.memory_space<vmem>>, vector<10000x128xf32>
    %get3A_2 = arith.constant 0 : index
    %get3A_3 = arith.constant 0 : index
    %get3A_4 = vector.load %arg1[%get3A_2, %get3A_3] : memref<128x128xf32, #tpu.memory_space<vmem>>, vector<128x128xf32>
    %dot_general3A = arith.constant dense<0.000000e+00> : vector<10000x128xf32>
    %dot_general3A_5 = tpu.matmul %get3A_1, %get3A_4, %dot_general3A {dimension_numbers = #tpu.dot_dimension_numbers<[1], [0], [0], [1], [0, 0, 1, 1], [], []>, transpose_lhs_hint = false} : vector<10000x128xf32>, vector<128x128xf32>, vector<10000x128xf32> -> vector<10000x128xf32>
    %swap3A = arith.constant 0 : index
    %swap3A_6 = arith.constant 0 : index
    %swap3A_7 = vector.load %arg2[%swap3A, %swap3A_6] : memref<10000x128xf32, #tpu.memory_space<vmem>>, vector<10000x128xf32>
    tpu.vector_store %arg2[%swap3A, %swap3A_6], %dot_general3A_5 {strides = array<i32>} : memref<10000x128xf32, #tpu.memory_space<vmem>>, vector<10000x128xf32>,
    return
  }
}

module attributes {stable_mosaic.version = 14 : i64} {
  func.func @body(%arg0: memref<10000x128xf32, #tpu.memory_space<vmem>>, %arg1: memref<2x10240xf32, #tpu.memory_space<vmem>>, %arg2: memref<1250x128xf32, #tpu.memory_space<vmem>>, %arg3: memref<128x1024xf32, #tpu.memory_space<vmem>>, %arg4: memref<1x128xf32, #tpu.memory_space<vmem>>, %arg5: memref<1x128xf32, #tpu.memory_space<vmem>>, %arg6: memref<10000x128xf32, #tpu.memory_space<vmem>>, %arg7: memref<10000x128xf32, #tpu.memory_space<vmem>>) attributes {dimension_semantics = [], scalar_prefetch = 0 : i64, scratch_operands = 0 : i64, tpu.core_type = #tpu.core_type<tc>} {
    %get3A = arith.constant 0 : index
    %get3A_0 = arith.constant 0 : index
    %get3A_1 = vector.load %arg1[%get3A, %get3A_0] : memref<2x10240xf32, #tpu.memory_space<vmem>>, vector<1x10240xf32>
    %get3A_2 = vector.shape_cast %get3A_1 : vector<1x10240xf32> to vector<10240xf32>
    %get3A_3 = arith.constant 1 : index
    %get3A_4 = arith.constant 0 : index
    %get3A_5 = vector.load %arg1[%get3A_3, %get3A_4] : memref<2x10240xf32, #tpu.memory_space<vmem>>, vector<1x10240xf32>
    %get3A_6 = vector.shape_cast %get3A_5 : vector<1x10240xf32> to vector<10240xf32>
    %add3A = arith.addf %get3A_2, %get3A_6 : vector<10240xf32>
    %add3A_7 = arith.constant 1.000000e+00 : f32
    %add3A_8 = vector.broadcast %add3A_7 : f32 to vector<10240xf32>
    %add3A_9 = arith.addf %add3A, %add3A_8 : vector<10240xf32>
    %rsqrt3A = math.rsqrt %add3A_9 : vector<10240xf32>
    %reshape3A = vector.shape_cast %rsqrt3A : vector<10240xf32> to vector<10240x1xf32>
    %slice3A = vector.extract_strided_slice %reshape3A {offsets = [0, 0], sizes = [10000, 1], strides = [1, 1]} : vector<10240x1xf32> to vector<10000x1xf32>
    %broadcast_in_dim3A = vector.shape_cast %slice3A : vector<10000x1xf32> to vector<10000x1xf32>
    %broadcast_in_dim3A_10 = vector.broadcast %broadcast_in_dim3A : vector<10000x1xf32> to vector<10000x128xf32>
    %get3A_11 = arith.constant 0 : index
    %get3A_12 = arith.constant 0 : index
    %get3A_13 = vector.load %arg0[%get3A_11, %get3A_12] : memref<10000x128xf32, #tpu.memory_space<vmem>>, vector<10000x128xf32>
    %mul3A = arith.mulf %get3A_13, %broadcast_in_dim3A_10 : vector<10000x128xf32>
    %get3A_14 = arith.constant 0 : index
    %get3A_15 = arith.constant 0 : index
    %get3A_16 = vector.load %arg2[%get3A_14, %get3A_15] : memref<1250x128xf32, #tpu.memory_space<vmem>>, vector<1250x128xf32>
    %get3A_17 = arith.constant 0 : index
    %get3A_18 = arith.constant 0 : index
    %get3A_19 = vector.load %arg3[%get3A_17, %get3A_18] : memref<128x1024xf32, #tpu.memory_space<vmem>>, vector<128x1024xf32>
    %dot_general3A = arith.constant dense<0.000000e+00> : vector<1250x1024xf32>
    %dot_general3A_20 = tpu.matmul %get3A_16, %get3A_19, %dot_general3A {dimension_numbers = #tpu.dot_dimension_numbers<[1], [0], [0], [1], [0, 0, 1, 1], [], []>, transpose_lhs_hint = false} : vector<1250x128xf32>, vector<128x1024xf32>, vector<1250x1024xf32> -> vector<1250x1024xf32>
    %swap3A = arith.constant 0 : index
    %swap3A_21 = arith.constant 0 : index
    %swap3A_22 = vector.load %arg6[%swap3A, %swap3A_21] : memref<10000x128xf32, #tpu.memory_space<vmem>>, vector<10000x128xf32>
    tpu.vector_store %arg6[%swap3A, %swap3A_21], %mul3A {strides = array<i32>} : memref<10000x128xf32, #tpu.memory_space<vmem>>, vector<10000x128xf32>,
    %mul3A_23 = arith.mulf %mul3A, %broadcast_in_dim3A_10 : vector<10000x128xf32>
    %reshape3A_24 = vector.shape_cast %dot_general3A_20 : vector<1250x1024xf32> to vector<10000x128xf32>
    %add3A_25 = arith.addf %mul3A_23, %reshape3A_24 : vector<10000x128xf32>
    %get3A_26 = arith.constant 0 : index
    %get3A_27 = arith.constant 0 : index
    %get3A_28 = vector.load %arg4[%get3A_26, %get3A_27] : memref<1x128xf32, #tpu.memory_space<vmem>>, vector<1x128xf32>
    %add3A_29 = vector.broadcast %get3A_28 : vector<1x128xf32> to vector<10000x128xf32>
    %add3A_30 = arith.addf %add3A_25, %add3A_29 : vector<10000x128xf32>
    %get3A_31 = arith.constant 0 : index
    %get3A_32 = arith.constant 0 : index
    %get3A_33 = vector.load %arg5[%get3A_31, %get3A_32] : memref<1x128xf32, #tpu.memory_space<vmem>>, vector<1x128xf32>
    %add3A_34 = vector.broadcast %get3A_33 : vector<1x128xf32> to vector<10000x128xf32>
    %add3A_35 = arith.addf %add3A_30, %add3A_34 : vector<10000x128xf32>
    %swap3A_36 = arith.constant 0 : index
    %swap3A_37 = arith.constant 0 : index
    %swap3A_38 = vector.load %arg7[%swap3A_36, %swap3A_37] : memref<10000x128xf32, #tpu.memory_space<vmem>>, vector<10000x128xf32>
    tpu.vector_store %arg7[%swap3A_36, %swap3A_37], %add3A_35 {strides = array<i32>} : memref<10000x128xf32, #tpu.memory_space<vmem>>, vector<10000x128xf32>,
    return
  }
}

module attributes {stable_mosaic.version = 14 : i64} {
  func.func @body(%arg0: memref<2x10240x128xf32, #tpu.memory_space<vmem>>, %arg1: memref<10000x128xf32, #tpu.memory_space<vmem>>, %arg2: memref<2x10240xf32, #tpu.memory_space<vmem>>, %arg3: memref<10000x128xf32, #tpu.memory_space<vmem>>) attributes {dimension_semantics = [], scalar_prefetch = 0 : i64, scratch_operands = 0 : i64, tpu.core_type = #tpu.core_type<tc>} {
    %get3A = arith.constant 0 : index
    %get3A_0 = arith.constant 0 : index
    %get3A_1 = vector.load %arg2[%get3A, %get3A_0] : memref<2x10240xf32, #tpu.memory_space<vmem>>, vector<1x10240xf32>
    %get3A_2 = vector.shape_cast %get3A_1 : vector<1x10240xf32> to vector<10240xf32>
    %get3A_3 = arith.constant 1 : index
    %get3A_4 = arith.constant 0 : index
    %get3A_5 = vector.load %arg2[%get3A_3, %get3A_4] : memref<2x10240xf32, #tpu.memory_space<vmem>>, vector<1x10240xf32>
    %get3A_6 = vector.shape_cast %get3A_5 : vector<1x10240xf32> to vector<10240xf32>
    %add3A = arith.addf %get3A_2, %get3A_6 : vector<10240xf32>
    %add3A_7 = arith.constant 1.000000e+00 : f32
    %add3A_8 = vector.broadcast %add3A_7 : f32 to vector<10240xf32>
    %add3A_9 = arith.addf %add3A, %add3A_8 : vector<10240xf32>
    %rsqrt3A = math.rsqrt %add3A_9 : vector<10240xf32>
    %reshape3A = vector.shape_cast %rsqrt3A : vector<10240xf32> to vector<10240x1xf32>
    %slice3A = vector.extract_strided_slice %reshape3A {offsets = [0, 0], sizes = [10000, 1], strides = [1, 1]} : vector<10240x1xf32> to vector<10000x1xf32>
    %broadcast_in_dim3A = vector.shape_cast %slice3A : vector<10000x1xf32> to vector<10000x1xf32>
    %broadcast_in_dim3A_10 = vector.broadcast %broadcast_in_dim3A : vector<10000x1xf32> to vector<10000x128xf32>
    %get3A_11 = arith.constant 0 : index
    %get3A_12 = arith.constant 0 : index
    %get3A_13 = arith.constant 0 : index
    %get3A_14 = vector.load %arg0[%get3A_11, %get3A_12, %get3A_13] : memref<2x10240x128xf32, #tpu.memory_space<vmem>>, vector<1x10000x128xf32>
    %get3A_15 = vector.shape_cast %get3A_14 : vector<1x10000x128xf32> to vector<10000x128xf32>
    %get3A_16 = arith.constant 1 : index
    %get3A_17 = arith.constant 0 : index
    %get3A_18 = arith.constant 0 : index
    %get3A_19 = vector.load %arg0[%get3A_16, %get3A_17, %get3A_18] : memref<2x10240x128xf32, #tpu.memory_space<vmem>>, vector<1x10000x128xf32>
    %get3A_20 = vector.shape_cast %get3A_19 : vector<1x10000x128xf32> to vector<10000x128xf32>
    %add3A_21 = arith.addf %get3A_15, %get3A_20 : vector<10000x128xf32>
    %mul3A = arith.mulf %broadcast_in_dim3A_10, %add3A_21 : vector<10000x128xf32>
    %get3A_22 = arith.constant 0 : index
    %get3A_23 = arith.constant 0 : index
    %get3A_24 = vector.load %arg1[%get3A_22, %get3A_23] : memref<10000x128xf32, #tpu.memory_space<vmem>>, vector<10000x128xf32>
    %add3A_25 = arith.addf %mul3A, %get3A_24 : vector<10000x128xf32>
    %swap3A = arith.constant 0 : index
    %swap3A_26 = arith.constant 0 : index
    %swap3A_27 = vector.load %arg3[%swap3A, %swap3A_26] : memref<10000x128xf32, #tpu.memory_space<vmem>>, vector<10000x128xf32>
    tpu.vector_store %arg3[%swap3A, %swap3A_26], %add3A_25 {strides = array<i32>} : memref<10000x128xf32, #tpu.memory_space<vmem>>, vector<10000x128xf32>,
    return
  }
}

</mosaic_0001>

<sc_bundles>
// kernel: kernel.10.cloned.1.call-start
scs
__scs_entry_jumppad:
0x0: {  	(pc) =	sbr.rel $0x88, $3  }
0x1: {  	(tag) =	ssettag $0x0;
	lr =	simm.s32 $0x1  }
0x2: {  	[smem:$0x3F9A] =	sst lr;
	_ =	strace $0xD0000000  }
0x3: {  	_ = 	snop  }
0x4: {  	_ = 	snop  }
0x5: {  	_ = 	snop  }
0x6: {  	_ = 	snop  }
0x7: {  	_ = 	snop  }
__scs_overlays_trampoline_lowered:
0x8: {  	[smem:$0x3FA9] =	sst s0  }
0x9: {  	[smem:$0x3FAA] =	sst s1  }
0xa: {  	[smem:$0x3FAB] =	sst s2  }
0xb: {  	[smem:$0x3FAC] =	sst s3  }
0xc: {  	[smem:$0x3FAD] =	sst s4  }
0xd: {  	[smem:$0x3FAE] =	sst s5  }
0xe: {  	[smem:$0x3FAF] =	sst s6  }
0xf: {  	[smem:$0x3FB0] =	sst s7  }
0x10: {  	[smem:$0x3FB1] =	sst s8  }
0x11: {  	[smem:$0x3FB2] =	sst s9;
	s0 =	simm.s32 @!p0 $0x0  }
0x12: {  	s1 =	sld [smem:$0x3F98];
	s0 =	simm.s32 @p0 $0x1  }
0x13: {  	[smem:$0x3FB3] =	sst s0;
	s0 =	simm.s32 @!p1 $0x0  }
0x14: {  	s2 =	sld [smem:$0x3F97];
	s0 =	simm.s32 @p1 $0x1  }
0x15: {  	[smem:$0x3FB4] =	sst s0;
	s0 =	simm.s32 @!p2 $0x0  }
0x16: {  	s3 =	sld [smem:$0x3FDB];
	s0 =	simm.s32 @p2 $0x1  }
0x17: {  	s4 =	simm.s32 $0x1BF5;
	[smem:$0x3FB6] =	sst s0  }
0x18: {  	s0 =	sld [smem:$0x3F99];
	_ =	swait.ge [sflag:s4], $0x0  }
0x19: {  	s7 =	sld [smem:$0x3F9A]  }
0x1a: {  	s8 =	sadd.s32 $0xFFFFE003, lr  }
0x1b: {  	s9 =	sadd.s32 $0xFFFFFEF7, lr;
	s5 =	simm.s32 $0xFFFFFFFF;
	p2 =	slt.u32 s8, $0xFFFFF086  }
0x1c: {  	p1 =	slt.u32 s9, $0xF7A;
	s5 =	simm.s32 @!p2 $0x0  }
0x1d: {  	s5 =	simm.s32 @p1 $0x1;
	p0 =	seq.s32 s7, s2  }
0x1e: {  	s7 =	smul.u32 @!p0 $0xF7A, s2;
	p2 =	seq.s32 @!p0 s5, $0x0  }
0x1f: {  	s9 =	smul.u32 $0xF7A, s1;
	s8 =	simm.s32 @!p0 $0x1BF5;
	p2 =	por !p2, p0  }
0x20: {  	[sflag:s8] =	ssyncset.s32 @!p0 $0xFFFFF086;
	s6 =	sadd.s32 @!p0 s3, s7;
	s7 =	simm.s32 @!p0 $0x108  }
0x21: {  	s3 =	sadd.s32 s3, s9;
	s6 =	sadd.s32 @!p0 $0x88, s6;
	s7 =	simm.s32 @p2 $0x1082  }
0x22: {  	[simem:s7], [sflag:s8] =	dma.local @!p0 [hbm:s6], $0xF7A  }
0x23: {  	s9 =	sor.u32 $0xD0000000, s2;
	s6 =	simm.s32 $0x108;
	_ =	swait.ge @!p0 [sflag:s8], $0x0  }
0x24: {  	s3 =	sadd.s32 $0x88, s3;
	s6 =	simm.s32 @!p1 $0x1082;
	[sflag:s4] =	ssyncset.s32 $0xFFFFF086  }
0x25: {  	[simem:s6], [sflag:s4] =	dma.local [hbm:s3], $0xF7A  }
0x26: {  	[smem:$0x3F9A] =	sst s1;
	(tag) =	ssettag s2;
	_ =	strace s9  }
0x27: {  	s1 =	sld [smem:$0x3FAA]  }
0x28: {  	s2 =	sld [smem:$0x3FAB]  }
0x29: {  	s4 =	sld [smem:$0x3FAD]  }
0x2a: {  	p0 =	seq.s32 s5, $0x0;
	s5 =	sld [smem:$0x3FAE]  }
0x2b: {  	s6 =	sld [smem:$0x3FAF]  }
0x2c: {  	s7 =	sld [smem:$0x3FB0]  }
0x2d: {  	s3 =	simm.s32 $0x108;
	s8 =	sld [smem:$0x3FB1]  }
0x2e: {  	s3 =	simm.s32 @!p0 $0x1082;
	s9 =	sld [smem:$0x3FB2]  }
0x2f: {  	lr =	sadd.s32 s0, s3;
	s0 =	sld [smem:$0x3FA9]  }
0x30: {  	s3 =	sld [smem:$0x3FAC]  }
0x31: {  	[smem:$0x3FB5] =	sst s10  }
0x32: {  	s10 =	sld [smem:$0x3FB3];
	_ =	sdelay $0x3  }
0x33: {  	p0 =	seq.s32 s10, $0x1;
	s10 =	sld [smem:$0x3FB5];
	_ =	sdelay $0x3  }
0x34: {  	[smem:$0x3FB5] =	sst s10  }
0x35: {  	s10 =	sld [smem:$0x3FB4];
	_ =	sdelay $0x3  }
0x36: {  	p1 =	seq.s32 s10, $0x1;
	s10 =	sld [smem:$0x3FB5];
	_ =	sdelay $0x3  }
0x37: {  	[smem:$0x3FB5] =	sst s10  }
0x38: {  	s10 =	sld [smem:$0x3FB6]  }
0x39: {  	_ = 	snop;
	(pc) =	sbr.ind lr, $3  }
0x3a: {  	_ = 	snop  }
0x3b: {  	_ = 	snop  }
0x3c: {  	p2 =	seq.s32 s10, $0x1;
	s10 =	sld [smem:$0x3FB5]  }
0x3d: {  	_ =	shalt  }
0x3e: {  	_ =	shalt  }
0x3f: {  	_ =	shalt  }
0x40: {  	_ =	shalt  }
0x41: {  	_ =	shalt  }
0x42: {  	_ =	shalt  }
0x43: {  	_ =	shalt  }
0x44: {  	_ =	shalt  }
0x45: {  	_ =	shalt  }
0x46: {  	_ =	shalt  }
0x47: {  	_ =	shalt  }
0x48: {  	_ =	shalt  }
0x49: {  	_ =	shalt  }
0x4a: {  	_ =	shalt  }
0x4b: {  	_ =	shalt  }
0x4c: {  	_ =	shalt  }
0x4d: {  	_ =	shalt  }
0x4e: {  	_ =	shalt  }
0x4f: {  	_ =	shalt  }
0x50: {  	_ =	shalt  }
0x51: {  	_ =	shalt  }
0x52: {  	_ =	shalt  }
0x53: {  	_ =	shalt  }
0x54: {  	_ =	shalt  }
0x55: {  	_ =	shalt  }
0x56: {  	_ =	shalt  }
0x57: {  	_ =	shalt  }
0x58: {  	_ =	shalt  }
0x59: {  	_ =	shalt  }
0x5a: {  	_ =	shalt  }
0x5b: {  	_ =	shalt  }
0x5c: {  	_ =	shalt  }
0x5d: {  	_ =	shalt  }
0x5e: {  	_ =	shalt  }
0x5f: {  	_ =	shalt  }
0x60: {  	_ =	shalt  }
0x61: {  	_ =	shalt  }
0x62: {  	_ =	shalt  }
0x63: {  	_ =	shalt  }
0x64: {  	_ =	shalt  }
0x65: {  	_ =	shalt  }
0x66: {  	_ =	shalt  }
0x67: {  	_ =	shalt  }
0x68: {  	_ =	shalt  }
0x69: {  	_ =	shalt  }
0x6a: {  	_ =	shalt  }
0x6b: {  	_ =	shalt  }
0x6c: {  	_ =	shalt  }
0x6d: {  	_ =	shalt  }
0x6e: {  	_ =	shalt  }
0x6f: {  	_ =	shalt  }
0x70: {  	_ =	shalt  }
0x71: {  	_ =	shalt  }
0x72: {  	_ =	shalt  }
0x73: {  	_ =	shalt  }
0x74: {  	_ =	shalt  }
0x75: {  	_ =	shalt  }
0x76: {  	_ =	shalt  }
0x77: {  	_ =	shalt  }
0x78: {  	_ =	shalt  }
0x79: {  	_ =	shalt  }
0x7a: {  	_ =	shalt  }
0x7b: {  	_ =	shalt  }
0x7c: {  	_ =	shalt  }
0x7d: {  	_ =	shalt  }
0x7e: {  	_ =	shalt  }
0x7f: {  	_ =	shalt  }
0x80: {  	_ =	shalt  }
0x81: {  	_ =	shalt  }
0x82: {  	_ =	shalt  }
0x83: {  	_ =	shalt  }
0x84: {  	_ =	shalt  }
0x85: {  	_ =	shalt  }
0x86: {  	_ =	shalt  }
0x87: {  	_ =	shalt  }
.Lfunc_end0:
.L_simem_size_0:
called_computation.1_lowered:
.L_overlay_start_0:
0x88: {  	s2 =	sld [smem:$0x3FD9]  }
0x89: {  	s3 =	sld [smem:$0x3FFE];
	_ =	sdelay $0x1  }
0x8a: {  	s1 =	srdreg.scid  }
0x8b: {  	s0 =	sand.u32 $0x1, s1  }
0x8c: {  	s17 =	sshll.u32 s0, $0xA;
	s2 =	sadd.s32 s3, s2  }
0x8d: {  	s2 =	sadd.s32 s2, s17  }
0x8e: {  	[smem:$0x3FC1] =	sst s2  }
0x8f: {  	_ = 	snop  }
0x90: {  	s2 =	sld [smem:$0x3FD0];
	(tm) =	ssettm $0x1  }
0x91: {  	s18 =	sld [smem:$0x3FFB];
	_ =	sdelay $0x3  }
0x92: {  	_ =	strace s18  }
0x93: {  	s3 =	sld [smem:$0x3FFC];
	_ =	sdelay $0x3  }
0x94: {  	_ =	strace s3  }
0x95: {  	s3 =	sld [smem:$0x3FFD];
	_ =	sdelay $0x3  }
0x96: {  	_ =	strace s3  }
0x97: {  	_ =	strace $0x8FFFFFFF  }
0x98: {  	s19 =	sld [smem:$0x3FDB];
	_ =	sdelay $0x1  }
0x99: {  	s4 =	simm.s32 $_scs_section_size  }
0x9a: {  	s5 =	simm.s32 $_size__tile_overlayer_lowered;
	s6 =	simm.s32 $_tile_overlayer_lowered  }
0x9b: {  	s22 =	simm.s32 $0x1BFF;
	s21 =	sshll.u32 s6, $0x1;
	s3 =	sadd.s32 s4, s19  }
0x9c: {  	s7 =	simm.s32 $0x0;
	s20 =	sshll.u32 s5, $0x1;
	s5 =	sadd.s32 s21, s3  }
0x9d: {  	[timem:s7], [sflag:s22] =	dma.local [hbm:s5], s20  }
0x9e: {  	_ =	swait.ge [sflag:s22], s20  }
0x9f: {  	s4 =	ssub.s32 $0x0, s20;
	[sflag:s22] =	ssyncset.done $0x0  }
0xa0: {  	[sflag:s22] =	ssyncadd.s32 s4;
	_ =	sdelay $0x1  }
0xa1: {  	s23 =	simm.s32 $0x1B8B  }
0xa2: {  	_ =	swait.ge [sflag:s23], $0x1  }
0xa3: {  	[sflag:s23] =	ssyncset.done $0x0  }
0xa4: {  	s25 =	simm.s32 $0x1B8E;
	s24 =	sld [smem:$0x3FFE];
	[sflag:s23] =	ssyncadd.s32 $0xFFFFFFFF  }
0xa5: {  	s26 =	simm.s32 $execute0_lowered;
	[smem:$0x3FD2] =	sst s25  }
0xa6: {  	s5 =	sshll.u32 s26, $0x1;
	_ =	strace $0x80000049;
	[dreg:$0x1] =	wrdreg $0xFFFFFFFF  }
0xa7: {  	s28 =	simm.s32 $_size_execute0_lowered;
	s3 =	sadd.s32 s3, s5;
	[dreg:$0x0] =	wrdreg $0x0  }
0xa8: {  	s5 =	sshll.u32 s28, $0x1;
	[dreg:$0x2] =	wrdreg s3  }
0xa9: {  	[dreg:$0x3] =	wrdreg s5  }
0xaa: {  	[dreg:$0x4] =	wrdreg $0xC0  }
0xab: {  	_ =	task [dreg:s7], $0x5FFFF  }
0xac: {  	[dreg:$0x1] =	wrdreg $0xFFFFFFFF  }
0xad: {  	[dreg:$0x0] =	wrdreg $0x60  }
0xae: {  	[dreg:$0x2] =	wrdreg s2  }
0xaf: {  	[dreg:$0x3] =	wrdreg s24  }
0xb0: {  	[dreg:$0x4] =	wrdreg $0xB0000  }
0xb1: {  	[dreg:$0x5] =	wrdreg $0x9  }
0xb2: {  	_ =	task.clear_ibuf [dreg:s7], $0x6FFFF;
	_ =	strace $0x90000049  }
0xb3: {  	s29 =	simm.s32 $0x9;
	_ =	strace $0x8000004B  }
0xb4: {  	_ =	swait.ge [sflag:s29], $0x1  }
0xb5: {  	[sflag:s29] =	ssyncadd.s32 $0xFFFFFFFF  }
0xb6: {  	_ =	strace $0x9000004B  }
0xb7: {  	_ =	sfence  }
0xb8: {  	s30 =	sld [smem:$0x0];
	_ =	sdelay $0x2  }
0xb9: {  	s31 =	sshll.u32 s1, $0xD;
	s1 =	sshrl.u32 s1, $0x2  }
0xba: {  	s3 =	sand.u32 $0x4000, s31;
	s1 =	sadd.s32 s1, s30  }
0xbb: {  	s0 =	sor.u32 s3, s0;
	s1 =	sshll.u32 s1, $0x11  }
0xbc: {  	s0 =	sor.u32 s1, s0  }
0xbd: {  	s0 =	sadd.s32 $0x8F2B, s0  }
0xbe: {  	[sflag:s0] =	ssyncadd.remote.s32 $0x1  }
0xbf: {  	_ =	sfence.sel $0xFFFF  }
0xc0: {  	[dreg:$0x0] =	wrdreg $0xFFFFFFFF;
	(pc) =	sbr.abs _section_cstart, $3  }
0xc1: {  	[dreg:$0x1] =	wrdreg $0xFFFFFFFF  }
0xc2: {  	_ =	task.clear_ibuf [dreg:s7], $0x2FFFF;
	_ =	strace $0x9FFFFFFF  }
0xc3: {  	(tm) =	ssettm $0x7FFFFFFF  }
tec
execute0_lowered:
.L_overlay_start_1:
0x0: {  	(tag) =	ssettag $0x1  }
0x1: {  	s1 =	rddreg [dreg:$0x0]  }
0x2: {  	s0 =	rddreg [dreg:$0x1]  }
0x3: {  	s2 =	rddreg [dreg:$0x2]  }
0x4: {  	s3 =	simm.s32 $0x0;
	s4 =	srdreg.scid;
	s24 =	stileid.u32  }
0x5: {  	s30 =	simm.s32 $0x3000;
	s31 =	simm.s32 $0x3;
	s9 =	smul.u32 $0x280, s24  }
0x6: {  	[smem:$0x7FF] =	sst s3;
	s4 =	sand.u32 $0x1, s4;
	s8 =	smul.u32 $0x50000, s24  }
0x7: {  	s14 =	sadd.s32 $0x2200, s0;
	s6 =	sadd.s32 $0x15C00, s0;
	s25 =	smul.u32 $0x2800, s24  }
0x8: {  	_ =	strace $0x8000004A;
	s5 =	smul.u32 $0x28000, s4;
	s12 =	ssub.s32 $0x2, s4  }
0x9: {  	[dreg:$0x4] =	wrdreg s6;
	s4 =	sshll.u32 s4, $0x4;
	s7 =	sshrl.u32 s12, $0x1  }
0xa: {  	s4 =	sor.u32 s24, s4;
	s16 =	sadd.s32 $0x80, s9;
	s13 =	sshrl.u32 s8, $0x2  }
0xb: {  	s17 =	sadd.s32 $0x100, s9;
	s5 =	sadd.s32 s5, s0;
	s15 =	ssub.s32 s12, s7  }
0xc: {  	s18 =	sshll.u32 s16, $0x7;
	s6 =	sadd.s32 s13, s2;
	s19 =	sshll.u32 s17, $0x7  }
0xd: {  	s11 =	smul.u32 $0x4E, s4;
	s22 =	smin.u32 s4, $0x4;
	p0 =	slt.u32 s4, $0x4  }
0xe: {  	s4 =	simm.s32 $0x4F;
	s16 =	sshll.u32 s16, $0x4;
	s17 =	sshll.u32 s17, $0x4  }
0xf: {  	s7 =	sadd.s32 s18, s2;
	s8 =	sadd.s32 s19, s2;
	s18 =	sadd.s32 $0x180, s9  }
0x10: {  	s19 =	sadd.s32 $0x200, s9;
	s4 =	simm.s32 @!p0 $0x4E;
	s28 =	ssub.s32 $0x0, s22  }
0x11: {  	s20 =	sshll.u32 s18, $0x7;
	s10 =	sshll.u32 s19, $0x7;
	s13 =	sadd.s32 s22, s11  }
0x12: {  	s18 =	sshll.u32 s18, $0x4;
	s19 =	sshll.u32 s19, $0x4;
	s9 =	sadd.s32 s20, s2  }
0x13: {  	s10 =	sadd.s32 s10, s2;
	s20 =	sadd.s32 $0x28, s13;
	s11 =	sand.u32 $0x7, s13  }
0x14: {  	s12 =	sand.u32 $0x1FF8, s13;
	s4 =	sadd.s32 s4, s13;
	s21 =	sand.u32 $0x3FF8, s20  }
0x15: {  	s23 =	sshll.u32 s13, $0x4;
	s13 =	ssub.s32 s4, s21;
	s21 =	sadd.s32 $0x16400, s5  }
0x16: {  	s12 =	ssub.s32 s20, s12;
	s29 =	sshll.u32 s11, $0x7;
	s5 =	sadd.s32 s25, s21  }
0x17: {  	p0 =	sge.s32 s11, s12;
	s26 =	sadd.s32 s16, s21;
	[dreg:$0x5] =	wrdreg s5  }
0x18: {  	s16 =	sadd.s32 s17, s21;
	s17 =	sadd.s32 s18, s21;
	[dreg:$0x6] =	wrdreg s26  }
0x19: {  	s4 =	sadd.s32 s19, s21;
	s18 =	sshll.u32 s24, $0x1;
	[dreg:$0x7] =	wrdreg s16  }
0x1a: {  	s19 =	sand.u32 $0x1FF80, s23;
	s21 =	sshll.u32 s20, $0x4;
	[dreg:$0x8] =	wrdreg s17  }
0x1b: {  	s20 =	sadd.s32 $0xBE80, s0;
	p1 =	sge.s32 s11, s13;
	[dreg:$0x9] =	wrdreg s4  }
0x1c: {  	s4 =	ssub.s32 s22, s18;
	s5 =	sand.u32 $0x1FFFFF80, s21;
	[dreg:$0xa] =	wrdreg s19  }
0x1d: {  	s24 =	sadd.s32 s14, s19;
	s26 =	smax.u32 s15, $0x1;
	s19 =	simm.s32 $0x80  }
.Ltmp0:
0x1e: {  	s15 =	simm.s32 $0x2;
	[dreg:$0xc] =	wrdreg s24;
	(pc) =	sbr.rel .LBB2_1-.Ltmp0, $4  }
0x1f: {  	s16 =	simm.s32 $0x0;
	s23 =	sand.u32 $0x7, s4;
	[dreg:$0xb] =	wrdreg s5  }
0x20: {  	s25 =	sadd.s32 s14, s5;
	[dreg:$0xe] =	wrdreg s26;
	s4 =	simm.s32 $0x1800  }
0x21: {  	s5 =	simm.s32 $0x7000;
	s14 =	simm.s32 $0x1;
	s0 =	sshll.u32 s23, $0x7  }
0x22: {  	[dreg:$0xd] =	wrdreg s25;
	s17 =	sor.u32 $0x1800, s0;
	s18 =	sadd.s32 $0x80, s0  }
.LBB2_11:
0x23: {  	s26 =	smov.u32 s18;
	s25 =	smov.u32 s17  }
.LBB2_16:
0x24: {  	p4 =	sge.s32 @p2 s23, s13  }
0x25: {  	[sflag:s24] =	ssyncadd.s32 @p3 $0xFFFFC000;
	p3 =	por p4, !p2  }
0x26: {  	s19 =	simm.s32 @p2 $0x2;
	s0 =	simm.s32 @!p3 $0x80;
	s4 =	simm.s32 @!p3 $0x3000  }
0x27: {  	[tilespmem:s4], [sflag:$0x1] =	stream.indirect.gather @!p3 [hbm4b:s1+s0], $0x80, s26, s0, $0xb8;
	[tilespmem:$0x1F000] =	vst v63  }
0x28: {  	_ =	swait.ge @p2 [sflag:s19], $0x4000  }
0x29: {  	s0 =	simm.s32 @p2 $0x7000;
	p3 =	sge.s32 @!p2 s23, s13;
	[sflag:s19] =	ssyncset.done @p2 $0x0  }
0x2a: {  	s4 =	simm.s32 @p2 $0x80;
	p3 =	por p3, p2;
	[sflag:s19] =	ssyncadd.s32 @p2 $0xFFFFC000  }
0x2b: {  	[spmem:s2] =	stream.indirect.scatter.add.f32 @p2 [tilespmem:s0], [sflag:$0x3], $0x80, s25, s4, $0xb8;
	[tilespmem:$0x1F000] =	vst v63  }
0x2c: {  	s19 =	simm.s32 @!p2 $0x1;
	s0 =	simm.s32 @!p3 $0x80;
	s4 =	simm.s32 @!p3 $0x7000  }
0x2d: {  	[tilespmem:s4], [sflag:$0x2] =	stream.indirect.gather @!p3 [hbm4b:s1+s0], $0x80, s26, s0, $0xb8;
	[tilespmem:$0x1F000] =	vst v63  }
0x2e: {  	_ =	swait.ge @!p2 [sflag:s19], $0x4000  }
0x2f: {  	s21 =	simm.s32 @!p2 $0x3000;
	s4 =	simm.s32 @!p2 $0x4;
	[sflag:s19] =	ssyncset.done @!p2 $0x0  }
0x30: {  	s0 =	simm.s32 @!p2 $0x80;
	s4 =	simm.s32 @p2 $0x3;
	[sflag:s19] =	ssyncadd.s32 @!p2 $0xFFFFC000  }
0x31: {  	[spmem:s2] =	stream.indirect.scatter.add.f32 @!p2 [tilespmem:s21], [sflag:$0x4], $0x80, s25, s0, $0xb8;
	[tilespmem:$0x1F000] =	vst v63  }
0x32: {  	_ =	swait.ge [sflag:s4], $0x4000  }
0x33: {  	[sflag:s4] =	ssyncset.done $0x0  }
0x34: {  	s19 =	simm.s32 $0x80;
	[sflag:s4] =	ssyncadd.s32 $0xFFFFC000;
	s4 =	simm.s32 $0x1800  }
.LBB2_17:
0x35: {  	[bflag:$0x0] =	sbarrier.arrive $0xFFFF  }
0x36: {  	[tilespmem:s30], [sflag:$0x3] =	stream.linear.gather [spmem:s6], $0x4000, $0x38;
	[tilespmem:$0x1F000] =	vst v63  }
0x37: {  	_ =	swait.ge [sflag:s31], $0x4000  }
0x38: {  	[sflag:s31] =	ssyncset.done $0x0  }
0x39: {  	s0 =	rddreg [dreg:$0x5];
	[sflag:s31] =	ssyncadd.s32 $0xFFFFC000  }
0x3a: {  	[hbm4b:s0+s3] =	stream.linear.scatter [tilespmem:s30], [sflag:$0x1], $0x4000, $0x38;
	[tilespmem:$0x1F000] =	vst v63  }
0x3b: {  	_ = 	snop  }
0x3c: {  	[tilespmem:s5], [sflag:$0x3] =	stream.linear.gather [spmem:s7], $0x4000, $0x38;
	[tilespmem:$0x1F000] =	vst v63  }
0x3d: {  	_ =	swait.ge [sflag:s31], $0x4000  }
0x3e: {  	[sflag:s31] =	ssyncset.done $0x0  }
0x3f: {  	s22 =	rddreg [dreg:$0x6];
	[sflag:s31] =	ssyncadd.s32 $0xFFFFC000  }
0x40: {  	[hbm4b:s22+s3] =	stream.linear.scatter [tilespmem:s5], [sflag:$0x2], $0x4000, $0x38;
	[tilespmem:$0x1F000] =	vst v63  }
0x41: {  	_ =	swait.ge [sflag:s14], $0x4000  }
0x42: {  	[sflag:s14] =	ssyncset.done $0x0  }
0x43: {  	[sflag:s14] =	ssyncadd.s32 $0xFFFFC000  }
0x44: {  	[tilespmem:s30], [sflag:$0x3] =	stream.linear.gather [spmem:s8], $0x4000, $0x38;
	[tilespmem:$0x1F000] =	vst v63  }
0x45: {  	_ =	swait.ge [sflag:s31], $0x4000  }
0x46: {  	[sflag:s31] =	ssyncset.done $0x0  }
0x47: {  	s23 =	rddreg [dreg:$0x7];
	[sflag:s31] =	ssyncadd.s32 $0xFFFFC000  }
0x48: {  	[hbm4b:s23+s3] =	stream.linear.scatter [tilespmem:s30], [sflag:$0x1], $0x4000, $0x38;
	[tilespmem:$0x1F000] =	vst v63  }
0x49: {  	_ =	swait.ge [sflag:s15], $0x4000  }
0x4a: {  	[sflag:s15] =	ssyncset.done $0x0  }
0x4b: {  	[sflag:s15] =	ssyncadd.s32 $0xFFFFC000  }
0x4c: {  	[tilespmem:s5], [sflag:$0x3] =	stream.linear.gather [spmem:s9], $0x4000, $0x38;
	[tilespmem:$0x1F000] =	vst v63  }
0x4d: {  	_ =	swait.ge [sflag:s31], $0x4000  }
0x4e: {  	[sflag:s31] =	ssyncset.done $0x0  }
0x4f: {  	s24 =	rddreg [dreg:$0x8];
	[sflag:s31] =	ssyncadd.s32 $0xFFFFC000  }
0x50: {  	[hbm4b:s24+s3] =	stream.linear.scatter [tilespmem:s5], [sflag:$0x2], $0x4000, $0x38;
	[tilespmem:$0x1F000] =	vst v63  }
0x51: {  	_ =	swait.ge [sflag:s14], $0x4000  }
0x52: {  	[sflag:s14] =	ssyncset.done $0x0  }
0x53: {  	[sflag:s14] =	ssyncadd.s32 $0xFFFFC000  }
0x54: {  	[tilespmem:s30], [sflag:$0x3] =	stream.linear.gather [spmem:s10], $0x4000, $0x38;
	[tilespmem:$0x1F000] =	vst v63  }
0x55: {  	_ =	swait.ge [sflag:s31], $0x4000  }
0x56: {  	[sflag:s31] =	ssyncset.done $0x0  }
0x57: {  	s25 =	rddreg [dreg:$0x9];
	[sflag:s31] =	ssyncadd.s32 $0xFFFFC000  }
0x58: {  	[hbm4b:s25+s3] =	stream.linear.scatter [tilespmem:s30], [sflag:$0x1], $0x4000, $0x38;
	[tilespmem:$0x1F000] =	vst v63  }
0x59: {  	_ =	swait.ge [sflag:s15], $0x4000  }
0x5a: {  	[sflag:s15] =	ssyncset.done $0x0  }
0x5b: {  	[sflag:s15] =	ssyncadd.s32 $0xFFFFC000  }
0x5c: {  	_ =	swait.ge [sflag:s14], $0x4000  }
0x5d: {  	s16 =	sadd.s32 $0x1, s16;
	s26 =	rddreg [dreg:$0xe]  }
0x5e: {  	p2 =	sne.s32 s16, s26  }
.Ltmp1:
0x5f: {  	_ = 	snop;
	(pc) =	sbr.rel @!p2 .LBB2_18-.Ltmp1, $3  }
0x60: {  	_ =	sdelay $0x1  }
0x61: {  	[sflag:s14] =	ssyncset.done $0x0  }
0x62: {  	[sflag:s14] =	ssyncadd.s32 $0xFFFFC000  }
.LBB2_1:
0x63: {  	s0 =	rddreg [dreg:$0x4]  }
0x64: {  	[tilespmem:s30], [sflag:$0x3] =	stream.linear.gather [hbm4b:s0+s3], $0x4000, $0x38;
	[tilespmem:$0x1F000] =	vst v63  }
0x65: {  	_ =	swait.ge [sflag:s31], $0x4000  }
0x66: {  	[sflag:s31] =	ssyncset.done $0x0  }
0x67: {  	[sflag:s31] =	ssyncadd.s32 $0xFFFFC000  }
0x68: {  	[spmem:s6] =	stream.linear.scatter [tilespmem:s30], [sflag:$0x3], $0x4000, $0x38;
	[tilespmem:$0x1F000] =	vst v63  }
0x69: {  	_ =	swait.ge [sflag:s31], $0x4000  }
0x6a: {  	[sflag:s31] =	ssyncset.done $0x0  }
0x6b: {  	[sflag:s31] =	ssyncadd.s32 $0xFFFFC000  }
0x6c: {  	[spmem:s7] =	stream.linear.scatter [tilespmem:s30], [sflag:$0x3], $0x4000, $0x38;
	[tilespmem:$0x1F000] =	vst v63  }
0x6d: {  	_ =	swait.ge [sflag:s31], $0x4000  }
0x6e: {  	[sflag:s31] =	ssyncset.done $0x0  }
0x6f: {  	[sflag:s31] =	ssyncadd.s32 $0xFFFFC000  }
0x70: {  	[spmem:s8] =	stream.linear.scatter [tilespmem:s30], [sflag:$0x3], $0x4000, $0x38;
	[tilespmem:$0x1F000] =	vst v63  }
0x71: {  	_ =	swait.ge [sflag:s31], $0x4000  }
0x72: {  	[sflag:s31] =	ssyncset.done $0x0  }
0x73: {  	[sflag:s31] =	ssyncadd.s32 $0xFFFFC000  }
0x74: {  	[spmem:s9] =	stream.linear.scatter [tilespmem:s30], [sflag:$0x3], $0x4000, $0x38;
	[tilespmem:$0x1F000] =	vst v63  }
0x75: {  	_ =	swait.ge [sflag:s31], $0x4000  }
0x76: {  	[sflag:s31] =	ssyncset.done $0x0  }
0x77: {  	[sflag:s31] =	ssyncadd.s32 $0xFFFFC000  }
0x78: {  	[spmem:s10] =	stream.linear.scatter [tilespmem:s30], [sflag:$0x3], $0x4000, $0x38;
	[tilespmem:$0x1F000] =	vst v63  }
0x79: {  	_ =	swait.ge [sflag:s31], $0x4000  }
0x7a: {  	[sflag:s31] =	ssyncset.done $0x0  }
0x7b: {  	[sflag:s31] =	ssyncadd.s32 $0xFFFFC000  }
0x7c: {  	[bflag:$0x0] =	sbarrier.arrive $0xFFFF  }
0x7d: {  	s25 =	rddreg [dreg:$0xc]  }
0x7e: {  	[tilespmem:s3], [sflag:$0x3] =	stream.linear.gather [hbm4b:s25+s3], $0x1800, $0x38;
	[tilespmem:$0x1F000] =	vst v63  }
0x7f: {  	_ =	swait.ge [sflag:s31], $0x1800  }
0x80: {  	[sflag:s31] =	ssyncset.done $0x0;
	s26 =	rddreg [dreg:$0xa]  }
0x81: {  	[sflag:s31] =	ssyncadd.s32 $0xFFFFE800;
	s22 =	sadd.s32 s26, s20  }
0x82: {  	[tilespmem:s4], [sflag:$0x3] =	stream.linear.gather [hbm4b:s22+s3], $0x1800, $0x38;
	[tilespmem:$0x1F000] =	vst v63  }
.Ltmp2:
0x83: {  	_ = 	snop;
	(pc) =	sbr.rel @p0 .LBB2_9-.Ltmp2, $4  }
0x84: {  	_ =	swait.ge [sflag:s31], $0x1800  }
0x85: {  	[sflag:s31] =	ssyncset.done $0x0  }
0x86: {  	[sflag:s31] =	ssyncadd.s32 $0xFFFFE800  }
0x87: {  	[tilespmem:s30], [sflag:$0x1] =	stream.indirect.gather [hbm4b:s1+s19], $0x80, s29, s19, $0xb8;
	[tilespmem:$0x1F000] =	vst v63  }
0x88: {  	s22 =	sadd.s32 $0x1, s11  }
0x89: {  	p4 =	slt.s32 s22, s12  }
.Ltmp3:
0x8a: {  	_ = 	snop;
	(pc) =	sbr.rel @!p4 .LBB2_3-.Ltmp3, $4  }
0x8b: {  	_ = 	snop  }
0x8c: {  	s23 =	sadd.s32 s11, s28  }
0x8d: {  	s23 =	sand.u32 $0x1, s23  }
0x8e: {  	p3 =	por $0x0, $0x0;
	p2 =	seq.s32 s23, $0x1  }
0x8f: {  	p3 =	sge.s32 @p2 s22, s12  }
0x90: {  	p3 =	por p3, !p2  }
0x91: {  	s25 =	simm.s32 @p2 $0x2;
	s23 =	simm.s32 @!p3 $0x80;
	s24 =	simm.s32 @!p3 $0x3000  }
0x92: {  	[tilespmem:s24], [sflag:$0x1] =	stream.indirect.gather @!p3 [hbm4b:s1+s23], $0x80, s18, s23, $0xb8;
	[tilespmem:$0x1F000] =	vst v63  }
0x93: {  	s26 =	simm.s32 @!p2 $0x80;
	_ =	swait.ge @p2 [sflag:s25], $0x4000  }
0x94: {  	s23 =	simm.s32 @p2 $0x7000;
	p3 =	sge.s32 @!p2 s22, s12;
	[sflag:s25] =	ssyncset.done @p2 $0x0  }
0x95: {  	s24 =	simm.s32 @p2 $0x80;
	p3 =	por p3, p2;
	[sflag:s25] =	ssyncadd.s32 @p2 $0xFFFFC000  }
0x96: {  	[spmem:s2] =	stream.indirect.scatter.add.f32 @p2 [tilespmem:s23], [sflag:$0x3], $0x80, s17, s24, $0xb8;
	[tilespmem:$0x1F000] =	vst v63  }
0x97: {  	s0 =	simm.s32 @!p2 $0x3000;
	s23 =	simm.s32 @!p3 $0x80;
	s24 =	simm.s32 @!p3 $0x7000  }
0x98: {  	[tilespmem:s24], [sflag:$0x2] =	stream.indirect.gather @!p3 [hbm4b:s1+s23], $0x80, s18, s23, $0xb8;
	[tilespmem:$0x1F000] =	vst v63  }
0x99: {  	s21 =	sadd.s32 s22, s28;
	s25 =	simm.s32 @!p2 $0x1;
	s23 =	sadd.s32 $0x1, s22  }
0x9a: {  	s24 =	simm.s32 @!p2 $0x4;
	_ =	swait.ge @!p2 [sflag:s25], $0x4000;
	p4 =	slt.s32 s23, s12  }
.Ltmp4:
0x9b: {  	p3 =	por $0x1, $0x1;
	[sflag:s25] =	ssyncset.done @!p2 $0x0;
	(pc) =	sbr.rel @!p4 .LBB2_5-.Ltmp4, $4  }
0x9c: {  	s24 =	simm.s32 @p2 $0x3;
	s22 =	smov.u32 s23;
	[sflag:s25] =	ssyncadd.s32 @!p2 $0xFFFFC000  }
0x9d: {  	[spmem:s2] =	stream.indirect.scatter.add.f32 @!p2 [tilespmem:s0], [sflag:$0x4], $0x80, s17, s26, $0xb8;
	[tilespmem:$0x1F000] =	vst v63  }
0x9e: {  	s25 =	sand.u32 $0x1, s21;
	s26 =	sadd.s32 $0x80, s18;
	_ =	swait.ge [sflag:s24], $0x4000  }
0x9f: {  	p2 =	seq.s32 s25, $0x1;
	s25 =	sadd.s32 $0x80, s17;
	[sflag:s24] =	ssyncset.done $0x0  }
.LBB2_6:
0xa0: {  	p5 =	sge.s32 @p2 s23, s12  }
0xa1: {  	[sflag:s24] =	ssyncadd.s32 $0xFFFFC000;
	s0 =	smov.u32 s22;
	s22 =	sadd.s32 $0x1, s22  }
0xa2: {  	p4 =	slt.s32 s22, s12;
	p5 =	por p5, !p2  }
0xa3: {  	s19 =	simm.s32 @p2 $0x2;
	s24 =	simm.s32 @!p5 $0x80;
	s4 =	simm.s32 @!p5 $0x3000  }
0xa4: {  	[tilespmem:s4], [sflag:$0x1] =	stream.indirect.gather @!p5 [hbm4b:s1+s24], $0x80, s26, s24, $0xb8;
	[tilespmem:$0x1F000] =	vst v63  }
0xa5: {  	s21 =	simm.s32 @!p2 $0x1;
	_ =	swait.ge @p2 [sflag:s19], $0x4000  }
0xa6: {  	s4 =	simm.s32 @p2 $0x7000;
	p5 =	sge.s32 @!p2 s23, s12;
	[sflag:s19] =	ssyncset.done @p2 $0x0  }
0xa7: {  	p5 =	por p5, p2;
	[sflag:s19] =	ssyncadd.s32 @p2 $0xFFFFC000;
	s19 =	simm.s32 @p2 $0x80  }
0xa8: {  	[spmem:s2] =	stream.indirect.scatter.add.f32 @p2 [tilespmem:s4], [sflag:$0x3], $0x80, s25, s19, $0xb8;
	[tilespmem:$0x1F000] =	vst v63  }
0xa9: {  	s23 =	smov.u32 s22;
	s4 =	simm.s32 @!p5 $0x80;
	s19 =	simm.s32 @!p5 $0x7000  }
0xaa: {  	[tilespmem:s19], [sflag:$0x2] =	stream.indirect.gather @!p5 [hbm4b:s1+s4], $0x80, s26, s4, $0xb8;
	[tilespmem:$0x1F000] =	vst v63  }
0xab: {  	s24 =	simm.s32 @!p2 $0x4;
	s4 =	simm.s32 @!p2 $0x80;
	_ =	swait.ge @!p2 [sflag:s21], $0x4000  }
.Ltmp5:
0xac: {  	s19 =	simm.s32 @!p2 $0x3000;
	[sflag:s21] =	ssyncset.done @!p2 $0x0;
	(pc) =	sbr.rel @p4 .LBB2_6-.Ltmp5, $4  }
0xad: {  	s0 =	sadd.s32 s0, s28;
	s24 =	simm.s32 @p2 $0x3;
	[sflag:s21] =	ssyncadd.s32 @!p2 $0xFFFFC000  }
0xae: {  	[spmem:s2] =	stream.indirect.scatter.add.f32 @!p2 [tilespmem:s19], [sflag:$0x4], $0x80, s25, s4, $0xb8;
	[tilespmem:$0x1F000] =	vst v63  }
0xaf: {  	s0 =	sand.u32 $0x1, s0;
	s26 =	sadd.s32 $0x80, s26;
	_ =	swait.ge [sflag:s24], $0x4000  }
0xb0: {  	p2 =	seq.s32 s0, $0x1;
	s25 =	sadd.s32 $0x80, s25;
	[sflag:s24] =	ssyncset.done $0x0  }
0xb1: {  	s22 =	smov.u32 s23  }
.LBB2_8:
0xb2: {  	p4 =	sge.s32 @p2 s22, s12  }
0xb3: {  	[sflag:s24] =	ssyncadd.s32 @p3 $0xFFFFC000;
	p3 =	por p4, !p2  }
0xb4: {  	s19 =	simm.s32 @p2 $0x2;
	s0 =	simm.s32 @!p3 $0x80;
	s4 =	simm.s32 @!p3 $0x3000  }
0xb5: {  	[tilespmem:s4], [sflag:$0x1] =	stream.indirect.gather @!p3 [hbm4b:s1+s0], $0x80, s26, s0, $0xb8;
	[tilespmem:$0x1F000] =	vst v63  }
0xb6: {  	_ =	swait.ge @p2 [sflag:s19], $0x4000  }
0xb7: {  	s0 =	simm.s32 @p2 $0x7000;
	p3 =	sge.s32 @!p2 s22, s12;
	[sflag:s19] =	ssyncset.done @p2 $0x0  }
0xb8: {  	s4 =	simm.s32 @p2 $0x80;
	p3 =	por p3, p2;
	[sflag:s19] =	ssyncadd.s32 @p2 $0xFFFFC000  }
0xb9: {  	[spmem:s2] =	stream.indirect.scatter.add.f32 @p2 [tilespmem:s0], [sflag:$0x3], $0x80, s25, s4, $0xb8;
	[tilespmem:$0x1F000] =	vst v63  }
0xba: {  	s19 =	simm.s32 @!p2 $0x1;
	s0 =	simm.s32 @!p3 $0x80;
	s4 =	simm.s32 @!p3 $0x7000  }
0xbb: {  	[tilespmem:s4], [sflag:$0x2] =	stream.indirect.gather @!p3 [hbm4b:s1+s0], $0x80, s26, s0, $0xb8;
	[tilespmem:$0x1F000] =	vst v63  }
0xbc: {  	_ =	swait.ge @!p2 [sflag:s19], $0x4000  }
0xbd: {  	s21 =	simm.s32 @!p2 $0x3000;
	s4 =	simm.s32 @!p2 $0x4;
	[sflag:s19] =	ssyncset.done @!p2 $0x0  }
0xbe: {  	s0 =	simm.s32 @!p2 $0x80;
	s4 =	simm.s32 @p2 $0x3;
	[sflag:s19] =	ssyncadd.s32 @!p2 $0xFFFFC000  }
0xbf: {  	[spmem:s2] =	stream.indirect.scatter.add.f32 @!p2 [tilespmem:s21], [sflag:$0x4], $0x80, s25, s0, $0xb8;
	[tilespmem:$0x1F000] =	vst v63  }
0xc0: {  	_ =	swait.ge [sflag:s4], $0x4000  }
0xc1: {  	[sflag:s4] =	ssyncset.done $0x0  }
0xc2: {  	s19 =	simm.s32 $0x80;
	[sflag:s4] =	ssyncadd.s32 $0xFFFFC000;
	s4 =	simm.s32 $0x1800  }
.LBB2_9:
0xc3: {  	s0 =	rddreg [dreg:$0xd]  }
0xc4: {  	[tilespmem:s3], [sflag:$0x3] =	stream.linear.gather [hbm4b:s0+s3], $0x1800, $0x38;
	[tilespmem:$0x1F000] =	vst v63  }
0xc5: {  	_ =	swait.ge [sflag:s31], $0x1800  }
0xc6: {  	[sflag:s31] =	ssyncset.done $0x0;
	s26 =	rddreg [dreg:$0xb]  }
0xc7: {  	[sflag:s31] =	ssyncadd.s32 $0xFFFFE800;
	s0 =	sadd.s32 s26, s20  }
0xc8: {  	[tilespmem:s4], [sflag:$0x3] =	stream.linear.gather [hbm4b:s0+s3], $0x1800, $0x38;
	[tilespmem:$0x1F000] =	vst v63  }
.Ltmp6:
0xc9: {  	_ = 	snop;
	(pc) =	sbr.rel @p1 .LBB2_17-.Ltmp6, $4  }
0xca: {  	_ =	swait.ge [sflag:s31], $0x1800  }
0xcb: {  	[sflag:s31] =	ssyncset.done $0x0  }
0xcc: {  	[sflag:s31] =	ssyncadd.s32 $0xFFFFE800  }
0xcd: {  	[tilespmem:s30], [sflag:$0x1] =	stream.indirect.gather [hbm4b:s1+s19], $0x80, s29, s19, $0xb8;
	[tilespmem:$0x1F000] =	vst v63  }
0xce: {  	s23 =	sadd.s32 $0x1, s11  }
0xcf: {  	p4 =	slt.s32 s23, s13  }
.Ltmp7:
0xd0: {  	_ = 	snop;
	(pc) =	sbr.rel @!p4 .LBB2_11-.Ltmp7, $4  }
0xd1: {  	_ = 	snop  }
0xd2: {  	s0 =	sadd.s32 s11, s28  }
0xd3: {  	s0 =	sand.u32 $0x1, s0  }
0xd4: {  	p3 =	por $0x0, $0x0;
	p2 =	seq.s32 s0, $0x1  }
0xd5: {  	p3 =	sge.s32 @p2 s23, s13  }
0xd6: {  	s19 =	simm.s32 @p2 $0x2;
	s22 =	sadd.s32 $0x1, s23;
	p3 =	por p3, !p2  }
0xd7: {  	s24 =	simm.s32 @!p2 $0x4;
	s0 =	simm.s32 @!p3 $0x80;
	s4 =	simm.s32 @!p3 $0x3000  }
0xd8: {  	[tilespmem:s4], [sflag:$0x1] =	stream.indirect.gather @!p3 [hbm4b:s1+s0], $0x80, s18, s0, $0xb8;
	[tilespmem:$0x1F000] =	vst v63  }
0xd9: {  	s21 =	sadd.s32 s23, s28;
	s26 =	sadd.s32 $0x80, s18;
	_ =	swait.ge @p2 [sflag:s19], $0x4000  }
0xda: {  	s0 =	simm.s32 @p2 $0x7000;
	p3 =	sge.s32 @!p2 s23, s13;
	[sflag:s19] =	ssyncset.done @p2 $0x0  }
0xdb: {  	s4 =	simm.s32 @p2 $0x80;
	p3 =	por p3, p2;
	[sflag:s19] =	ssyncadd.s32 @p2 $0xFFFFC000  }
0xdc: {  	[spmem:s2] =	stream.indirect.scatter.add.f32 @p2 [tilespmem:s0], [sflag:$0x3], $0x80, s17, s4, $0xb8;
	[tilespmem:$0x1F000] =	vst v63  }
0xdd: {  	s19 =	simm.s32 @!p2 $0x1;
	s0 =	simm.s32 @!p3 $0x80;
	s4 =	simm.s32 @!p3 $0x7000  }
0xde: {  	[tilespmem:s4], [sflag:$0x2] =	stream.indirect.gather @!p3 [hbm4b:s1+s0], $0x80, s18, s0, $0xb8;
	[tilespmem:$0x1F000] =	vst v63  }
0xdf: {  	p4 =	slt.s32 s22, s13;
	s24 =	simm.s32 @p2 $0x3;
	_ =	swait.ge @!p2 [sflag:s19], $0x4000  }
.Ltmp8:
0xe0: {  	s25 =	sand.u32 $0x1, s21;
	[sflag:s19] =	ssyncset.done @!p2 $0x0;
	(pc) =	sbr.rel @!p4 .LBB2_13-.Ltmp8, $4  }
0xe1: {  	s0 =	simm.s32 @!p2 $0x80;
	s4 =	simm.s32 @!p2 $0x3000;
	[sflag:s19] =	ssyncadd.s32 @!p2 $0xFFFFC000  }
0xe2: {  	[spmem:s2] =	stream.indirect.scatter.add.f32 @!p2 [tilespmem:s4], [sflag:$0x4], $0x80, s17, s0, $0xb8;
	[tilespmem:$0x1F000] =	vst v63  }
0xe3: {  	s23 =	smov.u32 s22;
	p3 =	por $0x1, $0x1;
	_ =	swait.ge [sflag:s24], $0x4000  }
0xe4: {  	p2 =	seq.s32 s25, $0x1;
	s25 =	sadd.s32 $0x80, s17;
	[sflag:s24] =	ssyncset.done $0x0  }
.LBB2_14:
0xe5: {  	p5 =	sge.s32 @p2 s22, s13  }
0xe6: {  	[sflag:s24] =	ssyncadd.s32 $0xFFFFC000;
	s0 =	smov.u32 s23;
	s23 =	sadd.s32 $0x1, s23  }
0xe7: {  	p4 =	slt.s32 s23, s13;
	p5 =	por p5, !p2  }
0xe8: {  	s21 =	simm.s32 @p2 $0x2;
	s4 =	simm.s32 @!p5 $0x80;
	s19 =	simm.s32 @!p5 $0x3000  }
0xe9: {  	[tilespmem:s19], [sflag:$0x1] =	stream.indirect.gather @!p5 [hbm4b:s1+s4], $0x80, s26, s4, $0xb8;
	[tilespmem:$0x1F000] =	vst v63  }
0xea: {  	s24 =	simm.s32 @!p2 $0x4;
	_ =	swait.ge @p2 [sflag:s21], $0x4000  }
0xeb: {  	s4 =	simm.s32 @p2 $0x7000;
	p5 =	sge.s32 @!p2 s22, s13;
	[sflag:s21] =	ssyncset.done @p2 $0x0  }
0xec: {  	s19 =	simm.s32 @p2 $0x80;
	p5 =	por p5, p2;
	[sflag:s21] =	ssyncadd.s32 @p2 $0xFFFFC000  }
0xed: {  	[spmem:s2] =	stream.indirect.scatter.add.f32 @p2 [tilespmem:s4], [sflag:$0x3], $0x80, s25, s19, $0xb8;
	[tilespmem:$0x1F000] =	vst v63  }
0xee: {  	s21 =	simm.s32 @!p2 $0x1;
	s4 =	simm.s32 @!p5 $0x80;
	s19 =	simm.s32 @!p5 $0x7000  }
0xef: {  	[tilespmem:s19], [sflag:$0x2] =	stream.indirect.gather @!p5 [hbm4b:s1+s4], $0x80, s26, s4, $0xb8;
	[tilespmem:$0x1F000] =	vst v63  }
0xf0: {  	s22 =	smov.u32 s23;
	s4 =	simm.s32 @!p2 $0x80;
	_ =	swait.ge @!p2 [sflag:s21], $0x4000  }
.Ltmp9:
0xf1: {  	s19 =	simm.s32 @!p2 $0x3000;
	[sflag:s21] =	ssyncset.done @!p2 $0x0;
	(pc) =	sbr.rel @p4 .LBB2_14-.Ltmp9, $4  }
0xf2: {  	s0 =	sadd.s32 s0, s28;
	s24 =	simm.s32 @p2 $0x3;
	[sflag:s21] =	ssyncadd.s32 @!p2 $0xFFFFC000  }
0xf3: {  	[spmem:s2] =	stream.indirect.scatter.add.f32 @!p2 [tilespmem:s19], [sflag:$0x4], $0x80, s25, s4, $0xb8;
	[tilespmem:$0x1F000] =	vst v63  }
0xf4: {  	s0 =	sand.u32 $0x1, s0;
	s26 =	sadd.s32 $0x80, s26;
	_ =	swait.ge [sflag:s24], $0x4000  }
0xf5: {  	p2 =	seq.s32 s0, $0x1;
	s25 =	sadd.s32 $0x80, s25;
	[sflag:s24] =	ssyncset.done $0x0  }
.Ltmp10:
0xf6: {  	(pc) =	sbr.rel .LBB2_16-.Ltmp10, $2  }
0xf7: {  	_ =	sdelay $0x2  }
0xf8: {  	s23 =	smov.u32 s22  }
.LBB2_3:
.Ltmp11:
0xf9: {  	(pc) =	sbr.rel .LBB2_8-.Ltmp11, $2  }
0xfa: {  	_ =	sdelay $0x2  }
0xfb: {  	s26 =	smov.u32 s18;
	s25 =	smov.u32 s17  }
.LBB2_5:
.Ltmp12:
0xfc: {  	(pc) =	sbr.rel .LBB2_8-.Ltmp12, $2  }
0xfd: {  	_ =	sdelay $0x2  }
0xfe: {  	s22 =	smov.u32 s23  }
.LBB2_13:
.Ltmp13:
0xff: {  	(pc) =	sbr.rel .LBB2_16-.Ltmp13, $2  }
0x100: {  	_ =	sdelay $0x2  }
0x101: {  	s23 =	smov.u32 s22  }
.LBB2_18:
0x102: {  	_ =	sfence.sel $0x180000  }
0x103: {  	[bflag:$0x0] =	sbarrier.arrive $0xFFFF  }
0x104: {  	_ =	strace $0x9000004A  }
0x105: {  	s0 =	stileid.u32;
	[bflag:$0x2] =	sbarrier.arrive $0xFFFF  }
0x106: {  	p0 =	sne.s32 s0, $0x0;
	s0 =	rddreg [dreg:$0x3]  }
0x107: {  	s0 =	sadd.s32 @!p0 $0x100000, s0  }
0x108: {  	[sflag:s0] =	ssyncadd.tile.s32 @!p0 $0x1;
	_ =	shalt  }
.Lfunc_end2:
_tile_overlayer_lowered:
.L_overlay_start_2:
0x109: {  	(tag) =	ssettag $0x2  }
0x10a: {  	s0 =	rddreg [dreg:$0x0];
	s2 =	stileid.u32  }
0x10b: {  	s1 =	rddreg [dreg:$0x1];
	p0 =	sne.s32 s2, $0x0  }
0x10c: {  	s3 =	rddreg [dreg:$0x2];
	[bflag:$0x3] =	sbarrier.arrive $0xFFFF;
	s2 =	simm.s32 @!p0 $0x1C03  }
0x10d: {  	[timem:s3], [sflag:s2] =	dma.local @!p0 [hbm:s0], s1  }
0x10e: {  	s0 =	simm.s32 @!p0 $0x3  }
0x10f: {  	_ =	swait.ge @!p0 [sflag:s0], s1  }
0x110: {  	s1 =	ssub.s32 @!p0 $0x0, s1;
	[sflag:s0] =	ssyncset.done @!p0 $0x0  }
0x111: {  	[sflag:s0] =	ssyncadd.s32 @!p0 s1  }
0x112: {  	[bflag:$0x3] =	sbarrier.arrive $0xFFFF  }
0x113: {  	_ =	shalt  }

// kernel: kernel.7.cloned.1.call-start
scs
__scs_entry_jumppad:
0x0: {  	(pc) =	sbr.rel $0x88, $3  }
0x1: {  	(tag) =	ssettag $0x0;
	lr =	simm.s32 $0x1  }
0x2: {  	[smem:$0x3F9A] =	sst lr;
	_ =	strace $0xD0000000  }
0x3: {  	_ = 	snop  }
0x4: {  	_ = 	snop  }
0x5: {  	_ = 	snop  }
0x6: {  	_ = 	snop  }
0x7: {  	_ = 	snop  }
__scs_overlays_trampoline_lowered:
0x8: {  	[smem:$0x3FA9] =	sst s0  }
0x9: {  	[smem:$0x3FAA] =	sst s1  }
0xa: {  	[smem:$0x3FAB] =	sst s2  }
0xb: {  	[smem:$0x3FAC] =	sst s3  }
0xc: {  	[smem:$0x3FAD] =	sst s4  }
0xd: {  	[smem:$0x3FAE] =	sst s5  }
0xe: {  	[smem:$0x3FAF] =	sst s6  }
0xf: {  	[smem:$0x3FB0] =	sst s7  }
0x10: {  	[smem:$0x3FB1] =	sst s8  }
0x11: {  	[smem:$0x3FB2] =	sst s9;
	s0 =	simm.s32 @!p0 $0x0  }
0x12: {  	s1 =	sld [smem:$0x3F98];
	s0 =	simm.s32 @p0 $0x1  }
0x13: {  	[smem:$0x3FB3] =	sst s0;
	s0 =	simm.s32 @!p1 $0x0  }
0x14: {  	s2 =	sld [smem:$0x3F97];
	s0 =	simm.s32 @p1 $0x1  }
0x15: {  	[smem:$0x3FB4] =	sst s0;
	s0 =	simm.s32 @!p2 $0x0  }
0x16: {  	s3 =	sld [smem:$0x3FDB];
	s0 =	simm.s32 @p2 $0x1  }
0x17: {  	s4 =	simm.s32 $0x1BF5;
	[smem:$0x3FB6] =	sst s0  }
0x18: {  	s0 =	sld [smem:$0x3F99];
	_ =	swait.ge [sflag:s4], $0x0  }
0x19: {  	s7 =	sld [smem:$0x3F9A]  }
0x1a: {  	s8 =	sadd.s32 $0xFFFFE003, lr  }
0x1b: {  	s9 =	sadd.s32 $0xFFFFFEF7, lr;
	s5 =	simm.s32 $0xFFFFFFFF;
	p2 =	slt.u32 s8, $0xFFFFF086  }
0x1c: {  	p1 =	slt.u32 s9, $0xF7A;
	s5 =	simm.s32 @!p2 $0x0  }
0x1d: {  	s5 =	simm.s32 @p1 $0x1;
	p0 =	seq.s32 s7, s2  }
0x1e: {  	s7 =	smul.u32 @!p0 $0xF7A, s2;
	p2 =	seq.s32 @!p0 s5, $0x0  }
0x1f: {  	s9 =	smul.u32 $0xF7A, s1;
	s8 =	simm.s32 @!p0 $0x1BF5;
	p2 =	por !p2, p0  }
0x20: {  	[sflag:s8] =	ssyncset.s32 @!p0 $0xFFFFF086;
	s6 =	sadd.s32 @!p0 s3, s7;
	s7 =	simm.s32 @!p0 $0x108  }
0x21: {  	s3 =	sadd.s32 s3, s9;
	s6 =	sadd.s32 @!p0 $0x88, s6;
	s7 =	simm.s32 @p2 $0x1082  }
0x22: {  	[simem:s7], [sflag:s8] =	dma.local @!p0 [hbm:s6], $0xF7A  }
0x23: {  	s9 =	sor.u32 $0xD0000000, s2;
	s6 =	simm.s32 $0x108;
	_ =	swait.ge @!p0 [sflag:s8], $0x0  }
0x24: {  	s3 =	sadd.s32 $0x88, s3;
	s6 =	simm.s32 @!p1 $0x1082;
	[sflag:s4] =	ssyncset.s32 $0xFFFFF086  }
0x25: {  	[simem:s6], [sflag:s4] =	dma.local [hbm:s3], $0xF7A  }
0x26: {  	[smem:$0x3F9A] =	sst s1;
	(tag) =	ssettag s2;
	_ =	strace s9  }
0x27: {  	s1 =	sld [smem:$0x3FAA]  }
0x28: {  	s2 =	sld [smem:$0x3FAB]  }
0x29: {  	s4 =	sld [smem:$0x3FAD]  }
0x2a: {  	p0 =	seq.s32 s5, $0x0;
	s5 =	sld [smem:$0x3FAE]  }
0x2b: {  	s6 =	sld [smem:$0x3FAF]  }
0x2c: {  	s7 =	sld [smem:$0x3FB0]  }
0x2d: {  	s3 =	simm.s32 $0x108;
	s8 =	sld [smem:$0x3FB1]  }
0x2e: {  	s3 =	simm.s32 @!p0 $0x1082;
	s9 =	sld [smem:$0x3FB2]  }
0x2f: {  	lr =	sadd.s32 s0, s3;
	s0 =	sld [smem:$0x3FA9]  }
0x30: {  	s3 =	sld [smem:$0x3FAC]  }
0x31: {  	[smem:$0x3FB5] =	sst s10  }
0x32: {  	s10 =	sld [smem:$0x3FB3];
	_ =	sdelay $0x3  }
0x33: {  	p0 =	seq.s32 s10, $0x1;
	s10 =	sld [smem:$0x3FB5];
	_ =	sdelay $0x3  }
0x34: {  	[smem:$0x3FB5] =	sst s10  }
0x35: {  	s10 =	sld [smem:$0x3FB4];
	_ =	sdelay $0x3  }
0x36: {  	p1 =	seq.s32 s10, $0x1;
	s10 =	sld [smem:$0x3FB5];
	_ =	sdelay $0x3  }
0x37: {  	[smem:$0x3FB5] =	sst s10  }
0x38: {  	s10 =	sld [smem:$0x3FB6]  }
0x39: {  	_ = 	snop;
	(pc) =	sbr.ind lr, $3  }
0x3a: {  	_ = 	snop  }
0x3b: {  	_ = 	snop  }
0x3c: {  	p2 =	seq.s32 s10, $0x1;
	s10 =	sld [smem:$0x3FB5]  }
0x3d: {  	_ =	shalt  }
0x3e: {  	_ =	shalt  }
0x3f: {  	_ =	shalt  }
0x40: {  	_ =	shalt  }
0x41: {  	_ =	shalt  }
0x42: {  	_ =	shalt  }
0x43: {  	_ =	shalt  }
0x44: {  	_ =	shalt  }
0x45: {  	_ =	shalt  }
0x46: {  	_ =	shalt  }
0x47: {  	_ =	shalt  }
0x48: {  	_ =	shalt  }
0x49: {  	_ =	shalt  }
0x4a: {  	_ =	shalt  }
0x4b: {  	_ =	shalt  }
0x4c: {  	_ =	shalt  }
0x4d: {  	_ =	shalt  }
0x4e: {  	_ =	shalt  }
0x4f: {  	_ =	shalt  }
0x50: {  	_ =	shalt  }
0x51: {  	_ =	shalt  }
0x52: {  	_ =	shalt  }
0x53: {  	_ =	shalt  }
0x54: {  	_ =	shalt  }
0x55: {  	_ =	shalt  }
0x56: {  	_ =	shalt  }
0x57: {  	_ =	shalt  }
0x58: {  	_ =	shalt  }
0x59: {  	_ =	shalt  }
0x5a: {  	_ =	shalt  }
0x5b: {  	_ =	shalt  }
0x5c: {  	_ =	shalt  }
0x5d: {  	_ =	shalt  }
0x5e: {  	_ =	shalt  }
0x5f: {  	_ =	shalt  }
0x60: {  	_ =	shalt  }
0x61: {  	_ =	shalt  }
0x62: {  	_ =	shalt  }
0x63: {  	_ =	shalt  }
0x64: {  	_ =	shalt  }
0x65: {  	_ =	shalt  }
0x66: {  	_ =	shalt  }
0x67: {  	_ =	shalt  }
0x68: {  	_ =	shalt  }
0x69: {  	_ =	shalt  }
0x6a: {  	_ =	shalt  }
0x6b: {  	_ =	shalt  }
0x6c: {  	_ =	shalt  }
0x6d: {  	_ =	shalt  }
0x6e: {  	_ =	shalt  }
0x6f: {  	_ =	shalt  }
0x70: {  	_ =	shalt  }
0x71: {  	_ =	shalt  }
0x72: {  	_ =	shalt  }
0x73: {  	_ =	shalt  }
0x74: {  	_ =	shalt  }
0x75: {  	_ =	shalt  }
0x76: {  	_ =	shalt  }
0x77: {  	_ =	shalt  }
0x78: {  	_ =	shalt  }
0x79: {  	_ =	shalt  }
0x7a: {  	_ =	shalt  }
0x7b: {  	_ =	shalt  }
0x7c: {  	_ =	shalt  }
0x7d: {  	_ =	shalt  }
0x7e: {  	_ =	shalt  }
0x7f: {  	_ =	shalt  }
0x80: {  	_ =	shalt  }
0x81: {  	_ =	shalt  }
0x82: {  	_ =	shalt  }
0x83: {  	_ =	shalt  }
0x84: {  	_ =	shalt  }
0x85: {  	_ =	shalt  }
0x86: {  	_ =	shalt  }
0x87: {  	_ =	shalt  }
.Lfunc_end0:
.L_simem_size_0:
called_computation_lowered:
.L_overlay_start_0:
0x88: {  	s2 =	sld [smem:$0x3FD9]  }
0x89: {  	s3 =	sld [smem:$0x3FFE];
	_ =	sdelay $0x1  }
0x8a: {  	s1 =	srdreg.scid  }
0x8b: {  	s0 =	sand.u32 $0x1, s1  }
0x8c: {  	s17 =	sshll.u32 s0, $0xA;
	s2 =	sadd.s32 s3, s2  }
0x8d: {  	s2 =	sadd.s32 s2, s17  }
0x8e: {  	[smem:$0x3FC1] =	sst s2  }
0x8f: {  	_ = 	snop  }
0x90: {  	s2 =	sld [smem:$0x3FD0];
	(tm) =	ssettm $0x1  }
0x91: {  	s18 =	sld [smem:$0x3FFB];
	_ =	sdelay $0x3  }
0x92: {  	_ =	strace s18  }
0x93: {  	s3 =	sld [smem:$0x3FFC];
	_ =	sdelay $0x3  }
0x94: {  	_ =	strace s3  }
0x95: {  	s3 =	sld [smem:$0x3FFD];
	_ =	sdelay $0x3  }
0x96: {  	_ =	strace s3  }
0x97: {  	_ =	strace $0x8FFFFFFF  }
0x98: {  	s19 =	sld [smem:$0x3FDB];
	_ =	sdelay $0x1  }
0x99: {  	s4 =	simm.s32 $_scs_section_size  }
0x9a: {  	s5 =	simm.s32 $_size__tile_overlayer_lowered;
	s6 =	simm.s32 $_tile_overlayer_lowered  }
0x9b: {  	s22 =	simm.s32 $0x1BFF;
	s21 =	sshll.u32 s6, $0x1;
	s3 =	sadd.s32 s4, s19  }
0x9c: {  	s7 =	simm.s32 $0x0;
	s20 =	sshll.u32 s5, $0x1;
	s5 =	sadd.s32 s21, s3  }
0x9d: {  	[timem:s7], [sflag:s22] =	dma.local [hbm:s5], s20  }
0x9e: {  	_ =	swait.ge [sflag:s22], s20  }
0x9f: {  	s4 =	ssub.s32 $0x0, s20;
	[sflag:s22] =	ssyncset.done $0x0  }
0xa0: {  	[sflag:s22] =	ssyncadd.s32 s4;
	_ =	sdelay $0x1  }
0xa1: {  	s23 =	simm.s32 $0x1B8B  }
0xa2: {  	_ =	swait.ge [sflag:s23], $0x1  }
0xa3: {  	[sflag:s23] =	ssyncset.done $0x0  }
0xa4: {  	s25 =	simm.s32 $0x1B8E;
	s24 =	sld [smem:$0x3FFE];
	[sflag:s23] =	ssyncadd.s32 $0xFFFFFFFF  }
0xa5: {  	s26 =	simm.s32 $execute0_lowered;
	[smem:$0x3FD2] =	sst s25  }
0xa6: {  	s5 =	sshll.u32 s26, $0x1;
	_ =	strace $0x80000046;
	[dreg:$0x1] =	wrdreg $0xFFFFFFFF  }
0xa7: {  	s28 =	simm.s32 $_size_execute0_lowered;
	s3 =	sadd.s32 s3, s5;
	[dreg:$0x0] =	wrdreg $0x0  }
0xa8: {  	s5 =	sshll.u32 s28, $0x1;
	[dreg:$0x2] =	wrdreg s3  }
0xa9: {  	[dreg:$0x3] =	wrdreg s5  }
0xaa: {  	[dreg:$0x4] =	wrdreg $0xC0  }
0xab: {  	_ =	task [dreg:s7], $0x5FFFF  }
0xac: {  	[dreg:$0x1] =	wrdreg $0xFFFFFFFF  }
0xad: {  	[dreg:$0x0] =	wrdreg $0x60  }
0xae: {  	[dreg:$0x2] =	wrdreg s24  }
0xaf: {  	[dreg:$0x3] =	wrdreg s2  }
0xb0: {  	[dreg:$0x4] =	wrdreg $0x2F000  }
0xb1: {  	[dreg:$0x5] =	wrdreg $0x9  }
0xb2: {  	_ =	task.clear_ibuf [dreg:s7], $0x6FFFF;
	_ =	strace $0x90000046  }
0xb3: {  	s29 =	simm.s32 $0x9;
	_ =	strace $0x80000048  }
0xb4: {  	_ =	swait.ge [sflag:s29], $0x1  }
0xb5: {  	[sflag:s29] =	ssyncadd.s32 $0xFFFFFFFF  }
0xb6: {  	_ =	strace $0x90000048  }
0xb7: {  	_ =	sfence  }
0xb8: {  	s30 =	sld [smem:$0x0];
	_ =	sdelay $0x2  }
0xb9: {  	s31 =	sshll.u32 s1, $0xD;
	s1 =	sshrl.u32 s1, $0x2  }
0xba: {  	s3 =	sand.u32 $0x4000, s31;
	s1 =	sadd.s32 s1, s30  }
0xbb: {  	s0 =	sor.u32 s3, s0;
	s1 =	sshll.u32 s1, $0x11  }
0xbc: {  	s0 =	sor.u32 s1, s0  }
0xbd: {  	s0 =	sadd.s32 $0x8F2B, s0  }
0xbe: {  	[sflag:s0] =	ssyncadd.remote.s32 $0x1  }
0xbf: {  	_ =	sfence.sel $0xFFFF  }
0xc0: {  	[dreg:$0x0] =	wrdreg $0xFFFFFFFF;
	(pc) =	sbr.abs _section_cstart, $3  }
0xc1: {  	[dreg:$0x1] =	wrdreg $0xFFFFFFFF  }
0xc2: {  	_ =	task.clear_ibuf [dreg:s7], $0x2FFFF;
	_ =	strace $0x9FFFFFFF  }
0xc3: {  	(tm) =	ssettm $0x7FFFFFFF  }
tec
execute0_lowered:
.L_overlay_start_1:
0x0: {  	(tag) =	ssettag $0x1  }
0x1: {  	s6 =	rddreg [dreg:$0x0]  }
0x2: {  	s7 =	rddreg [dreg:$0x1]  }
0x3: {  	s1 =	rddreg [dreg:$0x2];
	s2 =	srdreg.scid  }
0x4: {  	s0 =	rddreg [dreg:$0x3];
	s3 =	simm.s32 $0x0;
	s14 =	simm.s32 $0x1  }
0x5: {  	s17 =	simm.s32 $0x0;
	s4 =	sand.u32 $0x1, s2;
	[smem:$0x7FF] =	sst s3  }
0x6: {  	s2 =	stileid.u32;
	s30 =	sadd.s32 $0xBE80, s6;
	s8 =	sshll.u32 s4, $0x4  }
0x7: {  	_ =	strace $0x80000047;
	s5 =	ssub.s32 $0x2, s4;
	s12 =	smul.u32 $0xA00, s2  }
0x8: {  	s4 =	simm.s32 $0x4E;
	s29 =	sshll.u32 s2, $0x1;
	s16 =	smul.u32 $0xA0, s2  }
0x9: {  	s9 =	sor.u32 s2, s8;
	s10 =	sshrl.u32 s5, $0x1;
	s15 =	sadd.s32 s7, s8  }
0xa: {  	p0 =	slt.u32 s9, $0x4;
	s11 =	smul.u32 $0x4E, s9;
	s9 =	smin.u32 s9, $0x4  }
0xb: {  	s10 =	ssub.s32 s5, s10;
	s28 =	sshrl.u32 s12, $0x2;
	s12 =	simm.s32 $0x80  }
0xc: {  	s15 =	sadd.s32 s16, s15;
	s16 =	simm.s32 $0x100;
	s4 =	simm.s32 @!p0 $0x4D  }
0xd: {  	s5 =	sadd.s32 s28, s1;
	s7 =	smax.u32 s10, $0x1;
	s11 =	sadd.s32 s9, s11  }
0xe: {  	s9 =	ssub.s32 s9, s29;
	s13 =	sand.u32 $0x7, s11;
	s11 =	sshll.u32 s11, $0x4  }
0xf: {  	s10 =	simm.s32 $0x2;
	s9 =	sand.u32 $0x7, s9;
	s11 =	sand.u32 $0x1FF80, s11  }
0x10: {  	s6 =	sshll.u32 s13, $0x7;
	s31 =	sshll.u32 s9, $0x7;
	s9 =	simm.s32 $0x2C80  }
0x11: {  	v0 =	vimm.f32 $1.000000000e+00;
	v1 =	vimm.f32 $0.0e+00;
	s13 =	simm.s32 $0x2C00;
	s8 =	sadd.s32 $0x80, s31;
	s11 =	sadd.s32 s11, s30  }
.LBB2_1:
0x12: {  	[tilespmem:$0x2C00] =	vst v0  }
0x13: {  	[tilespmem:$0x2C10] =	vst v0  }
0x14: {  	[tilespmem:$0x2C20] =	vst v0  }
0x15: {  	[tilespmem:$0x2C30] =	vst v0  }
0x16: {  	[tilespmem:$0x2C40] =	vst v0  }
0x17: {  	[tilespmem:$0x2C50] =	vst v0  }
0x18: {  	[tilespmem:$0x2C60] =	vst v0  }
0x19: {  	[tilespmem:$0x2C70] =	vst v0  }
0x1a: {  	[tilespmem:$0x2C80] =	vst v1  }
0x1b: {  	[tilespmem:$0x2C90] =	vst v1  }
0x1c: {  	[tilespmem:$0x2CA0] =	vst v1  }
0x1d: {  	[tilespmem:$0x2CB0] =	vst v1  }
0x1e: {  	[tilespmem:$0x2CC0] =	vst v1  }
0x1f: {  	[tilespmem:$0x2CD0] =	vst v1  }
0x20: {  	[tilespmem:$0x2CE0] =	vst v1  }
0x21: {  	[tilespmem:$0x2CF0] =	vst v1  }
0x22: {  	[tilespmem:$0x2D00] =	vst v1  }
0x23: {  	[tilespmem:$0x2D10] =	vst v1  }
0x24: {  	[tilespmem:$0x2D20] =	vst v1  }
0x25: {  	[tilespmem:$0x2D30] =	vst v1  }
0x26: {  	[tilespmem:$0x2D40] =	vst v1  }
0x27: {  	[tilespmem:$0x2D50] =	vst v1  }
0x28: {  	[tilespmem:$0x2D60] =	vst v1  }
0x29: {  	[tilespmem:$0x2D70] =	vst v1  }
0x2a: {  	[tilespmem:$0x2D80] =	vst v1  }
0x2b: {  	[tilespmem:$0x2D90] =	vst v1  }
0x2c: {  	[tilespmem:$0x2DA0] =	vst v1  }
0x2d: {  	[tilespmem:$0x2DB0] =	vst v1  }
0x2e: {  	[tilespmem:$0x2DC0] =	vst v1  }
0x2f: {  	[tilespmem:$0x2DD0] =	vst v1  }
0x30: {  	[tilespmem:$0x2DE0] =	vst v1  }
0x31: {  	[tilespmem:$0x2DF0] =	vst v1  }
0x32: {  	[tilespmem:$0x2E00] =	vst v1  }
0x33: {  	[tilespmem:$0x2E10] =	vst v1  }
0x34: {  	[tilespmem:$0x2E20] =	vst v1  }
0x35: {  	[tilespmem:$0x2E30] =	vst v1  }
0x36: {  	[tilespmem:$0x2E40] =	vst v1  }
0x37: {  	[tilespmem:$0x2E50] =	vst v1  }
0x38: {  	[tilespmem:$0x2E60] =	vst v1  }
0x39: {  	[tilespmem:$0x2E70] =	vst v1  }
0x3a: {  	[tilespmem:$0x2E80] =	vst v1  }
0x3b: {  	[tilespmem:$0x2E90] =	vst v1  }
0x3c: {  	[tilespmem:$0x2EA0] =	vst v1  }
0x3d: {  	[tilespmem:$0x2EB0] =	vst v1  }
0x3e: {  	[tilespmem:$0x2EC0] =	vst v1  }
0x3f: {  	[tilespmem:$0x2ED0] =	vst v1  }
0x40: {  	[tilespmem:$0x2EE0] =	vst v1  }
0x41: {  	[tilespmem:$0x2EF0] =	vst v1  }
0x42: {  	[spmem:s5] =	stream.linear.scatter [tilespmem:s9], [sflag:$0x2], $0x280, $0x38;
	[tilespmem:$0x3180] =	vst v63  }
0x43: {  	_ =	swait.ge [sflag:s10], $0x280  }
0x44: {  	[sflag:s10] =	ssyncset.done $0x0  }
0x45: {  	[sflag:s10] =	ssyncadd.s32 $0xFFFFFD80  }
0x46: {  	[tilespmem:s3], [sflag:$0x2] =	stream.linear.gather [hbm4b:s11+s3], $0x2C00, $0x38;
	[tilespmem:$0x3180] =	vst v63  }
0x47: {  	_ =	swait.ge [sflag:s10], $0x2C00  }
0x48: {  	[sflag:s10] =	ssyncset.done $0x0  }
0x49: {  	[sflag:s10] =	ssyncadd.s32 $0xFFFFD400  }
0x4a: {  	p0 =	sne.s32 s4, $0x1;
	[bflag:$0x0] =	sbarrier.arrive $0xFFFF  }
0x4b: {  	[spmem:s1] =	stream.indirect.scatter.add.f32 [tilespmem:s13], [sflag:$0x1], $0x1, s6, s12, $0xb8;
	[tilespmem:$0x3180] =	vst v63  }
.Ltmp0:
0x4c: {  	_ = 	snop;
	(pc) =	sbr.rel @!p0 .LBB2_3-.Ltmp0, $4  }
0x4d: {  	_ = 	snop  }
0x4e: {  	[spmem:s1] =	stream.indirect.scatter.add.f32 [tilespmem:s13], [sflag:$0x1], $0x1, s8, s12, $0xb8;
	[tilespmem:$0x3180] =	vst v63  }
0x4f: {  	_ =	swait.ge [sflag:s14], $0x80  }
0x50: {  	s18 =	sadd.s32 $0xFFFFFFFF, s4;
	s19 =	smov.u32 s8;
	[sflag:s14] =	ssyncset.done $0x0  }
.LBB2_2:
0x51: {  	p0 =	sne.s32 s18, $0x1;
	[sflag:s14] =	ssyncadd.s32 $0xFFFFFF80;
	s19 =	sadd.s32 $0x80, s19  }
.Ltmp1:
0x52: {  	s18 =	sadd.s32 $0xFFFFFFFF, s18;
	(pc) =	sbr.rel @p0 .LBB2_2-.Ltmp1, $4  }
0x53: {  	_ = 	snop  }
0x54: {  	[spmem:s1] =	stream.indirect.scatter.add.f32 [tilespmem:s13], [sflag:$0x1], $0x1, s19, s12, $0xb8;
	[tilespmem:$0x3180] =	vst v63  }
0x55: {  	_ =	swait.ge [sflag:s14], $0x80  }
0x56: {  	[sflag:s14] =	ssyncset.done $0x0  }
.LBB2_3:
0x57: {  	[sflag:s14] =	ssyncadd.s32 $0xFFFFFF80  }
0x58: {  	_ =	swait.ge [sflag:s14], $0x80  }
0x59: {  	[sflag:s14] =	ssyncset.done $0x0  }
0x5a: {  	[sflag:s14] =	ssyncadd.s32 $0xFFFFFF80  }
0x5b: {  	[bflag:$0x0] =	sbarrier.arrive $0xFFFF  }
0x5c: {  	[tilespmem:s9], [sflag:$0x2] =	stream.linear.gather [spmem:s5], $0x280, $0x38;
	[tilespmem:$0x3180] =	vst v63  }
0x5d: {  	s17 =	sadd.s32 $0x1, s17;
	_ =	swait.ge [sflag:s10], $0x280  }
0x5e: {  	p0 =	sne.s32 s17, s7;
	[sflag:s10] =	ssyncset.done $0x0  }
.Ltmp2:
0x5f: {  	[sflag:s10] =	ssyncadd.s32 $0xFFFFFD80;
	(pc) =	sbr.rel @p0 .LBB2_1-.Ltmp2, $4  }
0x60: {  	[hbm4b:s15+s12] =	stream.strided.scatter [tilespmem:s9], [sflag:$0x2], $0x280, s16, s12, $0x38;
	[tilespmem:$0x3180] =	vst v63  }
0x61: {  	_ =	swait.ge [sflag:s10], $0x280  }
0x62: {  	[sflag:s10] =	ssyncset.done $0x0  }
0x63: {  	[sflag:s10] =	ssyncadd.s32 $0xFFFFFD80  }
0x64: {  	_ =	sfence.sel $0x180000  }
0x65: {  	[bflag:$0x0] =	sbarrier.arrive $0xFFFF  }
0x66: {  	p0 =	sne.s32 s2, $0x0;
	_ =	strace $0x90000047  }
0x67: {  	s0 =	sadd.s32 @!p0 $0x100000, s0;
	[bflag:$0x2] =	sbarrier.arrive $0xFFFF  }
0x68: {  	[sflag:s0] =	ssyncadd.tile.s32 @!p0 $0x1;
	_ =	shalt  }
.Lfunc_end2:
_tile_overlayer_lowered:
.L_overlay_start_2:
0x69: {  	(tag) =	ssettag $0x2  }
0x6a: {  	s0 =	rddreg [dreg:$0x0];
	s2 =	stileid.u32  }
0x6b: {  	s1 =	rddreg [dreg:$0x1];
	p0 =	sne.s32 s2, $0x0  }
0x6c: {  	s3 =	rddreg [dreg:$0x2];
	[bflag:$0x3] =	sbarrier.arrive $0xFFFF;
	s2 =	simm.s32 @!p0 $0x1C02  }
0x6d: {  	[timem:s3], [sflag:s2] =	dma.local @!p0 [hbm:s0], s1  }
0x6e: {  	s0 =	simm.s32 @!p0 $0x2  }
0x6f: {  	_ =	swait.ge @!p0 [sflag:s0], s1  }
0x70: {  	s1 =	ssub.s32 @!p0 $0x0, s1;
	[sflag:s0] =	ssyncset.done @!p0 $0x0  }
0x71: {  	[sflag:s0] =	ssyncadd.s32 @!p0 s1  }
0x72: {  	[bflag:$0x3] =	sbarrier.arrive $0xFFFF  }
0x73: {  	_ =	shalt  }

</sc_bundles>
